<compile_context>
chip_gen: v7x
topology: tpu7x:2x2x1
jax: 0.10.2.dev20260603
libtpu: 0.0.44.dev20260713+nightly
codegen_flags: <defaults>
</compile_context>

<pallas_src>
import functools

import jax
import jax.numpy as jnp
from jax import lax
from jax.experimental import pallas as pl
from jax.experimental.pallas import tpu as pltpu
from jax.experimental.pallas import tpu_sc as plsc

N = 10000
E = 320000
FIN = 512
FM = 256
H = 128
G = 64
NCLS = 10

NSUB = 16
NCORE = 2
NW = NSUB * NCORE

CHUNK = 128
NPH = 2
NCH = 80
CPP = NCH // NPH
NBUF = 2
E_PAD = NW * NCH * CHUNK
N_PAD = 10112
RPT = N_PAD // NSUB


def _seg_sum_sc():
    mesh = plsc.VectorSubcoreMesh(core_axis_name="c", subcore_axis_name="s")

    @functools.partial(
        pl.kernel,
        out_type=(
            jax.ShapeDtypeStruct((N_PAD, H), jnp.float32),
            jax.ShapeDtypeStruct((N_PAD, H), jnp.float32),
        ),
        mesh=mesh,
        scratch_types=[
            pltpu.VMEM_SHARED((N_PAD, H), jnp.float32),
            pltpu.VMEM((CPP, CHUNK), jnp.int32),
            pltpu.VMEM((CPP, CHUNK), jnp.int32),
            pltpu.VMEM((NBUF, CHUNK, H), jnp.float32),
            [pltpu.SemaphoreType.DMA] * NBUF,
        ],
    )
    def seg_sum(h_hbm, srcm_hbm, dstm_hbm, zeros_hbm, out0, out1,
                agg, src_idx, dst_idx, rows, gsems):
        c = lax.axis_index("c")
        s = lax.axis_index("s")
        wid = c * NSUB + s
        pltpu.sync_copy(zeros_hbm.at[pl.ds(s * RPT, RPT)],
                        agg.at[pl.ds(s * RPT, RPT)])
        plsc.subcore_barrier()

        def gstart(j, b):
            pltpu.make_async_copy(
                h_hbm.at[src_idx.at[j]], rows.at[b], gsems[b]).start()

        def gwait(j, b):
            pltpu.make_async_copy(
                h_hbm.at[src_idx.at[j]], rows.at[b], gsems[b]).wait()

        for ph in range(NPH):
            base = wid * NCH + ph * CPP
            pltpu.sync_copy(srcm_hbm.at[pl.ds(base, CPP)], src_idx)
            pltpu.sync_copy(dstm_hbm.at[pl.ds(base, CPP)], dst_idx)
            gstart(0, 0)
            gstart(1, 1)

            def body(i, carry):
                for b in range(NBUF):
                    j = i * NBUF + b
                    gwait(j, b)
                    pltpu.sync_copy(rows.at[b], agg.at[dst_idx.at[j]],
                                    add=True)

                    @pl.when(j + 2 < CPP)
                    def _():
                        gstart(j + 2, b)
                return carry

            lax.fori_loop(0, CPP // NBUF, body, 0)
        plsc.subcore_barrier()

        @pl.when(c == 0)
        def _():
            pltpu.sync_copy(agg.at[pl.ds(s * RPT, RPT)],
                            out0.at[pl.ds(s * RPT, RPT)])

        @pl.when(c == 1)
        def _():
            pltpu.sync_copy(agg.at[pl.ds(s * RPT, RPT)],
                            out1.at[pl.ds(s * RPT, RPT)])

    return seg_sum


_SEG_SUM = _seg_sum_sc()


def _mlp0(x, w0, b0, w1, b1):
    br = 5000
    grid = N // br

    def body(x_ref, w0_ref, b0_ref, w1_ref, b1_ref, o_ref):
        t = jnp.dot(x_ref[...], w0_ref[...],
                    preferred_element_type=jnp.float32) + b0_ref[...]
        t = jnp.maximum(t, 0.0)
        o_ref[...] = jnp.dot(t, w1_ref[...],
                             preferred_element_type=jnp.float32) + b1_ref[...]

    return pl.pallas_call(
        body,
        grid=(grid,),
        in_specs=[
            pl.BlockSpec((br, FIN), lambda i: (i, 0)),
            pl.BlockSpec((FIN, FM), lambda i: (0, 0)),
            pl.BlockSpec((1, FM), lambda i: (0, 0)),
            pl.BlockSpec((FM, H), lambda i: (0, 0)),
            pl.BlockSpec((1, H), lambda i: (0, 0)),
        ],
        out_specs=pl.BlockSpec((br, H), lambda i: (i, 0)),
        out_shape=jax.ShapeDtypeStruct((N, H), jnp.float32),
    )(x, w0, b0.reshape(1, -1), w1, b1.reshape(1, -1))


def _conv_mlp(h, p0, p1, epsv, w1, b1, w2, b2, scale, shift):
    br = 5000
    grid = N // br

    def body(h_ref, p0_ref, p1_ref, e_ref, w1_ref, b1_ref, w2_ref, b2_ref,
             sc_ref, sh_ref, o_ref):
        hin = h_ref[...] * e_ref[0, 0] + p0_ref[...] + p1_ref[...]
        t = jnp.dot(hin, w1_ref[...],
                    preferred_element_type=jnp.float32) + b1_ref[...]
        t = jnp.maximum(t, 0.0)
        t = jnp.dot(t, w2_ref[...],
                    preferred_element_type=jnp.float32) + b2_ref[...]
        t = jnp.maximum(t, 0.0)
        o_ref[...] = t * sc_ref[...] + sh_ref[...]

    return pl.pallas_call(
        body,
        grid=(grid,),
        in_specs=[
            pl.BlockSpec((br, H), lambda i: (i, 0)),
            pl.BlockSpec((br, H), lambda i: (i, 0)),
            pl.BlockSpec((br, H), lambda i: (i, 0)),
            pl.BlockSpec((1, 1), lambda i: (0, 0)),
            pl.BlockSpec((H, H), lambda i: (0, 0)),
            pl.BlockSpec((1, H), lambda i: (0, 0)),
            pl.BlockSpec((H, H), lambda i: (0, 0)),
            pl.BlockSpec((1, H), lambda i: (0, 0)),
            pl.BlockSpec((1, H), lambda i: (0, 0)),
            pl.BlockSpec((1, H), lambda i: (0, 0)),
        ],
        out_specs=pl.BlockSpec((br, H), lambda i: (i, 0)),
        out_shape=jax.ShapeDtypeStruct((N, H), jnp.float32),
    )(h, p0, p1, epsv, w1, b1.reshape(1, -1), w2, b2.reshape(1, -1),
      scale, shift)


def _conv_mlp_head(h, p0, p1, epsv, w1, b1, w2, b2, scale, shift,
                   batch2d, l1w, l1b, l2w, l2b):
    br = 5000
    grid = N // br

    def body(h_ref, p0_ref, p1_ref, e_ref, w1_ref, b1_ref, w2_ref, b2_ref,
             sc_ref, sh_ref, b_ref, l1w_ref, l1b_ref, l2w_ref, l2b_ref,
             o_ref, o2_ref, sums, cnts):
        i = pl.program_id(0)

        @pl.when(i == 0)
        def _():
            sums[...] = jnp.zeros_like(sums)
            cnts[...] = jnp.zeros_like(cnts)

        hin = h_ref[...] * e_ref[0, 0] + p0_ref[...] + p1_ref[...]
        t = jnp.dot(hin, w1_ref[...],
                    preferred_element_type=jnp.float32) + b1_ref[...]
        t = jnp.maximum(t, 0.0)
        t = jnp.dot(t, w2_ref[...],
                    preferred_element_type=jnp.float32) + b2_ref[...]
        t = jnp.maximum(t, 0.0)
        t = t * sc_ref[...] + sh_ref[...]
        o_ref[...] = t

        onehot = (b_ref[...] == lax.broadcasted_iota(
            jnp.int32, (1, G), 1)).astype(jnp.float32)
        sums[...] += lax.dot_general(
            onehot, t, (((0,), (0,)), ((), ())),
            preferred_element_type=jnp.float32)
        ones = jnp.ones((br, 1), jnp.float32)
        cnts[...] += lax.dot_general(
            onehot, ones, (((0,), (0,)), ((), ())),
            preferred_element_type=jnp.float32)

        @pl.when(i == grid - 1)
        def _():
            pooled = sums[...] / jnp.maximum(cnts[...], 1.0)
            q = jnp.dot(pooled, l1w_ref[...],
                        preferred_element_type=jnp.float32) + l1b_ref[...]
            q = jnp.maximum(q, 0.0)
            logits = jnp.dot(q, l2w_ref[...],
                             preferred_element_type=jnp.float32) + l2b_ref[...]
            m = jnp.max(logits, axis=-1, keepdims=True)
            ex = jnp.exp(logits - m)
            lse = jnp.log(jnp.sum(ex, axis=-1, keepdims=True)) + m
            o2_ref[...] = logits - lse

    return pl.pallas_call(
        body,
        grid=(grid,),
        in_specs=[
            pl.BlockSpec((br, H), lambda i: (i, 0)),
            pl.BlockSpec((br, H), lambda i: (i, 0)),
            pl.BlockSpec((br, H), lambda i: (i, 0)),
            pl.BlockSpec((1, 1), lambda i: (0, 0)),
            pl.BlockSpec((H, H), lambda i: (0, 0)),
            pl.BlockSpec((1, H), lambda i: (0, 0)),
            pl.BlockSpec((H, H), lambda i: (0, 0)),
            pl.BlockSpec((1, H), lambda i: (0, 0)),
            pl.BlockSpec((1, H), lambda i: (0, 0)),
            pl.BlockSpec((1, H), lambda i: (0, 0)),
            pl.BlockSpec((br, 1), lambda i: (i, 0)),
            pl.BlockSpec((H, H), lambda i: (0, 0)),
            pl.BlockSpec((1, H), lambda i: (0, 0)),
            pl.BlockSpec((H, NCLS), lambda i: (0, 0)),
            pl.BlockSpec((1, NCLS), lambda i: (0, 0)),
        ],
        out_specs=(
            pl.BlockSpec((br, H), lambda i: (i, 0)),
            pl.BlockSpec((G, NCLS), lambda i: (0, 0)),
        ),
        out_shape=(
            jax.ShapeDtypeStruct((N, H), jnp.float32),
            jax.ShapeDtypeStruct((G, NCLS), jnp.float32),
        ),
        scratch_shapes=[
            pltpu.VMEM((G, H), jnp.float32),
            pltpu.VMEM((G, 1), jnp.float32),
        ],
    )(h, p0, p1, epsv, w1, b1.reshape(1, -1), w2, b2.reshape(1, -1),
      scale, shift, batch2d, l1w, l1b.reshape(1, -1), l2w, l2b.reshape(1, -1))


def kernel(x, edge_index, batch, params):
    p = params
    src = edge_index[0]
    dst = edge_index[1]

    npad = E_PAD - E
    ar = jnp.arange(npad, dtype=jnp.int32)
    pad_src = (ar * 97) % N
    pad_dst = N + ar % (N_PAD - N)
    srcm = jnp.concatenate([src, pad_src]).reshape(-1, CHUNK)
    dstm = jnp.concatenate([dst, pad_dst]).reshape(-1, CHUNK)
    zeros = jnp.zeros((N_PAD, H), jnp.float32)

    h = _mlp0(x, p["fn_w0"], p["fn_b0"], p["fn_w1"], p["fn_b1"])

    for i in range(3):
        p0, p1 = _SEG_SUM(h, srcm, dstm, zeros)
        epsv = (1.0 + p[f"eps{i}"]).reshape(1, 1)
        scale = (p[f"c{i}_g"] / jnp.sqrt(p[f"c{i}_rv"] + 1e-5)).reshape(1, -1)
        shift = p[f"c{i}_be"].reshape(1, -1) - p[f"c{i}_rm"].reshape(1, -1) * scale
        if i < 2:
            h = _conv_mlp(h, p0, p1, epsv,
                          p[f"c{i}_w1"], p[f"c{i}_b1"],
                          p[f"c{i}_w2"], p[f"c{i}_b2"], scale, shift)
        else:
            h, logits = _conv_mlp_head(
                h, p0, p1, epsv,
                p[f"c{i}_w1"], p[f"c{i}_b1"],
                p[f"c{i}_w2"], p[f"c{i}_b2"], scale, shift,
                batch.reshape(-1, 1),
                p["lin1_w"], p["lin1_b"], p["lin2_w"], p["lin2_b"])

    return h, logits

# --- scband reference (transcript-rebuilt; emitter-appended) ---
"""Pipeline reference for scband-gin-65901978189902 (READ-ONLY COPY).

The authoritative reference and input builder live on the scoring server;
editing this copy changes nothing except your own understanding.
"""

import jax, jax.numpy as jnp
import numpy as np

N = 10000
E = 320000
MAX_NODES = 512
FD = 128
H = 128
NC = 10
G = 64

def _lin(k, fin, fout):
    kw, kb = jax.random.split(k)
    w = jax.random.normal(kw, (fin, fout), dtype=jnp.float32) * (1.0 / np.sqrt(fin))
    b = jnp.zeros((fout,), dtype=jnp.float32)
    return w, b

def setup_inputs(seed: int = 0):
    key = jax.random.key(seed)
    ks = jax.random.split(key, 16)
    inp = {}
    inp["x"] = jax.random.normal(ks[0], (N, MAX_NODES), dtype=jnp.float32)
    inp["edge_index"] = jax.random.randint(ks[1], (2, E), 0, N, dtype=jnp.int32)
    inp["batch"] = jnp.sort(jax.random.randint(ks[2], (N,), 0, G, dtype=jnp.int32))
    params = {}
    params["fn_w0"], params["fn_b0"] = _lin(ks[3], MAX_NODES, 2 * FD)
    params["fn_w1"], params["fn_b1"] = _lin(ks[4], 2 * FD, FD)
    dims = [FD, H, H]
    for i in range(3):
        params[f"eps{i}"] = jnp.array(0.0, dtype=jnp.float32)
        params[f"c{i}_w1"], params[f"c{i}_b1"] = _lin(ks[5 + 2 * i], dims[i], H)
        params[f"c{i}_w2"], params[f"c{i}_b2"] = _lin(ks[6 + 2 * i], H, H)
        params[f"c{i}_g"] = jnp.ones((H,), dtype=jnp.float32)
        params[f"c{i}_be"] = jnp.zeros((H,), dtype=jnp.float32)
        params[f"c{i}_rm"] = jnp.zeros((H,), dtype=jnp.float32)
        params[f"c{i}_rv"] = jnp.ones((H,), dtype=jnp.float32)
    params["lin1_w"], params["lin1_b"] = _lin(ks[11], H, H)
    params["lin2_w"], params["lin2_b"] = _lin(ks[12], H, NC)
    inp["params"] = params
    return inp

def _gin_conv(x, src, dst, eps, w1, b1, w2, b2, g, be, rm, rv):
    agg = jax.ops.segment_sum(x[src], dst, num_segments=N)
    h = (1.0 + eps) * x + agg
    h = jnp.maximum(h @ w1 + b1, 0.0)
    h = jnp.maximum(h @ w2 + b2, 0.0)
    h = (h - rm) / jnp.sqrt(rv + 1e-5) * g + be
    return h

def _forward(x, params, src, dst, batch):
    p = params
    h = jnp.maximum(x @ p["fn_w0"] + p["fn_b0"], 0.0)
    h = h @ p["fn_w1"] + p["fn_b1"]
    for i in range(3):
        h = _gin_conv(h, src, dst, p[f"eps{i}"], p[f"c{i}_w1"], p[f"c{i}_b1"], p[f"c{i}_w2"], p[f"c{i}_b2"], p[f"c{i}_g"], p[f"c{i}_be"], p[f"c{i}_rm"], p[f"c{i}_rv"])
    node_embs = h
    sums = jax.ops.segment_sum(h, batch, num_segments=G)
    counts = jax.ops.segment_sum(jnp.ones((N,), jnp.float32), batch, num_segments=G)
    pooled = sums / jnp.maximum(counts, 1.0)[:, None]
    q = jnp.maximum(pooled @ p["lin1_w"] + p["lin1_b"], 0.0)
    # dropout p=0.5 is identity in eval mode
    logits = q @ p["lin2_w"] + p["lin2_b"]
    return (node_embs, jax.nn.log_softmax(logits, axis=-1))

def reference(x, edge_index, batch, params):
    src = edge_index[0]
    dst = edge_index[1]
    return _forward(x, params, src, dst, batch)

if __name__ == "__main__":
    import jax
    _d = setup_inputs()
    print(jax.jit(kernel)(*tuple(_d.values())))

</pallas_src>

<mosaic_0001>
#map = affine_map<(d0, d1) -> (0, 0)>
module attributes {stable_mosaic.version = 14 : i64} {
  func.func @seg_sum(%arg0: i32, %arg1: i32, %arg2: memref<10000x128xf32, #tpu.memory_space<hbm>>, %arg3: memref<2560x128xi32, #tpu.memory_space<hbm>>, %arg4: memref<2560x128xi32, #tpu.memory_space<hbm>>, %arg5: memref<10112x128xf32, #tpu.memory_space<hbm>>, %arg6: memref<10112x128xf32, #tpu.memory_space<hbm>>, %arg7: memref<10112x128xf32, #tpu.memory_space<hbm>>, %arg8: memref<10112x128xf32, #tpu.memory_space<vmem_shared>>, %arg9: memref<40x128xi32, #tpu.memory_space<vmem>>, %arg10: memref<40x128xi32, #tpu.memory_space<vmem>>, %arg11: memref<2x128x128xf32, #tpu.memory_space<vmem>>, %arg12: memref<!tpu.dma_semaphore, #tpu.memory_space<semaphore_mem>>, %arg13: memref<!tpu.dma_semaphore, #tpu.memory_space<semaphore_mem>>) attributes {dimension_semantics = [#tpu.dimension_semantics<core_parallel>, #tpu.dimension_semantics<subcore_parallel>], iteration_bounds = array<i64: 2, 16>, scalar_prefetch = 0 : i64, scratch_operands = 6 : i64, tpu.core_type = #tpu.core_type<sc_vector_subcore>, window_params = [{transform_indices = #map}, {transform_indices = #map}, {transform_indices = #map}, {transform_indices = #map}, {transform_indices = #map}, {transform_indices = #map}]} {
    %mul3A = arith.constant 16 : i32
    %mul3A_0 = arith.muli %arg0, %mul3A : i32
    %add3A = arith.addi %mul3A_0, %arg1 : i32
    %mul3A_1 = arith.constant 632 : i32
    %mul3A_2 = arith.muli %arg1, %mul3A_1 : i32
    %mul3A_3 = arith.constant 632 : i32
    %mul3A_4 = arith.muli %arg1, %mul3A_3 : i32
    "tpu.region"() ({
      %run_scoped3A = tpu.sem_alloc : memref<!tpu.dma_semaphore, #tpu.memory_space<semaphore_mem>>
      %dma_start3A_79 = arith.constant 0 : i32
      %dma_start3A_80 = tpu.memref_slice %arg8[%mul3A_4, %dma_start3A_79] : memref<10112x128xf32, #tpu.memory_space<vmem_shared>> -> memref<632x128xf32, #tpu.memory_space<vmem_shared>>
      %dma_start3A_81 = arith.constant 0 : i32
      %dma_start3A_82 = tpu.memref_slice %arg5[%mul3A_2, %dma_start3A_81] : memref<10112x128xf32, #tpu.memory_space<hbm>> -> memref<632x128xf32, #tpu.memory_space<hbm>>
      tpu.enqueue_dma source(%dma_start3A_82 : memref<632x128xf32, #tpu.memory_space<hbm>>) target(%dma_start3A_80 : memref<632x128xf32, #tpu.memory_space<vmem_shared>>) target_semaphore(%run_scoped3A : memref<!tpu.dma_semaphore, #tpu.memory_space<semaphore_mem>>)
      %dma_wait3A = arith.constant 0 : i32
      %dma_wait3A_83 = tpu.memref_slice %arg8[%mul3A_4, %dma_wait3A] : memref<10112x128xf32, #tpu.memory_space<vmem_shared>> -> memref<632x128xf32, #tpu.memory_space<vmem_shared>>
      %dma_wait3A_84 = arith.constant 0 : i32
      %dma_wait3A_85 = tpu.memref_slice %arg5[%mul3A_2, %dma_wait3A_84] : memref<10112x128xf32, #tpu.memory_space<hbm>> -> memref<632x128xf32, #tpu.memory_space<hbm>>
      tpu.wait_dma2 semaphore(%run_scoped3A : memref<!tpu.dma_semaphore, #tpu.memory_space<semaphore_mem>>) src(%dma_wait3A_85 : memref<632x128xf32, #tpu.memory_space<hbm>>) dst(%dma_wait3A_83 : memref<632x128xf32, #tpu.memory_space<vmem_shared>>)
      tpu.yield
    }) : () -> ()
    %barrier3A = arith.constant 0 : index
    tpu.barrier barrier_id(%barrier3A)
    %mul3A_5 = arith.constant 80 : i32
    %mul3A_6 = arith.muli %add3A, %mul3A_5 : i32
    %add3A_7 = arith.constant 0 : i32
    %add3A_8 = arith.addi %mul3A_6, %add3A_7 : i32
    "tpu.region"() ({
      %run_scoped3A = tpu.sem_alloc : memref<!tpu.dma_semaphore, #tpu.memory_space<semaphore_mem>>
      %dma_start3A_79 = arith.constant 0 : i32
      %dma_start3A_80 = tpu.memref_slice %arg3[%add3A_8, %dma_start3A_79] : memref<2560x128xi32, #tpu.memory_space<hbm>> -> memref<40x128xi32, #tpu.memory_space<hbm>>
      %dma_start3A_81 = arith.constant 0 : i32
      %dma_start3A_82 = tpu.memref_slice %arg3[%add3A_8, %dma_start3A_81] : memref<2560x128xi32, #tpu.memory_space<hbm>> -> memref<40x128xi32, #tpu.memory_space<hbm>>
      tpu.enqueue_dma source(%dma_start3A_82 : memref<40x128xi32, #tpu.memory_space<hbm>>) target(%arg9 : memref<40x128xi32, #tpu.memory_space<vmem>>) target_semaphore(%run_scoped3A : memref<!tpu.dma_semaphore, #tpu.memory_space<semaphore_mem>>)
      %dma_wait3A = arith.constant 0 : i32
      %dma_wait3A_83 = tpu.memref_slice %arg3[%add3A_8, %dma_wait3A] : memref<2560x128xi32, #tpu.memory_space<hbm>> -> memref<40x128xi32, #tpu.memory_space<hbm>>
      %dma_wait3A_84 = arith.constant 0 : i32
      %dma_wait3A_85 = tpu.memref_slice %arg3[%add3A_8, %dma_wait3A_84] : memref<2560x128xi32, #tpu.memory_space<hbm>> -> memref<40x128xi32, #tpu.memory_space<hbm>>
      tpu.wait_dma2 semaphore(%run_scoped3A : memref<!tpu.dma_semaphore, #tpu.memory_space<semaphore_mem>>) src(%dma_wait3A_85 : memref<40x128xi32, #tpu.memory_space<hbm>>) dst(%arg9 : memref<40x128xi32, #tpu.memory_space<vmem>>)
      tpu.yield
    }) : () -> ()
    "tpu.region"() ({
      %run_scoped3A = tpu.sem_alloc : memref<!tpu.dma_semaphore, #tpu.memory_space<semaphore_mem>>
      %dma_start3A_79 = arith.constant 0 : i32
      %dma_start3A_80 = tpu.memref_slice %arg4[%add3A_8, %dma_start3A_79] : memref<2560x128xi32, #tpu.memory_space<hbm>> -> memref<40x128xi32, #tpu.memory_space<hbm>>
      %dma_start3A_81 = arith.constant 0 : i32
      %dma_start3A_82 = tpu.memref_slice %arg4[%add3A_8, %dma_start3A_81] : memref<2560x128xi32, #tpu.memory_space<hbm>> -> memref<40x128xi32, #tpu.memory_space<hbm>>
      tpu.enqueue_dma source(%dma_start3A_82 : memref<40x128xi32, #tpu.memory_space<hbm>>) target(%arg10 : memref<40x128xi32, #tpu.memory_space<vmem>>) target_semaphore(%run_scoped3A : memref<!tpu.dma_semaphore, #tpu.memory_space<semaphore_mem>>)
      %dma_wait3A = arith.constant 0 : i32
      %dma_wait3A_83 = tpu.memref_slice %arg4[%add3A_8, %dma_wait3A] : memref<2560x128xi32, #tpu.memory_space<hbm>> -> memref<40x128xi32, #tpu.memory_space<hbm>>
      %dma_wait3A_84 = arith.constant 0 : i32
      %dma_wait3A_85 = tpu.memref_slice %arg4[%add3A_8, %dma_wait3A_84] : memref<2560x128xi32, #tpu.memory_space<hbm>> -> memref<40x128xi32, #tpu.memory_space<hbm>>
      tpu.wait_dma2 semaphore(%run_scoped3A : memref<!tpu.dma_semaphore, #tpu.memory_space<semaphore_mem>>) src(%dma_wait3A_85 : memref<40x128xi32, #tpu.memory_space<hbm>>) dst(%arg10 : memref<40x128xi32, #tpu.memory_space<vmem>>)
      tpu.yield
    }) : () -> ()
    %dma_start3A = arith.constant 0 : i32
    %dma_start3A_9 = arith.constant 0 : i32
    %dma_start3A_10 = arith.constant 0 : i32
    %dma_start3A_11 = arith.constant 0 : i32
    %dma_start3A_12 = tpu.memref_slice %arg11[%dma_start3A_9, %dma_start3A_10, %dma_start3A_11] : memref<2x128x128xf32, #tpu.memory_space<vmem>> -> memref<1x128x128xf32, #tpu.memory_space<vmem>>
    %dma_start3A_13 = tpu.memref_squeeze %dma_start3A_12 : memref<1x128x128xf32, #tpu.memory_space<vmem>> -> memref<128x128xf32, #tpu.memory_space<vmem>>
    %dma_start3A_14 = arith.constant 0 : i32
    %dma_start3A_15 = tpu.memref_slice %arg9[%dma_start3A, %dma_start3A_14] : memref<40x128xi32, #tpu.memory_space<vmem>> -> memref<1x128xi32, #tpu.memory_space<vmem>>
    %dma_start3A_16 = tpu.memref_squeeze %dma_start3A_15 : memref<1x128xi32, #tpu.memory_space<vmem>> -> memref<128xi32, #tpu.memory_space<vmem>>
    %dma_start3A_17 = arith.constant 0 : i32
    %dma_start3A_18 = arith.constant 0 : i32
    %dma_start3A_19 = tpu.memref_slice %arg2[%dma_start3A_17, %dma_start3A_18] : memref<10000x128xf32, #tpu.memory_space<hbm>> -> memref<10000x128xf32, #tpu.memory_space<hbm>>
    tpu.enqueue_indirect_dma source(%dma_start3A_19 : memref<10000x128xf32, #tpu.memory_space<hbm>>) target(%dma_start3A_13 : memref<128x128xf32, #tpu.memory_space<vmem>>) offsets(%dma_start3A_16 : memref<128xi32, #tpu.memory_space<vmem>>) semaphore(%arg12 : memref<!tpu.dma_semaphore, #tpu.memory_space<semaphore_mem>>)
    %dma_start3A_20 = arith.constant 1 : i32
    %dma_start3A_21 = arith.constant 1 : i32
    %dma_start3A_22 = arith.constant 0 : i32
    %dma_start3A_23 = arith.constant 0 : i32
    %dma_start3A_24 = tpu.memref_slice %arg11[%dma_start3A_21, %dma_start3A_22, %dma_start3A_23] : memref<2x128x128xf32, #tpu.memory_space<vmem>> -> memref<1x128x128xf32, #tpu.memory_space<vmem>>
    %dma_start3A_25 = tpu.memref_squeeze %dma_start3A_24 : memref<1x128x128xf32, #tpu.memory_space<vmem>> -> memref<128x128xf32, #tpu.memory_space<vmem>>
    %dma_start3A_26 = arith.constant 0 : i32
    %dma_start3A_27 = tpu.memref_slice %arg9[%dma_start3A_20, %dma_start3A_26] : memref<40x128xi32, #tpu.memory_space<vmem>> -> memref<1x128xi32, #tpu.memory_space<vmem>>
    %dma_start3A_28 = tpu.memref_squeeze %dma_start3A_27 : memref<1x128xi32, #tpu.memory_space<vmem>> -> memref<128xi32, #tpu.memory_space<vmem>>
    %dma_start3A_29 = arith.constant 0 : i32
    %dma_start3A_30 = arith.constant 0 : i32
    %dma_start3A_31 = tpu.memref_slice %arg2[%dma_start3A_29, %dma_start3A_30] : memref<10000x128xf32, #tpu.memory_space<hbm>> -> memref<10000x128xf32, #tpu.memory_space<hbm>>
    tpu.enqueue_indirect_dma source(%dma_start3A_31 : memref<10000x128xf32, #tpu.memory_space<hbm>>) target(%dma_start3A_25 : memref<128x128xf32, #tpu.memory_space<vmem>>) offsets(%dma_start3A_28 : memref<128xi32, #tpu.memory_space<vmem>>) semaphore(%arg13 : memref<!tpu.dma_semaphore, #tpu.memory_space<semaphore_mem>>)
    %scan3A = arith.constant 0 : i32
    %scan3A_32 = arith.constant 0 : i32
    %scan3A_33 = arith.constant 20 : i32
    %scan3A_34 = arith.addi %scan3A_32, %scan3A_33 : i32
    %scan3A_35 = arith.constant 1 : i32
    scf.for %scan3A_79 = %scan3A_32 to %scan3A_34 step %scan3A_35  : i32 {
      %mul3A_80 = arith.constant 2 : i32
      %mul3A_81 = arith.muli %scan3A_79, %mul3A_80 : i32
      %add3A_82 = arith.constant 0 : i32
      %add3A_83 = arith.addi %mul3A_81, %add3A_82 : i32
      %dma_wait3A = arith.constant 0 : i32
      %dma_wait3A_84 = arith.constant 0 : i32
      %dma_wait3A_85 = arith.constant 0 : i32
      %dma_wait3A_86 = tpu.memref_slice %arg11[%dma_wait3A, %dma_wait3A_84, %dma_wait3A_85] : memref<2x128x128xf32, #tpu.memory_space<vmem>> -> memref<1x128x128xf32, #tpu.memory_space<vmem>>
      %dma_wait3A_87 = tpu.memref_squeeze %dma_wait3A_86 : memref<1x128x128xf32, #tpu.memory_space<vmem>> -> memref<128x128xf32, #tpu.memory_space<vmem>>
      %dma_wait3A_88 = arith.constant 0 : i32
      %dma_wait3A_89 = tpu.memref_slice %arg9[%add3A_83, %dma_wait3A_88] : memref<40x128xi32, #tpu.memory_space<vmem>> -> memref<1x128xi32, #tpu.memory_space<vmem>>
      %dma_wait3A_90 = tpu.memref_squeeze %dma_wait3A_89 : memref<1x128xi32, #tpu.memory_space<vmem>> -> memref<128xi32, #tpu.memory_space<vmem>>
      %dma_wait3A_91 = arith.constant 0 : i32
      %dma_wait3A_92 = arith.constant 0 : i32
      %dma_wait3A_93 = tpu.memref_slice %arg2[%dma_wait3A_91, %dma_wait3A_92] : memref<10000x128xf32, #tpu.memory_space<hbm>> -> memref<10000x128xf32, #tpu.memory_space<hbm>>
      tpu.wait_indirect_dma semaphore(%arg12 : memref<!tpu.dma_semaphore, #tpu.memory_space<semaphore_mem>>) src(%dma_wait3A_93 : memref<10000x128xf32, #tpu.memory_space<hbm>>) dst(%dma_wait3A_87 : memref<128x128xf32, #tpu.memory_space<vmem>>)
      %run_scoped3A = arith.constant 0 : i32
      "tpu.region"() ({
        %run_scoped3A_123 = tpu.sem_alloc : memref<!tpu.dma_semaphore, #tpu.memory_space<semaphore_mem>>
        %dma_start3A_124 = arith.constant 0 : i32
        %dma_start3A_125 = arith.constant 0 : i32
        %dma_start3A_126 = tpu.memref_slice %arg11[%run_scoped3A, %dma_start3A_124, %dma_start3A_125] : memref<2x128x128xf32, #tpu.memory_space<vmem>> -> memref<1x128x128xf32, #tpu.memory_space<vmem>>
        %dma_start3A_127 = tpu.memref_squeeze %dma_start3A_126 : memref<1x128x128xf32, #tpu.memory_space<vmem>> -> memref<128x128xf32, #tpu.memory_space<vmem>>
        %dma_start3A_128 = arith.constant 0 : i32
        %dma_start3A_129 = tpu.memref_slice %arg10[%add3A_83, %dma_start3A_128] : memref<40x128xi32, #tpu.memory_space<vmem>> -> memref<1x128xi32, #tpu.memory_space<vmem>>
        %dma_start3A_130 = tpu.memref_squeeze %dma_start3A_129 : memref<1x128xi32, #tpu.memory_space<vmem>> -> memref<128xi32, #tpu.memory_space<vmem>>
        %dma_start3A_131 = arith.constant 0 : i32
        %dma_start3A_132 = arith.constant 0 : i32
        %dma_start3A_133 = tpu.memref_slice %arg8[%dma_start3A_131, %dma_start3A_132] : memref<10112x128xf32, #tpu.memory_space<vmem_shared>> -> memref<10112x128xf32, #tpu.memory_space<vmem_shared>>
        tpu.enqueue_indirect_dma source(%dma_start3A_127 : memref<128x128xf32, #tpu.memory_space<vmem>>) target(%dma_start3A_133 : memref<10112x128xf32, #tpu.memory_space<vmem_shared>>) offsets(%dma_start3A_130 : memref<128xi32, #tpu.memory_space<vmem>>) semaphore(%run_scoped3A_123 : memref<!tpu.dma_semaphore, #tpu.memory_space<semaphore_mem>>) {add = true}
        %dma_wait3A_134 = arith.constant 0 : i32
        %dma_wait3A_135 = arith.constant 0 : i32
        %dma_wait3A_136 = tpu.memref_slice %arg11[%run_scoped3A, %dma_wait3A_134, %dma_wait3A_135] : memref<2x128x128xf32, #tpu.memory_space<vmem>> -> memref<1x128x128xf32, #tpu.memory_space<vmem>>
        %dma_wait3A_137 = tpu.memref_squeeze %dma_wait3A_136 : memref<1x128x128xf32, #tpu.memory_space<vmem>> -> memref<128x128xf32, #tpu.memory_space<vmem>>
        %dma_wait3A_138 = arith.constant 0 : i32
        %dma_wait3A_139 = tpu.memref_slice %arg10[%add3A_83, %dma_wait3A_138] : memref<40x128xi32, #tpu.memory_space<vmem>> -> memref<1x128xi32, #tpu.memory_space<vmem>>
        %dma_wait3A_140 = tpu.memref_squeeze %dma_wait3A_139 : memref<1x128xi32, #tpu.memory_space<vmem>> -> memref<128xi32, #tpu.memory_space<vmem>>
        %dma_wait3A_141 = arith.constant 0 : i32
        %dma_wait3A_142 = arith.constant 0 : i32
        %dma_wait3A_143 = tpu.memref_slice %arg8[%dma_wait3A_141, %dma_wait3A_142] : memref<10112x128xf32, #tpu.memory_space<vmem_shared>> -> memref<10112x128xf32, #tpu.memory_space<vmem_shared>>
        tpu.wait_indirect_dma semaphore(%run_scoped3A_123 : memref<!tpu.dma_semaphore, #tpu.memory_space<semaphore_mem>>) src(%dma_wait3A_137 : memref<128x128xf32, #tpu.memory_space<vmem>>) dst(%dma_wait3A_143 : memref<10112x128xf32, #tpu.memory_space<vmem_shared>>)
        tpu.yield
      }) : () -> ()
      %add3A_94 = arith.constant 2 : i32
      %add3A_95 = arith.addi %add3A_83, %add3A_94 : i32
      %lt3A = arith.constant 40 : i32
      %lt3A_96 = arith.cmpi slt, %add3A_95, %lt3A : i32
      %convert_element_type3A_97 = arith.extui %lt3A_96 : i1 to i32
      %cond3A_98 = arith.constant 0 : i32
      %cond3A_99 = arith.cmpi ne, %convert_element_type3A_97, %cond3A_98 : i32
      scf.if %cond3A_99 {
        %add3A_123 = arith.constant 2 : i32
        %add3A_124 = arith.addi %add3A_83, %add3A_123 : i32
        %dma_start3A_125 = arith.constant 0 : i32
        %dma_start3A_126 = arith.constant 0 : i32
        %dma_start3A_127 = arith.constant 0 : i32
        %dma_start3A_128 = tpu.memref_slice %arg11[%dma_start3A_125, %dma_start3A_126, %dma_start3A_127] : memref<2x128x128xf32, #tpu.memory_space<vmem>> -> memref<1x128x128xf32, #tpu.memory_space<vmem>>
        %dma_start3A_129 = tpu.memref_squeeze %dma_start3A_128 : memref<1x128x128xf32, #tpu.memory_space<vmem>> -> memref<128x128xf32, #tpu.memory_space<vmem>>
        %dma_start3A_130 = arith.constant 0 : i32
        %dma_start3A_131 = tpu.memref_slice %arg9[%add3A_124, %dma_start3A_130] : memref<40x128xi32, #tpu.memory_space<vmem>> -> memref<1x128xi32, #tpu.memory_space<vmem>>
        %dma_start3A_132 = tpu.memref_squeeze %dma_start3A_131 : memref<1x128xi32, #tpu.memory_space<vmem>> -> memref<128xi32, #tpu.memory_space<vmem>>
        %dma_start3A_133 = arith.constant 0 : i32
        %dma_start3A_134 = arith.constant 0 : i32
        %dma_start3A_135 = tpu.memref_slice %arg2[%dma_start3A_133, %dma_start3A_134] : memref<10000x128xf32, #tpu.memory_space<hbm>> -> memref<10000x128xf32, #tpu.memory_space<hbm>>
        tpu.enqueue_indirect_dma source(%dma_start3A_135 : memref<10000x128xf32, #tpu.memory_space<hbm>>) target(%dma_start3A_129 : memref<128x128xf32, #tpu.memory_space<vmem>>) offsets(%dma_start3A_132 : memref<128xi32, #tpu.memory_space<vmem>>) semaphore(%arg12 : memref<!tpu.dma_semaphore, #tpu.memory_space<semaphore_mem>>)
      } else {
      }
      %mul3A_100 = arith.constant 2 : i32
      %mul3A_101 = arith.muli %scan3A_79, %mul3A_100 : i32
      %add3A_102 = arith.constant 1 : i32
      %add3A_103 = arith.addi %mul3A_101, %add3A_102 : i32
      %dma_wait3A_104 = arith.constant 1 : i32
      %dma_wait3A_105 = arith.constant 0 : i32
      %dma_wait3A_106 = arith.constant 0 : i32
      %dma_wait3A_107 = tpu.memref_slice %arg11[%dma_wait3A_104, %dma_wait3A_105, %dma_wait3A_106] : memref<2x128x128xf32, #tpu.memory_space<vmem>> -> memref<1x128x128xf32, #tpu.memory_space<vmem>>
      %dma_wait3A_108 = tpu.memref_squeeze %dma_wait3A_107 : memref<1x128x128xf32, #tpu.memory_space<vmem>> -> memref<128x128xf32, #tpu.memory_space<vmem>>
      %dma_wait3A_109 = arith.constant 0 : i32
      %dma_wait3A_110 = tpu.memref_slice %arg9[%add3A_103, %dma_wait3A_109] : memref<40x128xi32, #tpu.memory_space<vmem>> -> memref<1x128xi32, #tpu.memory_space<vmem>>
      %dma_wait3A_111 = tpu.memref_squeeze %dma_wait3A_110 : memref<1x128xi32, #tpu.memory_space<vmem>> -> memref<128xi32, #tpu.memory_space<vmem>>
      %dma_wait3A_112 = arith.constant 0 : i32
      %dma_wait3A_113 = arith.constant 0 : i32
      %dma_wait3A_114 = tpu.memref_slice %arg2[%dma_wait3A_112, %dma_wait3A_113] : memref<10000x128xf32, #tpu.memory_space<hbm>> -> memref<10000x128xf32, #tpu.memory_space<hbm>>
      tpu.wait_indirect_dma semaphore(%arg13 : memref<!tpu.dma_semaphore, #tpu.memory_space<semaphore_mem>>) src(%dma_wait3A_114 : memref<10000x128xf32, #tpu.memory_space<hbm>>) dst(%dma_wait3A_108 : memref<128x128xf32, #tpu.memory_space<vmem>>)
      %run_scoped3A_115 = arith.constant 1 : i32
      "tpu.region"() ({
        %run_scoped3A_123 = tpu.sem_alloc : memref<!tpu.dma_semaphore, #tpu.memory_space<semaphore_mem>>
        %dma_start3A_124 = arith.constant 0 : i32
        %dma_start3A_125 = arith.constant 0 : i32
        %dma_start3A_126 = tpu.memref_slice %arg11[%run_scoped3A_115, %dma_start3A_124, %dma_start3A_125] : memref<2x128x128xf32, #tpu.memory_space<vmem>> -> memref<1x128x128xf32, #tpu.memory_space<vmem>>
        %dma_start3A_127 = tpu.memref_squeeze %dma_start3A_126 : memref<1x128x128xf32, #tpu.memory_space<vmem>> -> memref<128x128xf32, #tpu.memory_space<vmem>>
        %dma_start3A_128 = arith.constant 0 : i32
        %dma_start3A_129 = tpu.memref_slice %arg10[%add3A_103, %dma_start3A_128] : memref<40x128xi32, #tpu.memory_space<vmem>> -> memref<1x128xi32, #tpu.memory_space<vmem>>
        %dma_start3A_130 = tpu.memref_squeeze %dma_start3A_129 : memref<1x128xi32, #tpu.memory_space<vmem>> -> memref<128xi32, #tpu.memory_space<vmem>>
        %dma_start3A_131 = arith.constant 0 : i32
        %dma_start3A_132 = arith.constant 0 : i32
        %dma_start3A_133 = tpu.memref_slice %arg8[%dma_start3A_131, %dma_start3A_132] : memref<10112x128xf32, #tpu.memory_space<vmem_shared>> -> memref<10112x128xf32, #tpu.memory_space<vmem_shared>>
        tpu.enqueue_indirect_dma source(%dma_start3A_127 : memref<128x128xf32, #tpu.memory_space<vmem>>) target(%dma_start3A_133 : memref<10112x128xf32, #tpu.memory_space<vmem_shared>>) offsets(%dma_start3A_130 : memref<128xi32, #tpu.memory_space<vmem>>) semaphore(%run_scoped3A_123 : memref<!tpu.dma_semaphore, #tpu.memory_space<semaphore_mem>>) {add = true}
        %dma_wait3A_134 = arith.constant 0 : i32
        %dma_wait3A_135 = arith.constant 0 : i32
        %dma_wait3A_136 = tpu.memref_slice %arg11[%run_scoped3A_115, %dma_wait3A_134, %dma_wait3A_135] : memref<2x128x128xf32, #tpu.memory_space<vmem>> -> memref<1x128x128xf32, #tpu.memory_space<vmem>>
        %dma_wait3A_137 = tpu.memref_squeeze %dma_wait3A_136 : memref<1x128x128xf32, #tpu.memory_space<vmem>> -> memref<128x128xf32, #tpu.memory_space<vmem>>
        %dma_wait3A_138 = arith.constant 0 : i32
        %dma_wait3A_139 = tpu.memref_slice %arg10[%add3A_103, %dma_wait3A_138] : memref<40x128xi32, #tpu.memory_space<vmem>> -> memref<1x128xi32, #tpu.memory_space<vmem>>
        %dma_wait3A_140 = tpu.memref_squeeze %dma_wait3A_139 : memref<1x128xi32, #tpu.memory_space<vmem>> -> memref<128xi32, #tpu.memory_space<vmem>>
        %dma_wait3A_141 = arith.constant 0 : i32
        %dma_wait3A_142 = arith.constant 0 : i32
        %dma_wait3A_143 = tpu.memref_slice %arg8[%dma_wait3A_141, %dma_wait3A_142] : memref<10112x128xf32, #tpu.memory_space<vmem_shared>> -> memref<10112x128xf32, #tpu.memory_space<vmem_shared>>
        tpu.wait_indirect_dma semaphore(%run_scoped3A_123 : memref<!tpu.dma_semaphore, #tpu.memory_space<semaphore_mem>>) src(%dma_wait3A_137 : memref<128x128xf32, #tpu.memory_space<vmem>>) dst(%dma_wait3A_143 : memref<10112x128xf32, #tpu.memory_space<vmem_shared>>)
        tpu.yield
      }) : () -> ()
      %add3A_116 = arith.constant 2 : i32
      %add3A_117 = arith.addi %add3A_103, %add3A_116 : i32
      %lt3A_118 = arith.constant 40 : i32
      %lt3A_119 = arith.cmpi slt, %add3A_117, %lt3A_118 : i32
      %convert_element_type3A_120 = arith.extui %lt3A_119 : i1 to i32
      %cond3A_121 = arith.constant 0 : i32
      %cond3A_122 = arith.cmpi ne, %convert_element_type3A_120, %cond3A_121 : i32
      scf.if %cond3A_122 {
        %add3A_123 = arith.constant 2 : i32
        %add3A_124 = arith.addi %add3A_103, %add3A_123 : i32
        %dma_start3A_125 = arith.constant 1 : i32
        %dma_start3A_126 = arith.constant 0 : i32
        %dma_start3A_127 = arith.constant 0 : i32
        %dma_start3A_128 = tpu.memref_slice %arg11[%dma_start3A_125, %dma_start3A_126, %dma_start3A_127] : memref<2x128x128xf32, #tpu.memory_space<vmem>> -> memref<1x128x128xf32, #tpu.memory_space<vmem>>
        %dma_start3A_129 = tpu.memref_squeeze %dma_start3A_128 : memref<1x128x128xf32, #tpu.memory_space<vmem>> -> memref<128x128xf32, #tpu.memory_space<vmem>>
        %dma_start3A_130 = arith.constant 0 : i32
        %dma_start3A_131 = tpu.memref_slice %arg9[%add3A_124, %dma_start3A_130] : memref<40x128xi32, #tpu.memory_space<vmem>> -> memref<1x128xi32, #tpu.memory_space<vmem>>
        %dma_start3A_132 = tpu.memref_squeeze %dma_start3A_131 : memref<1x128xi32, #tpu.memory_space<vmem>> -> memref<128xi32, #tpu.memory_space<vmem>>
        %dma_start3A_133 = arith.constant 0 : i32
        %dma_start3A_134 = arith.constant 0 : i32
        %dma_start3A_135 = tpu.memref_slice %arg2[%dma_start3A_133, %dma_start3A_134] : memref<10000x128xf32, #tpu.memory_space<hbm>> -> memref<10000x128xf32, #tpu.memory_space<hbm>>
        tpu.enqueue_indirect_dma source(%dma_start3A_135 : memref<10000x128xf32, #tpu.memory_space<hbm>>) target(%dma_start3A_129 : memref<128x128xf32, #tpu.memory_space<vmem>>) offsets(%dma_start3A_132 : memref<128xi32, #tpu.memory_space<vmem>>) semaphore(%arg13 : memref<!tpu.dma_semaphore, #tpu.memory_space<semaphore_mem>>)
      } else {
      }
    }
    %scan3A_36 = arith.constant 20 : i32
    %mul3A_37 = arith.constant 80 : i32
    %mul3A_38 = arith.muli %add3A, %mul3A_37 : i32
    %add3A_39 = arith.constant 40 : i32
    %add3A_40 = arith.addi %mul3A_38, %add3A_39 : i32
    "tpu.region"() ({
      %run_scoped3A = tpu.sem_alloc : memref<!tpu.dma_semaphore, #tpu.memory_space<semaphore_mem>>
      %dma_start3A_79 = arith.constant 0 : i32
      %dma_start3A_80 = tpu.memref_slice %arg3[%add3A_40, %dma_start3A_79] : memref<2560x128xi32, #tpu.memory_space<hbm>> -> memref<40x128xi32, #tpu.memory_space<hbm>>
      %dma_start3A_81 = arith.constant 0 : i32
      %dma_start3A_82 = tpu.memref_slice %arg3[%add3A_40, %dma_start3A_81] : memref<2560x128xi32, #tpu.memory_space<hbm>> -> memref<40x128xi32, #tpu.memory_space<hbm>>
      tpu.enqueue_dma source(%dma_start3A_82 : memref<40x128xi32, #tpu.memory_space<hbm>>) target(%arg9 : memref<40x128xi32, #tpu.memory_space<vmem>>) target_semaphore(%run_scoped3A : memref<!tpu.dma_semaphore, #tpu.memory_space<semaphore_mem>>)
      %dma_wait3A = arith.constant 0 : i32
      %dma_wait3A_83 = tpu.memref_slice %arg3[%add3A_40, %dma_wait3A] : memref<2560x128xi32, #tpu.memory_space<hbm>> -> memref<40x128xi32, #tpu.memory_space<hbm>>
      %dma_wait3A_84 = arith.constant 0 : i32
      %dma_wait3A_85 = tpu.memref_slice %arg3[%add3A_40, %dma_wait3A_84] : memref<2560x128xi32, #tpu.memory_space<hbm>> -> memref<40x128xi32, #tpu.memory_space<hbm>>
      tpu.wait_dma2 semaphore(%run_scoped3A : memref<!tpu.dma_semaphore, #tpu.memory_space<semaphore_mem>>) src(%dma_wait3A_85 : memref<40x128xi32, #tpu.memory_space<hbm>>) dst(%arg9 : memref<40x128xi32, #tpu.memory_space<vmem>>)
      tpu.yield
    }) : () -> ()
    "tpu.region"() ({
      %run_scoped3A = tpu.sem_alloc : memref<!tpu.dma_semaphore, #tpu.memory_space<semaphore_mem>>
      %dma_start3A_79 = arith.constant 0 : i32
      %dma_start3A_80 = tpu.memref_slice %arg4[%add3A_40, %dma_start3A_79] : memref<2560x128xi32, #tpu.memory_space<hbm>> -> memref<40x128xi32, #tpu.memory_space<hbm>>
      %dma_start3A_81 = arith.constant 0 : i32
      %dma_start3A_82 = tpu.memref_slice %arg4[%add3A_40, %dma_start3A_81] : memref<2560x128xi32, #tpu.memory_space<hbm>> -> memref<40x128xi32, #tpu.memory_space<hbm>>
      tpu.enqueue_dma source(%dma_start3A_82 : memref<40x128xi32, #tpu.memory_space<hbm>>) target(%arg10 : memref<40x128xi32, #tpu.memory_space<vmem>>) target_semaphore(%run_scoped3A : memref<!tpu.dma_semaphore, #tpu.memory_space<semaphore_mem>>)
      %dma_wait3A = arith.constant 0 : i32
      %dma_wait3A_83 = tpu.memref_slice %arg4[%add3A_40, %dma_wait3A] : memref<2560x128xi32, #tpu.memory_space<hbm>> -> memref<40x128xi32, #tpu.memory_space<hbm>>
      %dma_wait3A_84 = arith.constant 0 : i32
      %dma_wait3A_85 = tpu.memref_slice %arg4[%add3A_40, %dma_wait3A_84] : memref<2560x128xi32, #tpu.memory_space<hbm>> -> memref<40x128xi32, #tpu.memory_space<hbm>>
      tpu.wait_dma2 semaphore(%run_scoped3A : memref<!tpu.dma_semaphore, #tpu.memory_space<semaphore_mem>>) src(%dma_wait3A_85 : memref<40x128xi32, #tpu.memory_space<hbm>>) dst(%arg10 : memref<40x128xi32, #tpu.memory_space<vmem>>)
      tpu.yield
    }) : () -> ()
    %dma_start3A_41 = arith.constant 0 : i32
    %dma_start3A_42 = arith.constant 0 : i32
    %dma_start3A_43 = arith.constant 0 : i32
    %dma_start3A_44 = arith.constant 0 : i32
    %dma_start3A_45 = tpu.memref_slice %arg11[%dma_start3A_42, %dma_start3A_43, %dma_start3A_44] : memref<2x128x128xf32, #tpu.memory_space<vmem>> -> memref<1x128x128xf32, #tpu.memory_space<vmem>>
    %dma_start3A_46 = tpu.memref_squeeze %dma_start3A_45 : memref<1x128x128xf32, #tpu.memory_space<vmem>> -> memref<128x128xf32, #tpu.memory_space<vmem>>
    %dma_start3A_47 = arith.constant 0 : i32
    %dma_start3A_48 = tpu.memref_slice %arg9[%dma_start3A_41, %dma_start3A_47] : memref<40x128xi32, #tpu.memory_space<vmem>> -> memref<1x128xi32, #tpu.memory_space<vmem>>
    %dma_start3A_49 = tpu.memref_squeeze %dma_start3A_48 : memref<1x128xi32, #tpu.memory_space<vmem>> -> memref<128xi32, #tpu.memory_space<vmem>>
    %dma_start3A_50 = arith.constant 0 : i32
    %dma_start3A_51 = arith.constant 0 : i32
    %dma_start3A_52 = tpu.memref_slice %arg2[%dma_start3A_50, %dma_start3A_51] : memref<10000x128xf32, #tpu.memory_space<hbm>> -> memref<10000x128xf32, #tpu.memory_space<hbm>>
    tpu.enqueue_indirect_dma source(%dma_start3A_52 : memref<10000x128xf32, #tpu.memory_space<hbm>>) target(%dma_start3A_46 : memref<128x128xf32, #tpu.memory_space<vmem>>) offsets(%dma_start3A_49 : memref<128xi32, #tpu.memory_space<vmem>>) semaphore(%arg12 : memref<!tpu.dma_semaphore, #tpu.memory_space<semaphore_mem>>)
    %dma_start3A_53 = arith.constant 1 : i32
    %dma_start3A_54 = arith.constant 1 : i32
    %dma_start3A_55 = arith.constant 0 : i32
    %dma_start3A_56 = arith.constant 0 : i32
    %dma_start3A_57 = tpu.memref_slice %arg11[%dma_start3A_54, %dma_start3A_55, %dma_start3A_56] : memref<2x128x128xf32, #tpu.memory_space<vmem>> -> memref<1x128x128xf32, #tpu.memory_space<vmem>>
    %dma_start3A_58 = tpu.memref_squeeze %dma_start3A_57 : memref<1x128x128xf32, #tpu.memory_space<vmem>> -> memref<128x128xf32, #tpu.memory_space<vmem>>
    %dma_start3A_59 = arith.constant 0 : i32
    %dma_start3A_60 = tpu.memref_slice %arg9[%dma_start3A_53, %dma_start3A_59] : memref<40x128xi32, #tpu.memory_space<vmem>> -> memref<1x128xi32, #tpu.memory_space<vmem>>
    %dma_start3A_61 = tpu.memref_squeeze %dma_start3A_60 : memref<1x128xi32, #tpu.memory_space<vmem>> -> memref<128xi32, #tpu.memory_space<vmem>>
    %dma_start3A_62 = arith.constant 0 : i32
    %dma_start3A_63 = arith.constant 0 : i32
    %dma_start3A_64 = tpu.memref_slice %arg2[%dma_start3A_62, %dma_start3A_63] : memref<10000x128xf32, #tpu.memory_space<hbm>> -> memref<10000x128xf32, #tpu.memory_space<hbm>>
    tpu.enqueue_indirect_dma source(%dma_start3A_64 : memref<10000x128xf32, #tpu.memory_space<hbm>>) target(%dma_start3A_58 : memref<128x128xf32, #tpu.memory_space<vmem>>) offsets(%dma_start3A_61 : memref<128xi32, #tpu.memory_space<vmem>>) semaphore(%arg13 : memref<!tpu.dma_semaphore, #tpu.memory_space<semaphore_mem>>)
    %scan3A_65 = arith.constant 0 : i32
    %scan3A_66 = arith.constant 0 : i32
    %scan3A_67 = arith.constant 20 : i32
    %scan3A_68 = arith.addi %scan3A_66, %scan3A_67 : i32
    %scan3A_69 = arith.constant 1 : i32
    scf.for %scan3A_79 = %scan3A_66 to %scan3A_68 step %scan3A_69  : i32 {
      %mul3A_80 = arith.constant 2 : i32
      %mul3A_81 = arith.muli %scan3A_79, %mul3A_80 : i32
      %add3A_82 = arith.constant 0 : i32
      %add3A_83 = arith.addi %mul3A_81, %add3A_82 : i32
      %dma_wait3A = arith.constant 0 : i32
      %dma_wait3A_84 = arith.constant 0 : i32
      %dma_wait3A_85 = arith.constant 0 : i32
      %dma_wait3A_86 = tpu.memref_slice %arg11[%dma_wait3A, %dma_wait3A_84, %dma_wait3A_85] : memref<2x128x128xf32, #tpu.memory_space<vmem>> -> memref<1x128x128xf32, #tpu.memory_space<vmem>>
      %dma_wait3A_87 = tpu.memref_squeeze %dma_wait3A_86 : memref<1x128x128xf32, #tpu.memory_space<vmem>> -> memref<128x128xf32, #tpu.memory_space<vmem>>
      %dma_wait3A_88 = arith.constant 0 : i32
      %dma_wait3A_89 = tpu.memref_slice %arg9[%add3A_83, %dma_wait3A_88] : memref<40x128xi32, #tpu.memory_space<vmem>> -> memref<1x128xi32, #tpu.memory_space<vmem>>
      %dma_wait3A_90 = tpu.memref_squeeze %dma_wait3A_89 : memref<1x128xi32, #tpu.memory_space<vmem>> -> memref<128xi32, #tpu.memory_space<vmem>>
      %dma_wait3A_91 = arith.constant 0 : i32
      %dma_wait3A_92 = arith.constant 0 : i32
      %dma_wait3A_93 = tpu.memref_slice %arg2[%dma_wait3A_91, %dma_wait3A_92] : memref<10000x128xf32, #tpu.memory_space<hbm>> -> memref<10000x128xf32, #tpu.memory_space<hbm>>
      tpu.wait_indirect_dma semaphore(%arg12 : memref<!tpu.dma_semaphore, #tpu.memory_space<semaphore_mem>>) src(%dma_wait3A_93 : memref<10000x128xf32, #tpu.memory_space<hbm>>) dst(%dma_wait3A_87 : memref<128x128xf32, #tpu.memory_space<vmem>>)
      %run_scoped3A = arith.constant 0 : i32
      "tpu.region"() ({
        %run_scoped3A_123 = tpu.sem_alloc : memref<!tpu.dma_semaphore, #tpu.memory_space<semaphore_mem>>
        %dma_start3A_124 = arith.constant 0 : i32
        %dma_start3A_125 = arith.constant 0 : i32
        %dma_start3A_126 = tpu.memref_slice %arg11[%run_scoped3A, %dma_start3A_124, %dma_start3A_125] : memref<2x128x128xf32, #tpu.memory_space<vmem>> -> memref<1x128x128xf32, #tpu.memory_space<vmem>>
        %dma_start3A_127 = tpu.memref_squeeze %dma_start3A_126 : memref<1x128x128xf32, #tpu.memory_space<vmem>> -> memref<128x128xf32, #tpu.memory_space<vmem>>
        %dma_start3A_128 = arith.constant 0 : i32
        %dma_start3A_129 = tpu.memref_slice %arg10[%add3A_83, %dma_start3A_128] : memref<40x128xi32, #tpu.memory_space<vmem>> -> memref<1x128xi32, #tpu.memory_space<vmem>>
        %dma_start3A_130 = tpu.memref_squeeze %dma_start3A_129 : memref<1x128xi32, #tpu.memory_space<vmem>> -> memref<128xi32, #tpu.memory_space<vmem>>
        %dma_start3A_131 = arith.constant 0 : i32
        %dma_start3A_132 = arith.constant 0 : i32
        %dma_start3A_133 = tpu.memref_slice %arg8[%dma_start3A_131, %dma_start3A_132] : memref<10112x128xf32, #tpu.memory_space<vmem_shared>> -> memref<10112x128xf32, #tpu.memory_space<vmem_shared>>
        tpu.enqueue_indirect_dma source(%dma_start3A_127 : memref<128x128xf32, #tpu.memory_space<vmem>>) target(%dma_start3A_133 : memref<10112x128xf32, #tpu.memory_space<vmem_shared>>) offsets(%dma_start3A_130 : memref<128xi32, #tpu.memory_space<vmem>>) semaphore(%run_scoped3A_123 : memref<!tpu.dma_semaphore, #tpu.memory_space<semaphore_mem>>) {add = true}
        %dma_wait3A_134 = arith.constant 0 : i32
        %dma_wait3A_135 = arith.constant 0 : i32
        %dma_wait3A_136 = tpu.memref_slice %arg11[%run_scoped3A, %dma_wait3A_134, %dma_wait3A_135] : memref<2x128x128xf32, #tpu.memory_space<vmem>> -> memref<1x128x128xf32, #tpu.memory_space<vmem>>
        %dma_wait3A_137 = tpu.memref_squeeze %dma_wait3A_136 : memref<1x128x128xf32, #tpu.memory_space<vmem>> -> memref<128x128xf32, #tpu.memory_space<vmem>>
        %dma_wait3A_138 = arith.constant 0 : i32
        %dma_wait3A_139 = tpu.memref_slice %arg10[%add3A_83, %dma_wait3A_138] : memref<40x128xi32, #tpu.memory_space<vmem>> -> memref<1x128xi32, #tpu.memory_space<vmem>>
        %dma_wait3A_140 = tpu.memref_squeeze %dma_wait3A_139 : memref<1x128xi32, #tpu.memory_space<vmem>> -> memref<128xi32, #tpu.memory_space<vmem>>
        %dma_wait3A_141 = arith.constant 0 : i32
        %dma_wait3A_142 = arith.constant 0 : i32
        %dma_wait3A_143 = tpu.memref_slice %arg8[%dma_wait3A_141, %dma_wait3A_142] : memref<10112x128xf32, #tpu.memory_space<vmem_shared>> -> memref<10112x128xf32, #tpu.memory_space<vmem_shared>>
        tpu.wait_indirect_dma semaphore(%run_scoped3A_123 : memref<!tpu.dma_semaphore, #tpu.memory_space<semaphore_mem>>) src(%dma_wait3A_137 : memref<128x128xf32, #tpu.memory_space<vmem>>) dst(%dma_wait3A_143 : memref<10112x128xf32, #tpu.memory_space<vmem_shared>>)
        tpu.yield
      }) : () -> ()
      %add3A_94 = arith.constant 2 : i32
      %add3A_95 = arith.addi %add3A_83, %add3A_94 : i32
      %lt3A = arith.constant 40 : i32
      %lt3A_96 = arith.cmpi slt, %add3A_95, %lt3A : i32
      %convert_element_type3A_97 = arith.extui %lt3A_96 : i1 to i32
      %cond3A_98 = arith.constant 0 : i32
      %cond3A_99 = arith.cmpi ne, %convert_element_type3A_97, %cond3A_98 : i32
      scf.if %cond3A_99 {
        %add3A_123 = arith.constant 2 : i32
        %add3A_124 = arith.addi %add3A_83, %add3A_123 : i32
        %dma_start3A_125 = arith.constant 0 : i32
        %dma_start3A_126 = arith.constant 0 : i32
        %dma_start3A_127 = arith.constant 0 : i32
        %dma_start3A_128 = tpu.memref_slice %arg11[%dma_start3A_125, %dma_start3A_126, %dma_start3A_127] : memref<2x128x128xf32, #tpu.memory_space<vmem>> -> memref<1x128x128xf32, #tpu.memory_space<vmem>>
        %dma_start3A_129 = tpu.memref_squeeze %dma_start3A_128 : memref<1x128x128xf32, #tpu.memory_space<vmem>> -> memref<128x128xf32, #tpu.memory_space<vmem>>
        %dma_start3A_130 = arith.constant 0 : i32
        %dma_start3A_131 = tpu.memref_slice %arg9[%add3A_124, %dma_start3A_130] : memref<40x128xi32, #tpu.memory_space<vmem>> -> memref<1x128xi32, #tpu.memory_space<vmem>>
        %dma_start3A_132 = tpu.memref_squeeze %dma_start3A_131 : memref<1x128xi32, #tpu.memory_space<vmem>> -> memref<128xi32, #tpu.memory_space<vmem>>
        %dma_start3A_133 = arith.constant 0 : i32
        %dma_start3A_134 = arith.constant 0 : i32
        %dma_start3A_135 = tpu.memref_slice %arg2[%dma_start3A_133, %dma_start3A_134] : memref<10000x128xf32, #tpu.memory_space<hbm>> -> memref<10000x128xf32, #tpu.memory_space<hbm>>
        tpu.enqueue_indirect_dma source(%dma_start3A_135 : memref<10000x128xf32, #tpu.memory_space<hbm>>) target(%dma_start3A_129 : memref<128x128xf32, #tpu.memory_space<vmem>>) offsets(%dma_start3A_132 : memref<128xi32, #tpu.memory_space<vmem>>) semaphore(%arg12 : memref<!tpu.dma_semaphore, #tpu.memory_space<semaphore_mem>>)
      } else {
      }
      %mul3A_100 = arith.constant 2 : i32
      %mul3A_101 = arith.muli %scan3A_79, %mul3A_100 : i32
      %add3A_102 = arith.constant 1 : i32
      %add3A_103 = arith.addi %mul3A_101, %add3A_102 : i32
      %dma_wait3A_104 = arith.constant 1 : i32
      %dma_wait3A_105 = arith.constant 0 : i32
      %dma_wait3A_106 = arith.constant 0 : i32
      %dma_wait3A_107 = tpu.memref_slice %arg11[%dma_wait3A_104, %dma_wait3A_105, %dma_wait3A_106] : memref<2x128x128xf32, #tpu.memory_space<vmem>> -> memref<1x128x128xf32, #tpu.memory_space<vmem>>
      %dma_wait3A_108 = tpu.memref_squeeze %dma_wait3A_107 : memref<1x128x128xf32, #tpu.memory_space<vmem>> -> memref<128x128xf32, #tpu.memory_space<vmem>>
      %dma_wait3A_109 = arith.constant 0 : i32
      %dma_wait3A_110 = tpu.memref_slice %arg9[%add3A_103, %dma_wait3A_109] : memref<40x128xi32, #tpu.memory_space<vmem>> -> memref<1x128xi32, #tpu.memory_space<vmem>>
      %dma_wait3A_111 = tpu.memref_squeeze %dma_wait3A_110 : memref<1x128xi32, #tpu.memory_space<vmem>> -> memref<128xi32, #tpu.memory_space<vmem>>
      %dma_wait3A_112 = arith.constant 0 : i32
      %dma_wait3A_113 = arith.constant 0 : i32
      %dma_wait3A_114 = tpu.memref_slice %arg2[%dma_wait3A_112, %dma_wait3A_113] : memref<10000x128xf32, #tpu.memory_space<hbm>> -> memref<10000x128xf32, #tpu.memory_space<hbm>>
      tpu.wait_indirect_dma semaphore(%arg13 : memref<!tpu.dma_semaphore, #tpu.memory_space<semaphore_mem>>) src(%dma_wait3A_114 : memref<10000x128xf32, #tpu.memory_space<hbm>>) dst(%dma_wait3A_108 : memref<128x128xf32, #tpu.memory_space<vmem>>)
      %run_scoped3A_115 = arith.constant 1 : i32
      "tpu.region"() ({
        %run_scoped3A_123 = tpu.sem_alloc : memref<!tpu.dma_semaphore, #tpu.memory_space<semaphore_mem>>
        %dma_start3A_124 = arith.constant 0 : i32
        %dma_start3A_125 = arith.constant 0 : i32
        %dma_start3A_126 = tpu.memref_slice %arg11[%run_scoped3A_115, %dma_start3A_124, %dma_start3A_125] : memref<2x128x128xf32, #tpu.memory_space<vmem>> -> memref<1x128x128xf32, #tpu.memory_space<vmem>>
        %dma_start3A_127 = tpu.memref_squeeze %dma_start3A_126 : memref<1x128x128xf32, #tpu.memory_space<vmem>> -> memref<128x128xf32, #tpu.memory_space<vmem>>
        %dma_start3A_128 = arith.constant 0 : i32
        %dma_start3A_129 = tpu.memref_slice %arg10[%add3A_103, %dma_start3A_128] : memref<40x128xi32, #tpu.memory_space<vmem>> -> memref<1x128xi32, #tpu.memory_space<vmem>>
        %dma_start3A_130 = tpu.memref_squeeze %dma_start3A_129 : memref<1x128xi32, #tpu.memory_space<vmem>> -> memref<128xi32, #tpu.memory_space<vmem>>
        %dma_start3A_131 = arith.constant 0 : i32
        %dma_start3A_132 = arith.constant 0 : i32
        %dma_start3A_133 = tpu.memref_slice %arg8[%dma_start3A_131, %dma_start3A_132] : memref<10112x128xf32, #tpu.memory_space<vmem_shared>> -> memref<10112x128xf32, #tpu.memory_space<vmem_shared>>
        tpu.enqueue_indirect_dma source(%dma_start3A_127 : memref<128x128xf32, #tpu.memory_space<vmem>>) target(%dma_start3A_133 : memref<10112x128xf32, #tpu.memory_space<vmem_shared>>) offsets(%dma_start3A_130 : memref<128xi32, #tpu.memory_space<vmem>>) semaphore(%run_scoped3A_123 : memref<!tpu.dma_semaphore, #tpu.memory_space<semaphore_mem>>) {add = true}
        %dma_wait3A_134 = arith.constant 0 : i32
        %dma_wait3A_135 = arith.constant 0 : i32
        %dma_wait3A_136 = tpu.memref_slice %arg11[%run_scoped3A_115, %dma_wait3A_134, %dma_wait3A_135] : memref<2x128x128xf32, #tpu.memory_space<vmem>> -> memref<1x128x128xf32, #tpu.memory_space<vmem>>
        %dma_wait3A_137 = tpu.memref_squeeze %dma_wait3A_136 : memref<1x128x128xf32, #tpu.memory_space<vmem>> -> memref<128x128xf32, #tpu.memory_space<vmem>>
        %dma_wait3A_138 = arith.constant 0 : i32
        %dma_wait3A_139 = tpu.memref_slice %arg10[%add3A_103, %dma_wait3A_138] : memref<40x128xi32, #tpu.memory_space<vmem>> -> memref<1x128xi32, #tpu.memory_space<vmem>>
        %dma_wait3A_140 = tpu.memref_squeeze %dma_wait3A_139 : memref<1x128xi32, #tpu.memory_space<vmem>> -> memref<128xi32, #tpu.memory_space<vmem>>
        %dma_wait3A_141 = arith.constant 0 : i32
        %dma_wait3A_142 = arith.constant 0 : i32
        %dma_wait3A_143 = tpu.memref_slice %arg8[%dma_wait3A_141, %dma_wait3A_142] : memref<10112x128xf32, #tpu.memory_space<vmem_shared>> -> memref<10112x128xf32, #tpu.memory_space<vmem_shared>>
        tpu.wait_indirect_dma semaphore(%run_scoped3A_123 : memref<!tpu.dma_semaphore, #tpu.memory_space<semaphore_mem>>) src(%dma_wait3A_137 : memref<128x128xf32, #tpu.memory_space<vmem>>) dst(%dma_wait3A_143 : memref<10112x128xf32, #tpu.memory_space<vmem_shared>>)
        tpu.yield
      }) : () -> ()
      %add3A_116 = arith.constant 2 : i32
      %add3A_117 = arith.addi %add3A_103, %add3A_116 : i32
      %lt3A_118 = arith.constant 40 : i32
      %lt3A_119 = arith.cmpi slt, %add3A_117, %lt3A_118 : i32
      %convert_element_type3A_120 = arith.extui %lt3A_119 : i1 to i32
      %cond3A_121 = arith.constant 0 : i32
      %cond3A_122 = arith.cmpi ne, %convert_element_type3A_120, %cond3A_121 : i32
      scf.if %cond3A_122 {
        %add3A_123 = arith.constant 2 : i32
        %add3A_124 = arith.addi %add3A_103, %add3A_123 : i32
        %dma_start3A_125 = arith.constant 1 : i32
        %dma_start3A_126 = arith.constant 0 : i32
        %dma_start3A_127 = arith.constant 0 : i32
        %dma_start3A_128 = tpu.memref_slice %arg11[%dma_start3A_125, %dma_start3A_126, %dma_start3A_127] : memref<2x128x128xf32, #tpu.memory_space<vmem>> -> memref<1x128x128xf32, #tpu.memory_space<vmem>>
        %dma_start3A_129 = tpu.memref_squeeze %dma_start3A_128 : memref<1x128x128xf32, #tpu.memory_space<vmem>> -> memref<128x128xf32, #tpu.memory_space<vmem>>
        %dma_start3A_130 = arith.constant 0 : i32
        %dma_start3A_131 = tpu.memref_slice %arg9[%add3A_124, %dma_start3A_130] : memref<40x128xi32, #tpu.memory_space<vmem>> -> memref<1x128xi32, #tpu.memory_space<vmem>>
        %dma_start3A_132 = tpu.memref_squeeze %dma_start3A_131 : memref<1x128xi32, #tpu.memory_space<vmem>> -> memref<128xi32, #tpu.memory_space<vmem>>
        %dma_start3A_133 = arith.constant 0 : i32
        %dma_start3A_134 = arith.constant 0 : i32
        %dma_start3A_135 = tpu.memref_slice %arg2[%dma_start3A_133, %dma_start3A_134] : memref<10000x128xf32, #tpu.memory_space<hbm>> -> memref<10000x128xf32, #tpu.memory_space<hbm>>
        tpu.enqueue_indirect_dma source(%dma_start3A_135 : memref<10000x128xf32, #tpu.memory_space<hbm>>) target(%dma_start3A_129 : memref<128x128xf32, #tpu.memory_space<vmem>>) offsets(%dma_start3A_132 : memref<128xi32, #tpu.memory_space<vmem>>) semaphore(%arg13 : memref<!tpu.dma_semaphore, #tpu.memory_space<semaphore_mem>>)
      } else {
      }
    }
    %scan3A_70 = arith.constant 20 : i32
    %barrier3A_71 = arith.constant 0 : index
    tpu.barrier barrier_id(%barrier3A_71)
    %eq3A = arith.constant 0 : i32
    %eq3A_72 = arith.cmpi eq, %arg0, %eq3A : i32
    %convert_element_type3A = arith.extui %eq3A_72 : i1 to i32
    %cond3A = arith.constant 0 : i32
    %cond3A_73 = arith.cmpi ne, %convert_element_type3A, %cond3A : i32
    scf.if %cond3A_73 {
      %mul3A_79 = arith.constant 632 : i32
      %mul3A_80 = arith.muli %arg1, %mul3A_79 : i32
      %mul3A_81 = arith.constant 632 : i32
      %mul3A_82 = arith.muli %arg1, %mul3A_81 : i32
      "tpu.region"() ({
        %run_scoped3A = tpu.sem_alloc : memref<!tpu.dma_semaphore, #tpu.memory_space<semaphore_mem>>
        %dma_start3A_83 = arith.constant 0 : i32
        %dma_start3A_84 = tpu.memref_slice %arg6[%mul3A_82, %dma_start3A_83] : memref<10112x128xf32, #tpu.memory_space<hbm>> -> memref<632x128xf32, #tpu.memory_space<hbm>>
        %dma_start3A_85 = arith.constant 0 : i32
        %dma_start3A_86 = tpu.memref_slice %arg8[%mul3A_80, %dma_start3A_85] : memref<10112x128xf32, #tpu.memory_space<vmem_shared>> -> memref<632x128xf32, #tpu.memory_space<vmem_shared>>
        tpu.enqueue_dma source(%dma_start3A_86 : memref<632x128xf32, #tpu.memory_space<vmem_shared>>) target(%dma_start3A_84 : memref<632x128xf32, #tpu.memory_space<hbm>>) target_semaphore(%run_scoped3A : memref<!tpu.dma_semaphore, #tpu.memory_space<semaphore_mem>>)
        %dma_wait3A = arith.constant 0 : i32
        %dma_wait3A_87 = tpu.memref_slice %arg6[%mul3A_82, %dma_wait3A] : memref<10112x128xf32, #tpu.memory_space<hbm>> -> memref<632x128xf32, #tpu.memory_space<hbm>>
        %dma_wait3A_88 = arith.constant 0 : i32
        %dma_wait3A_89 = tpu.memref_slice %arg8[%mul3A_80, %dma_wait3A_88] : memref<10112x128xf32, #tpu.memory_space<vmem_shared>> -> memref<632x128xf32, #tpu.memory_space<vmem_shared>>
        tpu.wait_dma2 semaphore(%run_scoped3A : memref<!tpu.dma_semaphore, #tpu.memory_space<semaphore_mem>>) src(%dma_wait3A_89 : memref<632x128xf32, #tpu.memory_space<vmem_shared>>) dst(%dma_wait3A_87 : memref<632x128xf32, #tpu.memory_space<hbm>>)
        tpu.yield
      }) : () -> ()
    } else {
    }
    %eq3A_74 = arith.constant 1 : i32
    %eq3A_75 = arith.cmpi eq, %arg0, %eq3A_74 : i32
    %convert_element_type3A_76 = arith.extui %eq3A_75 : i1 to i32
    %cond3A_77 = arith.constant 0 : i32
    %cond3A_78 = arith.cmpi ne, %convert_element_type3A_76, %cond3A_77 : i32
    scf.if %cond3A_78 {
      %mul3A_79 = arith.constant 632 : i32
      %mul3A_80 = arith.muli %arg1, %mul3A_79 : i32
      %mul3A_81 = arith.constant 632 : i32
      %mul3A_82 = arith.muli %arg1, %mul3A_81 : i32
      "tpu.region"() ({
        %run_scoped3A = tpu.sem_alloc : memref<!tpu.dma_semaphore, #tpu.memory_space<semaphore_mem>>
        %dma_start3A_83 = arith.constant 0 : i32
        %dma_start3A_84 = tpu.memref_slice %arg7[%mul3A_82, %dma_start3A_83] : memref<10112x128xf32, #tpu.memory_space<hbm>> -> memref<632x128xf32, #tpu.memory_space<hbm>>
        %dma_start3A_85 = arith.constant 0 : i32
        %dma_start3A_86 = tpu.memref_slice %arg8[%mul3A_80, %dma_start3A_85] : memref<10112x128xf32, #tpu.memory_space<vmem_shared>> -> memref<632x128xf32, #tpu.memory_space<vmem_shared>>
        tpu.enqueue_dma source(%dma_start3A_86 : memref<632x128xf32, #tpu.memory_space<vmem_shared>>) target(%dma_start3A_84 : memref<632x128xf32, #tpu.memory_space<hbm>>) target_semaphore(%run_scoped3A : memref<!tpu.dma_semaphore, #tpu.memory_space<semaphore_mem>>)
        %dma_wait3A = arith.constant 0 : i32
        %dma_wait3A_87 = tpu.memref_slice %arg7[%mul3A_82, %dma_wait3A] : memref<10112x128xf32, #tpu.memory_space<hbm>> -> memref<632x128xf32, #tpu.memory_space<hbm>>
        %dma_wait3A_88 = arith.constant 0 : i32
        %dma_wait3A_89 = tpu.memref_slice %arg8[%mul3A_80, %dma_wait3A_88] : memref<10112x128xf32, #tpu.memory_space<vmem_shared>> -> memref<632x128xf32, #tpu.memory_space<vmem_shared>>
        tpu.wait_dma2 semaphore(%run_scoped3A : memref<!tpu.dma_semaphore, #tpu.memory_space<semaphore_mem>>) src(%dma_wait3A_89 : memref<632x128xf32, #tpu.memory_space<vmem_shared>>) dst(%dma_wait3A_87 : memref<632x128xf32, #tpu.memory_space<hbm>>)
        tpu.yield
      }) : () -> ()
    } else {
    }
    return
  }
}

#map = affine_map<(d0, d1) -> (0, 0)>
module attributes {stable_mosaic.version = 14 : i64} {
  func.func @seg_sum(%arg0: i32, %arg1: i32, %arg2: memref<10000x128xf32, #tpu.memory_space<hbm>>, %arg3: memref<2560x128xi32, #tpu.memory_space<hbm>>, %arg4: memref<2560x128xi32, #tpu.memory_space<hbm>>, %arg5: memref<10112x128xf32, #tpu.memory_space<hbm>>, %arg6: memref<10112x128xf32, #tpu.memory_space<hbm>>, %arg7: memref<10112x128xf32, #tpu.memory_space<hbm>>, %arg8: memref<10112x128xf32, #tpu.memory_space<vmem_shared>>, %arg9: memref<40x128xi32, #tpu.memory_space<vmem>>, %arg10: memref<40x128xi32, #tpu.memory_space<vmem>>, %arg11: memref<2x128x128xf32, #tpu.memory_space<vmem>>, %arg12: memref<!tpu.dma_semaphore, #tpu.memory_space<semaphore_mem>>, %arg13: memref<!tpu.dma_semaphore, #tpu.memory_space<semaphore_mem>>) attributes {dimension_semantics = [#tpu.dimension_semantics<core_parallel>, #tpu.dimension_semantics<subcore_parallel>], iteration_bounds = array<i64: 2, 16>, scalar_prefetch = 0 : i64, scratch_operands = 6 : i64, tpu.core_type = #tpu.core_type<sc_vector_subcore>, window_params = [{transform_indices = #map}, {transform_indices = #map}, {transform_indices = #map}, {transform_indices = #map}, {transform_indices = #map}, {transform_indices = #map}]} {
    %mul3A = arith.constant 16 : i32
    %mul3A_0 = arith.muli %arg0, %mul3A : i32
    %add3A = arith.addi %mul3A_0, %arg1 : i32
    %mul3A_1 = arith.constant 632 : i32
    %mul3A_2 = arith.muli %arg1, %mul3A_1 : i32
    %mul3A_3 = arith.constant 632 : i32
    %mul3A_4 = arith.muli %arg1, %mul3A_3 : i32
    "tpu.region"() ({
      %run_scoped3A = tpu.sem_alloc : memref<!tpu.dma_semaphore, #tpu.memory_space<semaphore_mem>>
      %dma_start3A_79 = arith.constant 0 : i32
      %dma_start3A_80 = tpu.memref_slice %arg8[%mul3A_4, %dma_start3A_79] : memref<10112x128xf32, #tpu.memory_space<vmem_shared>> -> memref<632x128xf32, #tpu.memory_space<vmem_shared>>
      %dma_start3A_81 = arith.constant 0 : i32
      %dma_start3A_82 = tpu.memref_slice %arg5[%mul3A_2, %dma_start3A_81] : memref<10112x128xf32, #tpu.memory_space<hbm>> -> memref<632x128xf32, #tpu.memory_space<hbm>>
      tpu.enqueue_dma source(%dma_start3A_82 : memref<632x128xf32, #tpu.memory_space<hbm>>) target(%dma_start3A_80 : memref<632x128xf32, #tpu.memory_space<vmem_shared>>) target_semaphore(%run_scoped3A : memref<!tpu.dma_semaphore, #tpu.memory_space<semaphore_mem>>)
      %dma_wait3A = arith.constant 0 : i32
      %dma_wait3A_83 = tpu.memref_slice %arg8[%mul3A_4, %dma_wait3A] : memref<10112x128xf32, #tpu.memory_space<vmem_shared>> -> memref<632x128xf32, #tpu.memory_space<vmem_shared>>
      %dma_wait3A_84 = arith.constant 0 : i32
      %dma_wait3A_85 = tpu.memref_slice %arg5[%mul3A_2, %dma_wait3A_84] : memref<10112x128xf32, #tpu.memory_space<hbm>> -> memref<632x128xf32, #tpu.memory_space<hbm>>
      tpu.wait_dma2 semaphore(%run_scoped3A : memref<!tpu.dma_semaphore, #tpu.memory_space<semaphore_mem>>) src(%dma_wait3A_85 : memref<632x128xf32, #tpu.memory_space<hbm>>) dst(%dma_wait3A_83 : memref<632x128xf32, #tpu.memory_space<vmem_shared>>)
      tpu.yield
    }) : () -> ()
    %barrier3A = arith.constant 0 : index
    tpu.barrier barrier_id(%barrier3A)
    %mul3A_5 = arith.constant 80 : i32
    %mul3A_6 = arith.muli %add3A, %mul3A_5 : i32
    %add3A_7 = arith.constant 0 : i32
    %add3A_8 = arith.addi %mul3A_6, %add3A_7 : i32
    "tpu.region"() ({
      %run_scoped3A = tpu.sem_alloc : memref<!tpu.dma_semaphore, #tpu.memory_space<semaphore_mem>>
      %dma_start3A_79 = arith.constant 0 : i32
      %dma_start3A_80 = tpu.memref_slice %arg3[%add3A_8, %dma_start3A_79] : memref<2560x128xi32, #tpu.memory_space<hbm>> -> memref<40x128xi32, #tpu.memory_space<hbm>>
      %dma_start3A_81 = arith.constant 0 : i32
      %dma_start3A_82 = tpu.memref_slice %arg3[%add3A_8, %dma_start3A_81] : memref<2560x128xi32, #tpu.memory_space<hbm>> -> memref<40x128xi32, #tpu.memory_space<hbm>>
      tpu.enqueue_dma source(%dma_start3A_82 : memref<40x128xi32, #tpu.memory_space<hbm>>) target(%arg9 : memref<40x128xi32, #tpu.memory_space<vmem>>) target_semaphore(%run_scoped3A : memref<!tpu.dma_semaphore, #tpu.memory_space<semaphore_mem>>)
      %dma_wait3A = arith.constant 0 : i32
      %dma_wait3A_83 = tpu.memref_slice %arg3[%add3A_8, %dma_wait3A] : memref<2560x128xi32, #tpu.memory_space<hbm>> -> memref<40x128xi32, #tpu.memory_space<hbm>>
      %dma_wait3A_84 = arith.constant 0 : i32
      %dma_wait3A_85 = tpu.memref_slice %arg3[%add3A_8, %dma_wait3A_84] : memref<2560x128xi32, #tpu.memory_space<hbm>> -> memref<40x128xi32, #tpu.memory_space<hbm>>
      tpu.wait_dma2 semaphore(%run_scoped3A : memref<!tpu.dma_semaphore, #tpu.memory_space<semaphore_mem>>) src(%dma_wait3A_85 : memref<40x128xi32, #tpu.memory_space<hbm>>) dst(%arg9 : memref<40x128xi32, #tpu.memory_space<vmem>>)
      tpu.yield
    }) : () -> ()
    "tpu.region"() ({
      %run_scoped3A = tpu.sem_alloc : memref<!tpu.dma_semaphore, #tpu.memory_space<semaphore_mem>>
      %dma_start3A_79 = arith.constant 0 : i32
      %dma_start3A_80 = tpu.memref_slice %arg4[%add3A_8, %dma_start3A_79] : memref<2560x128xi32, #tpu.memory_space<hbm>> -> memref<40x128xi32, #tpu.memory_space<hbm>>
      %dma_start3A_81 = arith.constant 0 : i32
      %dma_start3A_82 = tpu.memref_slice %arg4[%add3A_8, %dma_start3A_81] : memref<2560x128xi32, #tpu.memory_space<hbm>> -> memref<40x128xi32, #tpu.memory_space<hbm>>
      tpu.enqueue_dma source(%dma_start3A_82 : memref<40x128xi32, #tpu.memory_space<hbm>>) target(%arg10 : memref<40x128xi32, #tpu.memory_space<vmem>>) target_semaphore(%run_scoped3A : memref<!tpu.dma_semaphore, #tpu.memory_space<semaphore_mem>>)
      %dma_wait3A = arith.constant 0 : i32
      %dma_wait3A_83 = tpu.memref_slice %arg4[%add3A_8, %dma_wait3A] : memref<2560x128xi32, #tpu.memory_space<hbm>> -> memref<40x128xi32, #tpu.memory_space<hbm>>
      %dma_wait3A_84 = arith.constant 0 : i32
      %dma_wait3A_85 = tpu.memref_slice %arg4[%add3A_8, %dma_wait3A_84] : memref<2560x128xi32, #tpu.memory_space<hbm>> -> memref<40x128xi32, #tpu.memory_space<hbm>>
      tpu.wait_dma2 semaphore(%run_scoped3A : memref<!tpu.dma_semaphore, #tpu.memory_space<semaphore_mem>>) src(%dma_wait3A_85 : memref<40x128xi32, #tpu.memory_space<hbm>>) dst(%arg10 : memref<40x128xi32, #tpu.memory_space<vmem>>)
      tpu.yield
    }) : () -> ()
    %dma_start3A = arith.constant 0 : i32
    %dma_start3A_9 = arith.constant 0 : i32
    %dma_start3A_10 = arith.constant 0 : i32
    %dma_start3A_11 = arith.constant 0 : i32
    %dma_start3A_12 = tpu.memref_slice %arg11[%dma_start3A_9, %dma_start3A_10, %dma_start3A_11] : memref<2x128x128xf32, #tpu.memory_space<vmem>> -> memref<1x128x128xf32, #tpu.memory_space<vmem>>
    %dma_start3A_13 = tpu.memref_squeeze %dma_start3A_12 : memref<1x128x128xf32, #tpu.memory_space<vmem>> -> memref<128x128xf32, #tpu.memory_space<vmem>>
    %dma_start3A_14 = arith.constant 0 : i32
    %dma_start3A_15 = tpu.memref_slice %arg9[%dma_start3A, %dma_start3A_14] : memref<40x128xi32, #tpu.memory_space<vmem>> -> memref<1x128xi32, #tpu.memory_space<vmem>>
    %dma_start3A_16 = tpu.memref_squeeze %dma_start3A_15 : memref<1x128xi32, #tpu.memory_space<vmem>> -> memref<128xi32, #tpu.memory_space<vmem>>
    %dma_start3A_17 = arith.constant 0 : i32
    %dma_start3A_18 = arith.constant 0 : i32
    %dma_start3A_19 = tpu.memref_slice %arg2[%dma_start3A_17, %dma_start3A_18] : memref<10000x128xf32, #tpu.memory_space<hbm>> -> memref<10000x128xf32, #tpu.memory_space<hbm>>
    tpu.enqueue_indirect_dma source(%dma_start3A_19 : memref<10000x128xf32, #tpu.memory_space<hbm>>) target(%dma_start3A_13 : memref<128x128xf32, #tpu.memory_space<vmem>>) offsets(%dma_start3A_16 : memref<128xi32, #tpu.memory_space<vmem>>) semaphore(%arg12 : memref<!tpu.dma_semaphore, #tpu.memory_space<semaphore_mem>>)
    %dma_start3A_20 = arith.constant 1 : i32
    %dma_start3A_21 = arith.constant 1 : i32
    %dma_start3A_22 = arith.constant 0 : i32
    %dma_start3A_23 = arith.constant 0 : i32
    %dma_start3A_24 = tpu.memref_slice %arg11[%dma_start3A_21, %dma_start3A_22, %dma_start3A_23] : memref<2x128x128xf32, #tpu.memory_space<vmem>> -> memref<1x128x128xf32, #tpu.memory_space<vmem>>
    %dma_start3A_25 = tpu.memref_squeeze %dma_start3A_24 : memref<1x128x128xf32, #tpu.memory_space<vmem>> -> memref<128x128xf32, #tpu.memory_space<vmem>>
    %dma_start3A_26 = arith.constant 0 : i32
    %dma_start3A_27 = tpu.memref_slice %arg9[%dma_start3A_20, %dma_start3A_26] : memref<40x128xi32, #tpu.memory_space<vmem>> -> memref<1x128xi32, #tpu.memory_space<vmem>>
    %dma_start3A_28 = tpu.memref_squeeze %dma_start3A_27 : memref<1x128xi32, #tpu.memory_space<vmem>> -> memref<128xi32, #tpu.memory_space<vmem>>
    %dma_start3A_29 = arith.constant 0 : i32
    %dma_start3A_30 = arith.constant 0 : i32
    %dma_start3A_31 = tpu.memref_slice %arg2[%dma_start3A_29, %dma_start3A_30] : memref<10000x128xf32, #tpu.memory_space<hbm>> -> memref<10000x128xf32, #tpu.memory_space<hbm>>
    tpu.enqueue_indirect_dma source(%dma_start3A_31 : memref<10000x128xf32, #tpu.memory_space<hbm>>) target(%dma_start3A_25 : memref<128x128xf32, #tpu.memory_space<vmem>>) offsets(%dma_start3A_28 : memref<128xi32, #tpu.memory_space<vmem>>) semaphore(%arg13 : memref<!tpu.dma_semaphore, #tpu.memory_space<semaphore_mem>>)
    %scan3A = arith.constant 0 : i32
    %scan3A_32 = arith.constant 0 : i32
    %scan3A_33 = arith.constant 20 : i32
    %scan3A_34 = arith.addi %scan3A_32, %scan3A_33 : i32
    %scan3A_35 = arith.constant 1 : i32
    scf.for %scan3A_79 = %scan3A_32 to %scan3A_34 step %scan3A_35  : i32 {
      %mul3A_80 = arith.constant 2 : i32
      %mul3A_81 = arith.muli %scan3A_79, %mul3A_80 : i32
      %add3A_82 = arith.constant 0 : i32
      %add3A_83 = arith.addi %mul3A_81, %add3A_82 : i32
      %dma_wait3A = arith.constant 0 : i32
      %dma_wait3A_84 = arith.constant 0 : i32
      %dma_wait3A_85 = arith.constant 0 : i32
      %dma_wait3A_86 = tpu.memref_slice %arg11[%dma_wait3A, %dma_wait3A_84, %dma_wait3A_85] : memref<2x128x128xf32, #tpu.memory_space<vmem>> -> memref<1x128x128xf32, #tpu.memory_space<vmem>>
      %dma_wait3A_87 = tpu.memref_squeeze %dma_wait3A_86 : memref<1x128x128xf32, #tpu.memory_space<vmem>> -> memref<128x128xf32, #tpu.memory_space<vmem>>
      %dma_wait3A_88 = arith.constant 0 : i32
      %dma_wait3A_89 = tpu.memref_slice %arg9[%add3A_83, %dma_wait3A_88] : memref<40x128xi32, #tpu.memory_space<vmem>> -> memref<1x128xi32, #tpu.memory_space<vmem>>
      %dma_wait3A_90 = tpu.memref_squeeze %dma_wait3A_89 : memref<1x128xi32, #tpu.memory_space<vmem>> -> memref<128xi32, #tpu.memory_space<vmem>>
      %dma_wait3A_91 = arith.constant 0 : i32
      %dma_wait3A_92 = arith.constant 0 : i32
      %dma_wait3A_93 = tpu.memref_slice %arg2[%dma_wait3A_91, %dma_wait3A_92] : memref<10000x128xf32, #tpu.memory_space<hbm>> -> memref<10000x128xf32, #tpu.memory_space<hbm>>
      tpu.wait_indirect_dma semaphore(%arg12 : memref<!tpu.dma_semaphore, #tpu.memory_space<semaphore_mem>>) src(%dma_wait3A_93 : memref<10000x128xf32, #tpu.memory_space<hbm>>) dst(%dma_wait3A_87 : memref<128x128xf32, #tpu.memory_space<vmem>>)
      %run_scoped3A = arith.constant 0 : i32
      "tpu.region"() ({
        %run_scoped3A_123 = tpu.sem_alloc : memref<!tpu.dma_semaphore, #tpu.memory_space<semaphore_mem>>
        %dma_start3A_124 = arith.constant 0 : i32
        %dma_start3A_125 = arith.constant 0 : i32
        %dma_start3A_126 = tpu.memref_slice %arg11[%run_scoped3A, %dma_start3A_124, %dma_start3A_125] : memref<2x128x128xf32, #tpu.memory_space<vmem>> -> memref<1x128x128xf32, #tpu.memory_space<vmem>>
        %dma_start3A_127 = tpu.memref_squeeze %dma_start3A_126 : memref<1x128x128xf32, #tpu.memory_space<vmem>> -> memref<128x128xf32, #tpu.memory_space<vmem>>
        %dma_start3A_128 = arith.constant 0 : i32
        %dma_start3A_129 = tpu.memref_slice %arg10[%add3A_83, %dma_start3A_128] : memref<40x128xi32, #tpu.memory_space<vmem>> -> memref<1x128xi32, #tpu.memory_space<vmem>>
        %dma_start3A_130 = tpu.memref_squeeze %dma_start3A_129 : memref<1x128xi32, #tpu.memory_space<vmem>> -> memref<128xi32, #tpu.memory_space<vmem>>
        %dma_start3A_131 = arith.constant 0 : i32
        %dma_start3A_132 = arith.constant 0 : i32
        %dma_start3A_133 = tpu.memref_slice %arg8[%dma_start3A_131, %dma_start3A_132] : memref<10112x128xf32, #tpu.memory_space<vmem_shared>> -> memref<10112x128xf32, #tpu.memory_space<vmem_shared>>
        tpu.enqueue_indirect_dma source(%dma_start3A_127 : memref<128x128xf32, #tpu.memory_space<vmem>>) target(%dma_start3A_133 : memref<10112x128xf32, #tpu.memory_space<vmem_shared>>) offsets(%dma_start3A_130 : memref<128xi32, #tpu.memory_space<vmem>>) semaphore(%run_scoped3A_123 : memref<!tpu.dma_semaphore, #tpu.memory_space<semaphore_mem>>) {add = true}
        %dma_wait3A_134 = arith.constant 0 : i32
        %dma_wait3A_135 = arith.constant 0 : i32
        %dma_wait3A_136 = tpu.memref_slice %arg11[%run_scoped3A, %dma_wait3A_134, %dma_wait3A_135] : memref<2x128x128xf32, #tpu.memory_space<vmem>> -> memref<1x128x128xf32, #tpu.memory_space<vmem>>
        %dma_wait3A_137 = tpu.memref_squeeze %dma_wait3A_136 : memref<1x128x128xf32, #tpu.memory_space<vmem>> -> memref<128x128xf32, #tpu.memory_space<vmem>>
        %dma_wait3A_138 = arith.constant 0 : i32
        %dma_wait3A_139 = tpu.memref_slice %arg10[%add3A_83, %dma_wait3A_138] : memref<40x128xi32, #tpu.memory_space<vmem>> -> memref<1x128xi32, #tpu.memory_space<vmem>>
        %dma_wait3A_140 = tpu.memref_squeeze %dma_wait3A_139 : memref<1x128xi32, #tpu.memory_space<vmem>> -> memref<128xi32, #tpu.memory_space<vmem>>
        %dma_wait3A_141 = arith.constant 0 : i32
        %dma_wait3A_142 = arith.constant 0 : i32
        %dma_wait3A_143 = tpu.memref_slice %arg8[%dma_wait3A_141, %dma_wait3A_142] : memref<10112x128xf32, #tpu.memory_space<vmem_shared>> -> memref<10112x128xf32, #tpu.memory_space<vmem_shared>>
        tpu.wait_indirect_dma semaphore(%run_scoped3A_123 : memref<!tpu.dma_semaphore, #tpu.memory_space<semaphore_mem>>) src(%dma_wait3A_137 : memref<128x128xf32, #tpu.memory_space<vmem>>) dst(%dma_wait3A_143 : memref<10112x128xf32, #tpu.memory_space<vmem_shared>>)
        tpu.yield
      }) : () -> ()
      %add3A_94 = arith.constant 2 : i32
      %add3A_95 = arith.addi %add3A_83, %add3A_94 : i32
      %lt3A = arith.constant 40 : i32
      %lt3A_96 = arith.cmpi slt, %add3A_95, %lt3A : i32
      %convert_element_type3A_97 = arith.extui %lt3A_96 : i1 to i32
      %cond3A_98 = arith.constant 0 : i32
      %cond3A_99 = arith.cmpi ne, %convert_element_type3A_97, %cond3A_98 : i32
      scf.if %cond3A_99 {
        %add3A_123 = arith.constant 2 : i32
        %add3A_124 = arith.addi %add3A_83, %add3A_123 : i32
        %dma_start3A_125 = arith.constant 0 : i32
        %dma_start3A_126 = arith.constant 0 : i32
        %dma_start3A_127 = arith.constant 0 : i32
        %dma_start3A_128 = tpu.memref_slice %arg11[%dma_start3A_125, %dma_start3A_126, %dma_start3A_127] : memref<2x128x128xf32, #tpu.memory_space<vmem>> -> memref<1x128x128xf32, #tpu.memory_space<vmem>>
        %dma_start3A_129 = tpu.memref_squeeze %dma_start3A_128 : memref<1x128x128xf32, #tpu.memory_space<vmem>> -> memref<128x128xf32, #tpu.memory_space<vmem>>
        %dma_start3A_130 = arith.constant 0 : i32
        %dma_start3A_131 = tpu.memref_slice %arg9[%add3A_124, %dma_start3A_130] : memref<40x128xi32, #tpu.memory_space<vmem>> -> memref<1x128xi32, #tpu.memory_space<vmem>>
        %dma_start3A_132 = tpu.memref_squeeze %dma_start3A_131 : memref<1x128xi32, #tpu.memory_space<vmem>> -> memref<128xi32, #tpu.memory_space<vmem>>
        %dma_start3A_133 = arith.constant 0 : i32
        %dma_start3A_134 = arith.constant 0 : i32
        %dma_start3A_135 = tpu.memref_slice %arg2[%dma_start3A_133, %dma_start3A_134] : memref<10000x128xf32, #tpu.memory_space<hbm>> -> memref<10000x128xf32, #tpu.memory_space<hbm>>
        tpu.enqueue_indirect_dma source(%dma_start3A_135 : memref<10000x128xf32, #tpu.memory_space<hbm>>) target(%dma_start3A_129 : memref<128x128xf32, #tpu.memory_space<vmem>>) offsets(%dma_start3A_132 : memref<128xi32, #tpu.memory_space<vmem>>) semaphore(%arg12 : memref<!tpu.dma_semaphore, #tpu.memory_space<semaphore_mem>>)
      } else {
      }
      %mul3A_100 = arith.constant 2 : i32
      %mul3A_101 = arith.muli %scan3A_79, %mul3A_100 : i32
      %add3A_102 = arith.constant 1 : i32
      %add3A_103 = arith.addi %mul3A_101, %add3A_102 : i32
      %dma_wait3A_104 = arith.constant 1 : i32
      %dma_wait3A_105 = arith.constant 0 : i32
      %dma_wait3A_106 = arith.constant 0 : i32
      %dma_wait3A_107 = tpu.memref_slice %arg11[%dma_wait3A_104, %dma_wait3A_105, %dma_wait3A_106] : memref<2x128x128xf32, #tpu.memory_space<vmem>> -> memref<1x128x128xf32, #tpu.memory_space<vmem>>
      %dma_wait3A_108 = tpu.memref_squeeze %dma_wait3A_107 : memref<1x128x128xf32, #tpu.memory_space<vmem>> -> memref<128x128xf32, #tpu.memory_space<vmem>>
      %dma_wait3A_109 = arith.constant 0 : i32
      %dma_wait3A_110 = tpu.memref_slice %arg9[%add3A_103, %dma_wait3A_109] : memref<40x128xi32, #tpu.memory_space<vmem>> -> memref<1x128xi32, #tpu.memory_space<vmem>>
      %dma_wait3A_111 = tpu.memref_squeeze %dma_wait3A_110 : memref<1x128xi32, #tpu.memory_space<vmem>> -> memref<128xi32, #tpu.memory_space<vmem>>
      %dma_wait3A_112 = arith.constant 0 : i32
      %dma_wait3A_113 = arith.constant 0 : i32
      %dma_wait3A_114 = tpu.memref_slice %arg2[%dma_wait3A_112, %dma_wait3A_113] : memref<10000x128xf32, #tpu.memory_space<hbm>> -> memref<10000x128xf32, #tpu.memory_space<hbm>>
      tpu.wait_indirect_dma semaphore(%arg13 : memref<!tpu.dma_semaphore, #tpu.memory_space<semaphore_mem>>) src(%dma_wait3A_114 : memref<10000x128xf32, #tpu.memory_space<hbm>>) dst(%dma_wait3A_108 : memref<128x128xf32, #tpu.memory_space<vmem>>)
      %run_scoped3A_115 = arith.constant 1 : i32
      "tpu.region"() ({
        %run_scoped3A_123 = tpu.sem_alloc : memref<!tpu.dma_semaphore, #tpu.memory_space<semaphore_mem>>
        %dma_start3A_124 = arith.constant 0 : i32
        %dma_start3A_125 = arith.constant 0 : i32
        %dma_start3A_126 = tpu.memref_slice %arg11[%run_scoped3A_115, %dma_start3A_124, %dma_start3A_125] : memref<2x128x128xf32, #tpu.memory_space<vmem>> -> memref<1x128x128xf32, #tpu.memory_space<vmem>>
        %dma_start3A_127 = tpu.memref_squeeze %dma_start3A_126 : memref<1x128x128xf32, #tpu.memory_space<vmem>> -> memref<128x128xf32, #tpu.memory_space<vmem>>
        %dma_start3A_128 = arith.constant 0 : i32
        %dma_start3A_129 = tpu.memref_slice %arg10[%add3A_103, %dma_start3A_128] : memref<40x128xi32, #tpu.memory_space<vmem>> -> memref<1x128xi32, #tpu.memory_space<vmem>>
        %dma_start3A_130 = tpu.memref_squeeze %dma_start3A_129 : memref<1x128xi32, #tpu.memory_space<vmem>> -> memref<128xi32, #tpu.memory_space<vmem>>
        %dma_start3A_131 = arith.constant 0 : i32
        %dma_start3A_132 = arith.constant 0 : i32
        %dma_start3A_133 = tpu.memref_slice %arg8[%dma_start3A_131, %dma_start3A_132] : memref<10112x128xf32, #tpu.memory_space<vmem_shared>> -> memref<10112x128xf32, #tpu.memory_space<vmem_shared>>
        tpu.enqueue_indirect_dma source(%dma_start3A_127 : memref<128x128xf32, #tpu.memory_space<vmem>>) target(%dma_start3A_133 : memref<10112x128xf32, #tpu.memory_space<vmem_shared>>) offsets(%dma_start3A_130 : memref<128xi32, #tpu.memory_space<vmem>>) semaphore(%run_scoped3A_123 : memref<!tpu.dma_semaphore, #tpu.memory_space<semaphore_mem>>) {add = true}
        %dma_wait3A_134 = arith.constant 0 : i32
        %dma_wait3A_135 = arith.constant 0 : i32
        %dma_wait3A_136 = tpu.memref_slice %arg11[%run_scoped3A_115, %dma_wait3A_134, %dma_wait3A_135] : memref<2x128x128xf32, #tpu.memory_space<vmem>> -> memref<1x128x128xf32, #tpu.memory_space<vmem>>
        %dma_wait3A_137 = tpu.memref_squeeze %dma_wait3A_136 : memref<1x128x128xf32, #tpu.memory_space<vmem>> -> memref<128x128xf32, #tpu.memory_space<vmem>>
        %dma_wait3A_138 = arith.constant 0 : i32
        %dma_wait3A_139 = tpu.memref_slice %arg10[%add3A_103, %dma_wait3A_138] : memref<40x128xi32, #tpu.memory_space<vmem>> -> memref<1x128xi32, #tpu.memory_space<vmem>>
        %dma_wait3A_140 = tpu.memref_squeeze %dma_wait3A_139 : memref<1x128xi32, #tpu.memory_space<vmem>> -> memref<128xi32, #tpu.memory_space<vmem>>
        %dma_wait3A_141 = arith.constant 0 : i32
        %dma_wait3A_142 = arith.constant 0 : i32
        %dma_wait3A_143 = tpu.memref_slice %arg8[%dma_wait3A_141, %dma_wait3A_142] : memref<10112x128xf32, #tpu.memory_space<vmem_shared>> -> memref<10112x128xf32, #tpu.memory_space<vmem_shared>>
        tpu.wait_indirect_dma semaphore(%run_scoped3A_123 : memref<!tpu.dma_semaphore, #tpu.memory_space<semaphore_mem>>) src(%dma_wait3A_137 : memref<128x128xf32, #tpu.memory_space<vmem>>) dst(%dma_wait3A_143 : memref<10112x128xf32, #tpu.memory_space<vmem_shared>>)
        tpu.yield
      }) : () -> ()
      %add3A_116 = arith.constant 2 : i32
      %add3A_117 = arith.addi %add3A_103, %add3A_116 : i32
      %lt3A_118 = arith.constant 40 : i32
      %lt3A_119 = arith.cmpi slt, %add3A_117, %lt3A_118 : i32
      %convert_element_type3A_120 = arith.extui %lt3A_119 : i1 to i32
      %cond3A_121 = arith.constant 0 : i32
      %cond3A_122 = arith.cmpi ne, %convert_element_type3A_120, %cond3A_121 : i32
      scf.if %cond3A_122 {
        %add3A_123 = arith.constant 2 : i32
        %add3A_124 = arith.addi %add3A_103, %add3A_123 : i32
        %dma_start3A_125 = arith.constant 1 : i32
        %dma_start3A_126 = arith.constant 0 : i32
        %dma_start3A_127 = arith.constant 0 : i32
        %dma_start3A_128 = tpu.memref_slice %arg11[%dma_start3A_125, %dma_start3A_126, %dma_start3A_127] : memref<2x128x128xf32, #tpu.memory_space<vmem>> -> memref<1x128x128xf32, #tpu.memory_space<vmem>>
        %dma_start3A_129 = tpu.memref_squeeze %dma_start3A_128 : memref<1x128x128xf32, #tpu.memory_space<vmem>> -> memref<128x128xf32, #tpu.memory_space<vmem>>
        %dma_start3A_130 = arith.constant 0 : i32
        %dma_start3A_131 = tpu.memref_slice %arg9[%add3A_124, %dma_start3A_130] : memref<40x128xi32, #tpu.memory_space<vmem>> -> memref<1x128xi32, #tpu.memory_space<vmem>>
        %dma_start3A_132 = tpu.memref_squeeze %dma_start3A_131 : memref<1x128xi32, #tpu.memory_space<vmem>> -> memref<128xi32, #tpu.memory_space<vmem>>
        %dma_start3A_133 = arith.constant 0 : i32
        %dma_start3A_134 = arith.constant 0 : i32
        %dma_start3A_135 = tpu.memref_slice %arg2[%dma_start3A_133, %dma_start3A_134] : memref<10000x128xf32, #tpu.memory_space<hbm>> -> memref<10000x128xf32, #tpu.memory_space<hbm>>
        tpu.enqueue_indirect_dma source(%dma_start3A_135 : memref<10000x128xf32, #tpu.memory_space<hbm>>) target(%dma_start3A_129 : memref<128x128xf32, #tpu.memory_space<vmem>>) offsets(%dma_start3A_132 : memref<128xi32, #tpu.memory_space<vmem>>) semaphore(%arg13 : memref<!tpu.dma_semaphore, #tpu.memory_space<semaphore_mem>>)
      } else {
      }
    }
    %scan3A_36 = arith.constant 20 : i32
    %mul3A_37 = arith.constant 80 : i32
    %mul3A_38 = arith.muli %add3A, %mul3A_37 : i32
    %add3A_39 = arith.constant 40 : i32
    %add3A_40 = arith.addi %mul3A_38, %add3A_39 : i32
    "tpu.region"() ({
      %run_scoped3A = tpu.sem_alloc : memref<!tpu.dma_semaphore, #tpu.memory_space<semaphore_mem>>
      %dma_start3A_79 = arith.constant 0 : i32
      %dma_start3A_80 = tpu.memref_slice %arg3[%add3A_40, %dma_start3A_79] : memref<2560x128xi32, #tpu.memory_space<hbm>> -> memref<40x128xi32, #tpu.memory_space<hbm>>
      %dma_start3A_81 = arith.constant 0 : i32
      %dma_start3A_82 = tpu.memref_slice %arg3[%add3A_40, %dma_start3A_81] : memref<2560x128xi32, #tpu.memory_space<hbm>> -> memref<40x128xi32, #tpu.memory_space<hbm>>
      tpu.enqueue_dma source(%dma_start3A_82 : memref<40x128xi32, #tpu.memory_space<hbm>>) target(%arg9 : memref<40x128xi32, #tpu.memory_space<vmem>>) target_semaphore(%run_scoped3A : memref<!tpu.dma_semaphore, #tpu.memory_space<semaphore_mem>>)
      %dma_wait3A = arith.constant 0 : i32
      %dma_wait3A_83 = tpu.memref_slice %arg3[%add3A_40, %dma_wait3A] : memref<2560x128xi32, #tpu.memory_space<hbm>> -> memref<40x128xi32, #tpu.memory_space<hbm>>
      %dma_wait3A_84 = arith.constant 0 : i32
      %dma_wait3A_85 = tpu.memref_slice %arg3[%add3A_40, %dma_wait3A_84] : memref<2560x128xi32, #tpu.memory_space<hbm>> -> memref<40x128xi32, #tpu.memory_space<hbm>>
      tpu.wait_dma2 semaphore(%run_scoped3A : memref<!tpu.dma_semaphore, #tpu.memory_space<semaphore_mem>>) src(%dma_wait3A_85 : memref<40x128xi32, #tpu.memory_space<hbm>>) dst(%arg9 : memref<40x128xi32, #tpu.memory_space<vmem>>)
      tpu.yield
    }) : () -> ()
    "tpu.region"() ({
      %run_scoped3A = tpu.sem_alloc : memref<!tpu.dma_semaphore, #tpu.memory_space<semaphore_mem>>
      %dma_start3A_79 = arith.constant 0 : i32
      %dma_start3A_80 = tpu.memref_slice %arg4[%add3A_40, %dma_start3A_79] : memref<2560x128xi32, #tpu.memory_space<hbm>> -> memref<40x128xi32, #tpu.memory_space<hbm>>
      %dma_start3A_81 = arith.constant 0 : i32
      %dma_start3A_82 = tpu.memref_slice %arg4[%add3A_40, %dma_start3A_81] : memref<2560x128xi32, #tpu.memory_space<hbm>> -> memref<40x128xi32, #tpu.memory_space<hbm>>
      tpu.enqueue_dma source(%dma_start3A_82 : memref<40x128xi32, #tpu.memory_space<hbm>>) target(%arg10 : memref<40x128xi32, #tpu.memory_space<vmem>>) target_semaphore(%run_scoped3A : memref<!tpu.dma_semaphore, #tpu.memory_space<semaphore_mem>>)
      %dma_wait3A = arith.constant 0 : i32
      %dma_wait3A_83 = tpu.memref_slice %arg4[%add3A_40, %dma_wait3A] : memref<2560x128xi32, #tpu.memory_space<hbm>> -> memref<40x128xi32, #tpu.memory_space<hbm>>
      %dma_wait3A_84 = arith.constant 0 : i32
      %dma_wait3A_85 = tpu.memref_slice %arg4[%add3A_40, %dma_wait3A_84] : memref<2560x128xi32, #tpu.memory_space<hbm>> -> memref<40x128xi32, #tpu.memory_space<hbm>>
      tpu.wait_dma2 semaphore(%run_scoped3A : memref<!tpu.dma_semaphore, #tpu.memory_space<semaphore_mem>>) src(%dma_wait3A_85 : memref<40x128xi32, #tpu.memory_space<hbm>>) dst(%arg10 : memref<40x128xi32, #tpu.memory_space<vmem>>)
      tpu.yield
    }) : () -> ()
    %dma_start3A_41 = arith.constant 0 : i32
    %dma_start3A_42 = arith.constant 0 : i32
    %dma_start3A_43 = arith.constant 0 : i32
    %dma_start3A_44 = arith.constant 0 : i32
    %dma_start3A_45 = tpu.memref_slice %arg11[%dma_start3A_42, %dma_start3A_43, %dma_start3A_44] : memref<2x128x128xf32, #tpu.memory_space<vmem>> -> memref<1x128x128xf32, #tpu.memory_space<vmem>>
    %dma_start3A_46 = tpu.memref_squeeze %dma_start3A_45 : memref<1x128x128xf32, #tpu.memory_space<vmem>> -> memref<128x128xf32, #tpu.memory_space<vmem>>
    %dma_start3A_47 = arith.constant 0 : i32
    %dma_start3A_48 = tpu.memref_slice %arg9[%dma_start3A_41, %dma_start3A_47] : memref<40x128xi32, #tpu.memory_space<vmem>> -> memref<1x128xi32, #tpu.memory_space<vmem>>
    %dma_start3A_49 = tpu.memref_squeeze %dma_start3A_48 : memref<1x128xi32, #tpu.memory_space<vmem>> -> memref<128xi32, #tpu.memory_space<vmem>>
    %dma_start3A_50 = arith.constant 0 : i32
    %dma_start3A_51 = arith.constant 0 : i32
    %dma_start3A_52 = tpu.memref_slice %arg2[%dma_start3A_50, %dma_start3A_51] : memref<10000x128xf32, #tpu.memory_space<hbm>> -> memref<10000x128xf32, #tpu.memory_space<hbm>>
    tpu.enqueue_indirect_dma source(%dma_start3A_52 : memref<10000x128xf32, #tpu.memory_space<hbm>>) target(%dma_start3A_46 : memref<128x128xf32, #tpu.memory_space<vmem>>) offsets(%dma_start3A_49 : memref<128xi32, #tpu.memory_space<vmem>>) semaphore(%arg12 : memref<!tpu.dma_semaphore, #tpu.memory_space<semaphore_mem>>)
    %dma_start3A_53 = arith.constant 1 : i32
    %dma_start3A_54 = arith.constant 1 : i32
    %dma_start3A_55 = arith.constant 0 : i32
    %dma_start3A_56 = arith.constant 0 : i32
    %dma_start3A_57 = tpu.memref_slice %arg11[%dma_start3A_54, %dma_start3A_55, %dma_start3A_56] : memref<2x128x128xf32, #tpu.memory_space<vmem>> -> memref<1x128x128xf32, #tpu.memory_space<vmem>>
    %dma_start3A_58 = tpu.memref_squeeze %dma_start3A_57 : memref<1x128x128xf32, #tpu.memory_space<vmem>> -> memref<128x128xf32, #tpu.memory_space<vmem>>
    %dma_start3A_59 = arith.constant 0 : i32
    %dma_start3A_60 = tpu.memref_slice %arg9[%dma_start3A_53, %dma_start3A_59] : memref<40x128xi32, #tpu.memory_space<vmem>> -> memref<1x128xi32, #tpu.memory_space<vmem>>
    %dma_start3A_61 = tpu.memref_squeeze %dma_start3A_60 : memref<1x128xi32, #tpu.memory_space<vmem>> -> memref<128xi32, #tpu.memory_space<vmem>>
    %dma_start3A_62 = arith.constant 0 : i32
    %dma_start3A_63 = arith.constant 0 : i32
    %dma_start3A_64 = tpu.memref_slice %arg2[%dma_start3A_62, %dma_start3A_63] : memref<10000x128xf32, #tpu.memory_space<hbm>> -> memref<10000x128xf32, #tpu.memory_space<hbm>>
    tpu.enqueue_indirect_dma source(%dma_start3A_64 : memref<10000x128xf32, #tpu.memory_space<hbm>>) target(%dma_start3A_58 : memref<128x128xf32, #tpu.memory_space<vmem>>) offsets(%dma_start3A_61 : memref<128xi32, #tpu.memory_space<vmem>>) semaphore(%arg13 : memref<!tpu.dma_semaphore, #tpu.memory_space<semaphore_mem>>)
    %scan3A_65 = arith.constant 0 : i32
    %scan3A_66 = arith.constant 0 : i32
    %scan3A_67 = arith.constant 20 : i32
    %scan3A_68 = arith.addi %scan3A_66, %scan3A_67 : i32
    %scan3A_69 = arith.constant 1 : i32
    scf.for %scan3A_79 = %scan3A_66 to %scan3A_68 step %scan3A_69  : i32 {
      %mul3A_80 = arith.constant 2 : i32
      %mul3A_81 = arith.muli %scan3A_79, %mul3A_80 : i32
      %add3A_82 = arith.constant 0 : i32
      %add3A_83 = arith.addi %mul3A_81, %add3A_82 : i32
      %dma_wait3A = arith.constant 0 : i32
      %dma_wait3A_84 = arith.constant 0 : i32
      %dma_wait3A_85 = arith.constant 0 : i32
      %dma_wait3A_86 = tpu.memref_slice %arg11[%dma_wait3A, %dma_wait3A_84, %dma_wait3A_85] : memref<2x128x128xf32, #tpu.memory_space<vmem>> -> memref<1x128x128xf32, #tpu.memory_space<vmem>>
      %dma_wait3A_87 = tpu.memref_squeeze %dma_wait3A_86 : memref<1x128x128xf32, #tpu.memory_space<vmem>> -> memref<128x128xf32, #tpu.memory_space<vmem>>
      %dma_wait3A_88 = arith.constant 0 : i32
      %dma_wait3A_89 = tpu.memref_slice %arg9[%add3A_83, %dma_wait3A_88] : memref<40x128xi32, #tpu.memory_space<vmem>> -> memref<1x128xi32, #tpu.memory_space<vmem>>
      %dma_wait3A_90 = tpu.memref_squeeze %dma_wait3A_89 : memref<1x128xi32, #tpu.memory_space<vmem>> -> memref<128xi32, #tpu.memory_space<vmem>>
      %dma_wait3A_91 = arith.constant 0 : i32
      %dma_wait3A_92 = arith.constant 0 : i32
      %dma_wait3A_93 = tpu.memref_slice %arg2[%dma_wait3A_91, %dma_wait3A_92] : memref<10000x128xf32, #tpu.memory_space<hbm>> -> memref<10000x128xf32, #tpu.memory_space<hbm>>
      tpu.wait_indirect_dma semaphore(%arg12 : memref<!tpu.dma_semaphore, #tpu.memory_space<semaphore_mem>>) src(%dma_wait3A_93 : memref<10000x128xf32, #tpu.memory_space<hbm>>) dst(%dma_wait3A_87 : memref<128x128xf32, #tpu.memory_space<vmem>>)
      %run_scoped3A = arith.constant 0 : i32
      "tpu.region"() ({
        %run_scoped3A_123 = tpu.sem_alloc : memref<!tpu.dma_semaphore, #tpu.memory_space<semaphore_mem>>
        %dma_start3A_124 = arith.constant 0 : i32
        %dma_start3A_125 = arith.constant 0 : i32
        %dma_start3A_126 = tpu.memref_slice %arg11[%run_scoped3A, %dma_start3A_124, %dma_start3A_125] : memref<2x128x128xf32, #tpu.memory_space<vmem>> -> memref<1x128x128xf32, #tpu.memory_space<vmem>>
        %dma_start3A_127 = tpu.memref_squeeze %dma_start3A_126 : memref<1x128x128xf32, #tpu.memory_space<vmem>> -> memref<128x128xf32, #tpu.memory_space<vmem>>
        %dma_start3A_128 = arith.constant 0 : i32
        %dma_start3A_129 = tpu.memref_slice %arg10[%add3A_83, %dma_start3A_128] : memref<40x128xi32, #tpu.memory_space<vmem>> -> memref<1x128xi32, #tpu.memory_space<vmem>>
        %dma_start3A_130 = tpu.memref_squeeze %dma_start3A_129 : memref<1x128xi32, #tpu.memory_space<vmem>> -> memref<128xi32, #tpu.memory_space<vmem>>
        %dma_start3A_131 = arith.constant 0 : i32
        %dma_start3A_132 = arith.constant 0 : i32
        %dma_start3A_133 = tpu.memref_slice %arg8[%dma_start3A_131, %dma_start3A_132] : memref<10112x128xf32, #tpu.memory_space<vmem_shared>> -> memref<10112x128xf32, #tpu.memory_space<vmem_shared>>
        tpu.enqueue_indirect_dma source(%dma_start3A_127 : memref<128x128xf32, #tpu.memory_space<vmem>>) target(%dma_start3A_133 : memref<10112x128xf32, #tpu.memory_space<vmem_shared>>) offsets(%dma_start3A_130 : memref<128xi32, #tpu.memory_space<vmem>>) semaphore(%run_scoped3A_123 : memref<!tpu.dma_semaphore, #tpu.memory_space<semaphore_mem>>) {add = true}
        %dma_wait3A_134 = arith.constant 0 : i32
        %dma_wait3A_135 = arith.constant 0 : i32
        %dma_wait3A_136 = tpu.memref_slice %arg11[%run_scoped3A, %dma_wait3A_134, %dma_wait3A_135] : memref<2x128x128xf32, #tpu.memory_space<vmem>> -> memref<1x128x128xf32, #tpu.memory_space<vmem>>
        %dma_wait3A_137 = tpu.memref_squeeze %dma_wait3A_136 : memref<1x128x128xf32, #tpu.memory_space<vmem>> -> memref<128x128xf32, #tpu.memory_space<vmem>>
        %dma_wait3A_138 = arith.constant 0 : i32
        %dma_wait3A_139 = tpu.memref_slice %arg10[%add3A_83, %dma_wait3A_138] : memref<40x128xi32, #tpu.memory_space<vmem>> -> memref<1x128xi32, #tpu.memory_space<vmem>>
        %dma_wait3A_140 = tpu.memref_squeeze %dma_wait3A_139 : memref<1x128xi32, #tpu.memory_space<vmem>> -> memref<128xi32, #tpu.memory_space<vmem>>
        %dma_wait3A_141 = arith.constant 0 : i32
        %dma_wait3A_142 = arith.constant 0 : i32
        %dma_wait3A_143 = tpu.memref_slice %arg8[%dma_wait3A_141, %dma_wait3A_142] : memref<10112x128xf32, #tpu.memory_space<vmem_shared>> -> memref<10112x128xf32, #tpu.memory_space<vmem_shared>>
        tpu.wait_indirect_dma semaphore(%run_scoped3A_123 : memref<!tpu.dma_semaphore, #tpu.memory_space<semaphore_mem>>) src(%dma_wait3A_137 : memref<128x128xf32, #tpu.memory_space<vmem>>) dst(%dma_wait3A_143 : memref<10112x128xf32, #tpu.memory_space<vmem_shared>>)
        tpu.yield
      }) : () -> ()
      %add3A_94 = arith.constant 2 : i32
      %add3A_95 = arith.addi %add3A_83, %add3A_94 : i32
      %lt3A = arith.constant 40 : i32
      %lt3A_96 = arith.cmpi slt, %add3A_95, %lt3A : i32
      %convert_element_type3A_97 = arith.extui %lt3A_96 : i1 to i32
      %cond3A_98 = arith.constant 0 : i32
      %cond3A_99 = arith.cmpi ne, %convert_element_type3A_97, %cond3A_98 : i32
      scf.if %cond3A_99 {
        %add3A_123 = arith.constant 2 : i32
        %add3A_124 = arith.addi %add3A_83, %add3A_123 : i32
        %dma_start3A_125 = arith.constant 0 : i32
        %dma_start3A_126 = arith.constant 0 : i32
        %dma_start3A_127 = arith.constant 0 : i32
        %dma_start3A_128 = tpu.memref_slice %arg11[%dma_start3A_125, %dma_start3A_126, %dma_start3A_127] : memref<2x128x128xf32, #tpu.memory_space<vmem>> -> memref<1x128x128xf32, #tpu.memory_space<vmem>>
        %dma_start3A_129 = tpu.memref_squeeze %dma_start3A_128 : memref<1x128x128xf32, #tpu.memory_space<vmem>> -> memref<128x128xf32, #tpu.memory_space<vmem>>
        %dma_start3A_130 = arith.constant 0 : i32
        %dma_start3A_131 = tpu.memref_slice %arg9[%add3A_124, %dma_start3A_130] : memref<40x128xi32, #tpu.memory_space<vmem>> -> memref<1x128xi32, #tpu.memory_space<vmem>>
        %dma_start3A_132 = tpu.memref_squeeze %dma_start3A_131 : memref<1x128xi32, #tpu.memory_space<vmem>> -> memref<128xi32, #tpu.memory_space<vmem>>
        %dma_start3A_133 = arith.constant 0 : i32
        %dma_start3A_134 = arith.constant 0 : i32
        %dma_start3A_135 = tpu.memref_slice %arg2[%dma_start3A_133, %dma_start3A_134] : memref<10000x128xf32, #tpu.memory_space<hbm>> -> memref<10000x128xf32, #tpu.memory_space<hbm>>
        tpu.enqueue_indirect_dma source(%dma_start3A_135 : memref<10000x128xf32, #tpu.memory_space<hbm>>) target(%dma_start3A_129 : memref<128x128xf32, #tpu.memory_space<vmem>>) offsets(%dma_start3A_132 : memref<128xi32, #tpu.memory_space<vmem>>) semaphore(%arg12 : memref<!tpu.dma_semaphore, #tpu.memory_space<semaphore_mem>>)
      } else {
      }
      %mul3A_100 = arith.constant 2 : i32
      %mul3A_101 = arith.muli %scan3A_79, %mul3A_100 : i32
      %add3A_102 = arith.constant 1 : i32
      %add3A_103 = arith.addi %mul3A_101, %add3A_102 : i32
      %dma_wait3A_104 = arith.constant 1 : i32
      %dma_wait3A_105 = arith.constant 0 : i32
      %dma_wait3A_106 = arith.constant 0 : i32
      %dma_wait3A_107 = tpu.memref_slice %arg11[%dma_wait3A_104, %dma_wait3A_105, %dma_wait3A_106] : memref<2x128x128xf32, #tpu.memory_space<vmem>> -> memref<1x128x128xf32, #tpu.memory_space<vmem>>
      %dma_wait3A_108 = tpu.memref_squeeze %dma_wait3A_107 : memref<1x128x128xf32, #tpu.memory_space<vmem>> -> memref<128x128xf32, #tpu.memory_space<vmem>>
      %dma_wait3A_109 = arith.constant 0 : i32
      %dma_wait3A_110 = tpu.memref_slice %arg9[%add3A_103, %dma_wait3A_109] : memref<40x128xi32, #tpu.memory_space<vmem>> -> memref<1x128xi32, #tpu.memory_space<vmem>>
      %dma_wait3A_111 = tpu.memref_squeeze %dma_wait3A_110 : memref<1x128xi32, #tpu.memory_space<vmem>> -> memref<128xi32, #tpu.memory_space<vmem>>
      %dma_wait3A_112 = arith.constant 0 : i32
      %dma_wait3A_113 = arith.constant 0 : i32
      %dma_wait3A_114 = tpu.memref_slice %arg2[%dma_wait3A_112, %dma_wait3A_113] : memref<10000x128xf32, #tpu.memory_space<hbm>> -> memref<10000x128xf32, #tpu.memory_space<hbm>>
      tpu.wait_indirect_dma semaphore(%arg13 : memref<!tpu.dma_semaphore, #tpu.memory_space<semaphore_mem>>) src(%dma_wait3A_114 : memref<10000x128xf32, #tpu.memory_space<hbm>>) dst(%dma_wait3A_108 : memref<128x128xf32, #tpu.memory_space<vmem>>)
      %run_scoped3A_115 = arith.constant 1 : i32
      "tpu.region"() ({
        %run_scoped3A_123 = tpu.sem_alloc : memref<!tpu.dma_semaphore, #tpu.memory_space<semaphore_mem>>
        %dma_start3A_124 = arith.constant 0 : i32
        %dma_start3A_125 = arith.constant 0 : i32
        %dma_start3A_126 = tpu.memref_slice %arg11[%run_scoped3A_115, %dma_start3A_124, %dma_start3A_125] : memref<2x128x128xf32, #tpu.memory_space<vmem>> -> memref<1x128x128xf32, #tpu.memory_space<vmem>>
        %dma_start3A_127 = tpu.memref_squeeze %dma_start3A_126 : memref<1x128x128xf32, #tpu.memory_space<vmem>> -> memref<128x128xf32, #tpu.memory_space<vmem>>
        %dma_start3A_128 = arith.constant 0 : i32
        %dma_start3A_129 = tpu.memref_slice %arg10[%add3A_103, %dma_start3A_128] : memref<40x128xi32, #tpu.memory_space<vmem>> -> memref<1x128xi32, #tpu.memory_space<vmem>>
        %dma_start3A_130 = tpu.memref_squeeze %dma_start3A_129 : memref<1x128xi32, #tpu.memory_space<vmem>> -> memref<128xi32, #tpu.memory_space<vmem>>
        %dma_start3A_131 = arith.constant 0 : i32
        %dma_start3A_132 = arith.constant 0 : i32
        %dma_start3A_133 = tpu.memref_slice %arg8[%dma_start3A_131, %dma_start3A_132] : memref<10112x128xf32, #tpu.memory_space<vmem_shared>> -> memref<10112x128xf32, #tpu.memory_space<vmem_shared>>
        tpu.enqueue_indirect_dma source(%dma_start3A_127 : memref<128x128xf32, #tpu.memory_space<vmem>>) target(%dma_start3A_133 : memref<10112x128xf32, #tpu.memory_space<vmem_shared>>) offsets(%dma_start3A_130 : memref<128xi32, #tpu.memory_space<vmem>>) semaphore(%run_scoped3A_123 : memref<!tpu.dma_semaphore, #tpu.memory_space<semaphore_mem>>) {add = true}
        %dma_wait3A_134 = arith.constant 0 : i32
        %dma_wait3A_135 = arith.constant 0 : i32
        %dma_wait3A_136 = tpu.memref_slice %arg11[%run_scoped3A_115, %dma_wait3A_134, %dma_wait3A_135] : memref<2x128x128xf32, #tpu.memory_space<vmem>> -> memref<1x128x128xf32, #tpu.memory_space<vmem>>
        %dma_wait3A_137 = tpu.memref_squeeze %dma_wait3A_136 : memref<1x128x128xf32, #tpu.memory_space<vmem>> -> memref<128x128xf32, #tpu.memory_space<vmem>>
        %dma_wait3A_138 = arith.constant 0 : i32
        %dma_wait3A_139 = tpu.memref_slice %arg10[%add3A_103, %dma_wait3A_138] : memref<40x128xi32, #tpu.memory_space<vmem>> -> memref<1x128xi32, #tpu.memory_space<vmem>>
        %dma_wait3A_140 = tpu.memref_squeeze %dma_wait3A_139 : memref<1x128xi32, #tpu.memory_space<vmem>> -> memref<128xi32, #tpu.memory_space<vmem>>
        %dma_wait3A_141 = arith.constant 0 : i32
        %dma_wait3A_142 = arith.constant 0 : i32
        %dma_wait3A_143 = tpu.memref_slice %arg8[%dma_wait3A_141, %dma_wait3A_142] : memref<10112x128xf32, #tpu.memory_space<vmem_shared>> -> memref<10112x128xf32, #tpu.memory_space<vmem_shared>>
        tpu.wait_indirect_dma semaphore(%run_scoped3A_123 : memref<!tpu.dma_semaphore, #tpu.memory_space<semaphore_mem>>) src(%dma_wait3A_137 : memref<128x128xf32, #tpu.memory_space<vmem>>) dst(%dma_wait3A_143 : memref<10112x128xf32, #tpu.memory_space<vmem_shared>>)
        tpu.yield
      }) : () -> ()
      %add3A_116 = arith.constant 2 : i32
      %add3A_117 = arith.addi %add3A_103, %add3A_116 : i32
      %lt3A_118 = arith.constant 40 : i32
      %lt3A_119 = arith.cmpi slt, %add3A_117, %lt3A_118 : i32
      %convert_element_type3A_120 = arith.extui %lt3A_119 : i1 to i32
      %cond3A_121 = arith.constant 0 : i32
      %cond3A_122 = arith.cmpi ne, %convert_element_type3A_120, %cond3A_121 : i32
      scf.if %cond3A_122 {
        %add3A_123 = arith.constant 2 : i32
        %add3A_124 = arith.addi %add3A_103, %add3A_123 : i32
        %dma_start3A_125 = arith.constant 1 : i32
        %dma_start3A_126 = arith.constant 0 : i32
        %dma_start3A_127 = arith.constant 0 : i32
        %dma_start3A_128 = tpu.memref_slice %arg11[%dma_start3A_125, %dma_start3A_126, %dma_start3A_127] : memref<2x128x128xf32, #tpu.memory_space<vmem>> -> memref<1x128x128xf32, #tpu.memory_space<vmem>>
        %dma_start3A_129 = tpu.memref_squeeze %dma_start3A_128 : memref<1x128x128xf32, #tpu.memory_space<vmem>> -> memref<128x128xf32, #tpu.memory_space<vmem>>
        %dma_start3A_130 = arith.constant 0 : i32
        %dma_start3A_131 = tpu.memref_slice %arg9[%add3A_124, %dma_start3A_130] : memref<40x128xi32, #tpu.memory_space<vmem>> -> memref<1x128xi32, #tpu.memory_space<vmem>>
        %dma_start3A_132 = tpu.memref_squeeze %dma_start3A_131 : memref<1x128xi32, #tpu.memory_space<vmem>> -> memref<128xi32, #tpu.memory_space<vmem>>
        %dma_start3A_133 = arith.constant 0 : i32
        %dma_start3A_134 = arith.constant 0 : i32
        %dma_start3A_135 = tpu.memref_slice %arg2[%dma_start3A_133, %dma_start3A_134] : memref<10000x128xf32, #tpu.memory_space<hbm>> -> memref<10000x128xf32, #tpu.memory_space<hbm>>
        tpu.enqueue_indirect_dma source(%dma_start3A_135 : memref<10000x128xf32, #tpu.memory_space<hbm>>) target(%dma_start3A_129 : memref<128x128xf32, #tpu.memory_space<vmem>>) offsets(%dma_start3A_132 : memref<128xi32, #tpu.memory_space<vmem>>) semaphore(%arg13 : memref<!tpu.dma_semaphore, #tpu.memory_space<semaphore_mem>>)
      } else {
      }
    }
    %scan3A_70 = arith.constant 20 : i32
    %barrier3A_71 = arith.constant 0 : index
    tpu.barrier barrier_id(%barrier3A_71)
    %eq3A = arith.constant 0 : i32
    %eq3A_72 = arith.cmpi eq, %arg0, %eq3A : i32
    %convert_element_type3A = arith.extui %eq3A_72 : i1 to i32
    %cond3A = arith.constant 0 : i32
    %cond3A_73 = arith.cmpi ne, %convert_element_type3A, %cond3A : i32
    scf.if %cond3A_73 {
      %mul3A_79 = arith.constant 632 : i32
      %mul3A_80 = arith.muli %arg1, %mul3A_79 : i32
      %mul3A_81 = arith.constant 632 : i32
      %mul3A_82 = arith.muli %arg1, %mul3A_81 : i32
      "tpu.region"() ({
        %run_scoped3A = tpu.sem_alloc : memref<!tpu.dma_semaphore, #tpu.memory_space<semaphore_mem>>
        %dma_start3A_83 = arith.constant 0 : i32
        %dma_start3A_84 = tpu.memref_slice %arg6[%mul3A_82, %dma_start3A_83] : memref<10112x128xf32, #tpu.memory_space<hbm>> -> memref<632x128xf32, #tpu.memory_space<hbm>>
        %dma_start3A_85 = arith.constant 0 : i32
        %dma_start3A_86 = tpu.memref_slice %arg8[%mul3A_80, %dma_start3A_85] : memref<10112x128xf32, #tpu.memory_space<vmem_shared>> -> memref<632x128xf32, #tpu.memory_space<vmem_shared>>
        tpu.enqueue_dma source(%dma_start3A_86 : memref<632x128xf32, #tpu.memory_space<vmem_shared>>) target(%dma_start3A_84 : memref<632x128xf32, #tpu.memory_space<hbm>>) target_semaphore(%run_scoped3A : memref<!tpu.dma_semaphore, #tpu.memory_space<semaphore_mem>>)
        %dma_wait3A = arith.constant 0 : i32
        %dma_wait3A_87 = tpu.memref_slice %arg6[%mul3A_82, %dma_wait3A] : memref<10112x128xf32, #tpu.memory_space<hbm>> -> memref<632x128xf32, #tpu.memory_space<hbm>>
        %dma_wait3A_88 = arith.constant 0 : i32
        %dma_wait3A_89 = tpu.memref_slice %arg8[%mul3A_80, %dma_wait3A_88] : memref<10112x128xf32, #tpu.memory_space<vmem_shared>> -> memref<632x128xf32, #tpu.memory_space<vmem_shared>>
        tpu.wait_dma2 semaphore(%run_scoped3A : memref<!tpu.dma_semaphore, #tpu.memory_space<semaphore_mem>>) src(%dma_wait3A_89 : memref<632x128xf32, #tpu.memory_space<vmem_shared>>) dst(%dma_wait3A_87 : memref<632x128xf32, #tpu.memory_space<hbm>>)
        tpu.yield
      }) : () -> ()
    } else {
    }
    %eq3A_74 = arith.constant 1 : i32
    %eq3A_75 = arith.cmpi eq, %arg0, %eq3A_74 : i32
    %convert_element_type3A_76 = arith.extui %eq3A_75 : i1 to i32
    %cond3A_77 = arith.constant 0 : i32
    %cond3A_78 = arith.cmpi ne, %convert_element_type3A_76, %cond3A_77 : i32
    scf.if %cond3A_78 {
      %mul3A_79 = arith.constant 632 : i32
      %mul3A_80 = arith.muli %arg1, %mul3A_79 : i32
      %mul3A_81 = arith.constant 632 : i32
      %mul3A_82 = arith.muli %arg1, %mul3A_81 : i32
      "tpu.region"() ({
        %run_scoped3A = tpu.sem_alloc : memref<!tpu.dma_semaphore, #tpu.memory_space<semaphore_mem>>
        %dma_start3A_83 = arith.constant 0 : i32
        %dma_start3A_84 = tpu.memref_slice %arg7[%mul3A_82, %dma_start3A_83] : memref<10112x128xf32, #tpu.memory_space<hbm>> -> memref<632x128xf32, #tpu.memory_space<hbm>>
        %dma_start3A_85 = arith.constant 0 : i32
        %dma_start3A_86 = tpu.memref_slice %arg8[%mul3A_80, %dma_start3A_85] : memref<10112x128xf32, #tpu.memory_space<vmem_shared>> -> memref<632x128xf32, #tpu.memory_space<vmem_shared>>
        tpu.enqueue_dma source(%dma_start3A_86 : memref<632x128xf32, #tpu.memory_space<vmem_shared>>) target(%dma_start3A_84 : memref<632x128xf32, #tpu.memory_space<hbm>>) target_semaphore(%run_scoped3A : memref<!tpu.dma_semaphore, #tpu.memory_space<semaphore_mem>>)
        %dma_wait3A = arith.constant 0 : i32
        %dma_wait3A_87 = tpu.memref_slice %arg7[%mul3A_82, %dma_wait3A] : memref<10112x128xf32, #tpu.memory_space<hbm>> -> memref<632x128xf32, #tpu.memory_space<hbm>>
        %dma_wait3A_88 = arith.constant 0 : i32
        %dma_wait3A_89 = tpu.memref_slice %arg8[%mul3A_80, %dma_wait3A_88] : memref<10112x128xf32, #tpu.memory_space<vmem_shared>> -> memref<632x128xf32, #tpu.memory_space<vmem_shared>>
        tpu.wait_dma2 semaphore(%run_scoped3A : memref<!tpu.dma_semaphore, #tpu.memory_space<semaphore_mem>>) src(%dma_wait3A_89 : memref<632x128xf32, #tpu.memory_space<vmem_shared>>) dst(%dma_wait3A_87 : memref<632x128xf32, #tpu.memory_space<hbm>>)
        tpu.yield
      }) : () -> ()
    } else {
    }
    return
  }
}

#map = affine_map<(d0, d1) -> (0, 0)>
module attributes {stable_mosaic.version = 14 : i64} {
  func.func @seg_sum(%arg0: i32, %arg1: i32, %arg2: memref<10000x128xf32, #tpu.memory_space<hbm>>, %arg3: memref<2560x128xi32, #tpu.memory_space<hbm>>, %arg4: memref<2560x128xi32, #tpu.memory_space<hbm>>, %arg5: memref<10112x128xf32, #tpu.memory_space<hbm>>, %arg6: memref<10112x128xf32, #tpu.memory_space<hbm>>, %arg7: memref<10112x128xf32, #tpu.memory_space<hbm>>, %arg8: memref<10112x128xf32, #tpu.memory_space<vmem_shared>>, %arg9: memref<40x128xi32, #tpu.memory_space<vmem>>, %arg10: memref<40x128xi32, #tpu.memory_space<vmem>>, %arg11: memref<2x128x128xf32, #tpu.memory_space<vmem>>, %arg12: memref<!tpu.dma_semaphore, #tpu.memory_space<semaphore_mem>>, %arg13: memref<!tpu.dma_semaphore, #tpu.memory_space<semaphore_mem>>) attributes {dimension_semantics = [#tpu.dimension_semantics<core_parallel>, #tpu.dimension_semantics<subcore_parallel>], iteration_bounds = array<i64: 2, 16>, scalar_prefetch = 0 : i64, scratch_operands = 6 : i64, tpu.core_type = #tpu.core_type<sc_vector_subcore>, window_params = [{transform_indices = #map}, {transform_indices = #map}, {transform_indices = #map}, {transform_indices = #map}, {transform_indices = #map}, {transform_indices = #map}]} {
    %mul3A = arith.constant 16 : i32
    %mul3A_0 = arith.muli %arg0, %mul3A : i32
    %add3A = arith.addi %mul3A_0, %arg1 : i32
    %mul3A_1 = arith.constant 632 : i32
    %mul3A_2 = arith.muli %arg1, %mul3A_1 : i32
    %mul3A_3 = arith.constant 632 : i32
    %mul3A_4 = arith.muli %arg1, %mul3A_3 : i32
    "tpu.region"() ({
      %run_scoped3A = tpu.sem_alloc : memref<!tpu.dma_semaphore, #tpu.memory_space<semaphore_mem>>
      %dma_start3A_79 = arith.constant 0 : i32
      %dma_start3A_80 = tpu.memref_slice %arg8[%mul3A_4, %dma_start3A_79] : memref<10112x128xf32, #tpu.memory_space<vmem_shared>> -> memref<632x128xf32, #tpu.memory_space<vmem_shared>>
      %dma_start3A_81 = arith.constant 0 : i32
      %dma_start3A_82 = tpu.memref_slice %arg5[%mul3A_2, %dma_start3A_81] : memref<10112x128xf32, #tpu.memory_space<hbm>> -> memref<632x128xf32, #tpu.memory_space<hbm>>
      tpu.enqueue_dma source(%dma_start3A_82 : memref<632x128xf32, #tpu.memory_space<hbm>>) target(%dma_start3A_80 : memref<632x128xf32, #tpu.memory_space<vmem_shared>>) target_semaphore(%run_scoped3A : memref<!tpu.dma_semaphore, #tpu.memory_space<semaphore_mem>>)
      %dma_wait3A = arith.constant 0 : i32
      %dma_wait3A_83 = tpu.memref_slice %arg8[%mul3A_4, %dma_wait3A] : memref<10112x128xf32, #tpu.memory_space<vmem_shared>> -> memref<632x128xf32, #tpu.memory_space<vmem_shared>>
      %dma_wait3A_84 = arith.constant 0 : i32
      %dma_wait3A_85 = tpu.memref_slice %arg5[%mul3A_2, %dma_wait3A_84] : memref<10112x128xf32, #tpu.memory_space<hbm>> -> memref<632x128xf32, #tpu.memory_space<hbm>>
      tpu.wait_dma2 semaphore(%run_scoped3A : memref<!tpu.dma_semaphore, #tpu.memory_space<semaphore_mem>>) src(%dma_wait3A_85 : memref<632x128xf32, #tpu.memory_space<hbm>>) dst(%dma_wait3A_83 : memref<632x128xf32, #tpu.memory_space<vmem_shared>>)
      tpu.yield
    }) : () -> ()
    %barrier3A = arith.constant 0 : index
    tpu.barrier barrier_id(%barrier3A)
    %mul3A_5 = arith.constant 80 : i32
    %mul3A_6 = arith.muli %add3A, %mul3A_5 : i32
    %add3A_7 = arith.constant 0 : i32
    %add3A_8 = arith.addi %mul3A_6, %add3A_7 : i32
    "tpu.region"() ({
      %run_scoped3A = tpu.sem_alloc : memref<!tpu.dma_semaphore, #tpu.memory_space<semaphore_mem>>
      %dma_start3A_79 = arith.constant 0 : i32
      %dma_start3A_80 = tpu.memref_slice %arg3[%add3A_8, %dma_start3A_79] : memref<2560x128xi32, #tpu.memory_space<hbm>> -> memref<40x128xi32, #tpu.memory_space<hbm>>
      %dma_start3A_81 = arith.constant 0 : i32
      %dma_start3A_82 = tpu.memref_slice %arg3[%add3A_8, %dma_start3A_81] : memref<2560x128xi32, #tpu.memory_space<hbm>> -> memref<40x128xi32, #tpu.memory_space<hbm>>
      tpu.enqueue_dma source(%dma_start3A_82 : memref<40x128xi32, #tpu.memory_space<hbm>>) target(%arg9 : memref<40x128xi32, #tpu.memory_space<vmem>>) target_semaphore(%run_scoped3A : memref<!tpu.dma_semaphore, #tpu.memory_space<semaphore_mem>>)
      %dma_wait3A = arith.constant 0 : i32
      %dma_wait3A_83 = tpu.memref_slice %arg3[%add3A_8, %dma_wait3A] : memref<2560x128xi32, #tpu.memory_space<hbm>> -> memref<40x128xi32, #tpu.memory_space<hbm>>
      %dma_wait3A_84 = arith.constant 0 : i32
      %dma_wait3A_85 = tpu.memref_slice %arg3[%add3A_8, %dma_wait3A_84] : memref<2560x128xi32, #tpu.memory_space<hbm>> -> memref<40x128xi32, #tpu.memory_space<hbm>>
      tpu.wait_dma2 semaphore(%run_scoped3A : memref<!tpu.dma_semaphore, #tpu.memory_space<semaphore_mem>>) src(%dma_wait3A_85 : memref<40x128xi32, #tpu.memory_space<hbm>>) dst(%arg9 : memref<40x128xi32, #tpu.memory_space<vmem>>)
      tpu.yield
    }) : () -> ()
    "tpu.region"() ({
      %run_scoped3A = tpu.sem_alloc : memref<!tpu.dma_semaphore, #tpu.memory_space<semaphore_mem>>
      %dma_start3A_79 = arith.constant 0 : i32
      %dma_start3A_80 = tpu.memref_slice %arg4[%add3A_8, %dma_start3A_79] : memref<2560x128xi32, #tpu.memory_space<hbm>> -> memref<40x128xi32, #tpu.memory_space<hbm>>
      %dma_start3A_81 = arith.constant 0 : i32
      %dma_start3A_82 = tpu.memref_slice %arg4[%add3A_8, %dma_start3A_81] : memref<2560x128xi32, #tpu.memory_space<hbm>> -> memref<40x128xi32, #tpu.memory_space<hbm>>
      tpu.enqueue_dma source(%dma_start3A_82 : memref<40x128xi32, #tpu.memory_space<hbm>>) target(%arg10 : memref<40x128xi32, #tpu.memory_space<vmem>>) target_semaphore(%run_scoped3A : memref<!tpu.dma_semaphore, #tpu.memory_space<semaphore_mem>>)
      %dma_wait3A = arith.constant 0 : i32
      %dma_wait3A_83 = tpu.memref_slice %arg4[%add3A_8, %dma_wait3A] : memref<2560x128xi32, #tpu.memory_space<hbm>> -> memref<40x128xi32, #tpu.memory_space<hbm>>
      %dma_wait3A_84 = arith.constant 0 : i32
      %dma_wait3A_85 = tpu.memref_slice %arg4[%add3A_8, %dma_wait3A_84] : memref<2560x128xi32, #tpu.memory_space<hbm>> -> memref<40x128xi32, #tpu.memory_space<hbm>>
      tpu.wait_dma2 semaphore(%run_scoped3A : memref<!tpu.dma_semaphore, #tpu.memory_space<semaphore_mem>>) src(%dma_wait3A_85 : memref<40x128xi32, #tpu.memory_space<hbm>>) dst(%arg10 : memref<40x128xi32, #tpu.memory_space<vmem>>)
      tpu.yield
    }) : () -> ()
    %dma_start3A = arith.constant 0 : i32
    %dma_start3A_9 = arith.constant 0 : i32
    %dma_start3A_10 = arith.constant 0 : i32
    %dma_start3A_11 = arith.constant 0 : i32
    %dma_start3A_12 = tpu.memref_slice %arg11[%dma_start3A_9, %dma_start3A_10, %dma_start3A_11] : memref<2x128x128xf32, #tpu.memory_space<vmem>> -> memref<1x128x128xf32, #tpu.memory_space<vmem>>
    %dma_start3A_13 = tpu.memref_squeeze %dma_start3A_12 : memref<1x128x128xf32, #tpu.memory_space<vmem>> -> memref<128x128xf32, #tpu.memory_space<vmem>>
    %dma_start3A_14 = arith.constant 0 : i32
    %dma_start3A_15 = tpu.memref_slice %arg9[%dma_start3A, %dma_start3A_14] : memref<40x128xi32, #tpu.memory_space<vmem>> -> memref<1x128xi32, #tpu.memory_space<vmem>>
    %dma_start3A_16 = tpu.memref_squeeze %dma_start3A_15 : memref<1x128xi32, #tpu.memory_space<vmem>> -> memref<128xi32, #tpu.memory_space<vmem>>
    %dma_start3A_17 = arith.constant 0 : i32
    %dma_start3A_18 = arith.constant 0 : i32
    %dma_start3A_19 = tpu.memref_slice %arg2[%dma_start3A_17, %dma_start3A_18] : memref<10000x128xf32, #tpu.memory_space<hbm>> -> memref<10000x128xf32, #tpu.memory_space<hbm>>
    tpu.enqueue_indirect_dma source(%dma_start3A_19 : memref<10000x128xf32, #tpu.memory_space<hbm>>) target(%dma_start3A_13 : memref<128x128xf32, #tpu.memory_space<vmem>>) offsets(%dma_start3A_16 : memref<128xi32, #tpu.memory_space<vmem>>) semaphore(%arg12 : memref<!tpu.dma_semaphore, #tpu.memory_space<semaphore_mem>>)
    %dma_start3A_20 = arith.constant 1 : i32
    %dma_start3A_21 = arith.constant 1 : i32
    %dma_start3A_22 = arith.constant 0 : i32
    %dma_start3A_23 = arith.constant 0 : i32
    %dma_start3A_24 = tpu.memref_slice %arg11[%dma_start3A_21, %dma_start3A_22, %dma_start3A_23] : memref<2x128x128xf32, #tpu.memory_space<vmem>> -> memref<1x128x128xf32, #tpu.memory_space<vmem>>
    %dma_start3A_25 = tpu.memref_squeeze %dma_start3A_24 : memref<1x128x128xf32, #tpu.memory_space<vmem>> -> memref<128x128xf32, #tpu.memory_space<vmem>>
    %dma_start3A_26 = arith.constant 0 : i32
    %dma_start3A_27 = tpu.memref_slice %arg9[%dma_start3A_20, %dma_start3A_26] : memref<40x128xi32, #tpu.memory_space<vmem>> -> memref<1x128xi32, #tpu.memory_space<vmem>>
    %dma_start3A_28 = tpu.memref_squeeze %dma_start3A_27 : memref<1x128xi32, #tpu.memory_space<vmem>> -> memref<128xi32, #tpu.memory_space<vmem>>
    %dma_start3A_29 = arith.constant 0 : i32
    %dma_start3A_30 = arith.constant 0 : i32
    %dma_start3A_31 = tpu.memref_slice %arg2[%dma_start3A_29, %dma_start3A_30] : memref<10000x128xf32, #tpu.memory_space<hbm>> -> memref<10000x128xf32, #tpu.memory_space<hbm>>
    tpu.enqueue_indirect_dma source(%dma_start3A_31 : memref<10000x128xf32, #tpu.memory_space<hbm>>) target(%dma_start3A_25 : memref<128x128xf32, #tpu.memory_space<vmem>>) offsets(%dma_start3A_28 : memref<128xi32, #tpu.memory_space<vmem>>) semaphore(%arg13 : memref<!tpu.dma_semaphore, #tpu.memory_space<semaphore_mem>>)
    %scan3A = arith.constant 0 : i32
    %scan3A_32 = arith.constant 0 : i32
    %scan3A_33 = arith.constant 20 : i32
    %scan3A_34 = arith.addi %scan3A_32, %scan3A_33 : i32
    %scan3A_35 = arith.constant 1 : i32
    scf.for %scan3A_79 = %scan3A_32 to %scan3A_34 step %scan3A_35  : i32 {
      %mul3A_80 = arith.constant 2 : i32
      %mul3A_81 = arith.muli %scan3A_79, %mul3A_80 : i32
      %add3A_82 = arith.constant 0 : i32
      %add3A_83 = arith.addi %mul3A_81, %add3A_82 : i32
      %dma_wait3A = arith.constant 0 : i32
      %dma_wait3A_84 = arith.constant 0 : i32
      %dma_wait3A_85 = arith.constant 0 : i32
      %dma_wait3A_86 = tpu.memref_slice %arg11[%dma_wait3A, %dma_wait3A_84, %dma_wait3A_85] : memref<2x128x128xf32, #tpu.memory_space<vmem>> -> memref<1x128x128xf32, #tpu.memory_space<vmem>>
      %dma_wait3A_87 = tpu.memref_squeeze %dma_wait3A_86 : memref<1x128x128xf32, #tpu.memory_space<vmem>> -> memref<128x128xf32, #tpu.memory_space<vmem>>
      %dma_wait3A_88 = arith.constant 0 : i32
      %dma_wait3A_89 = tpu.memref_slice %arg9[%add3A_83, %dma_wait3A_88] : memref<40x128xi32, #tpu.memory_space<vmem>> -> memref<1x128xi32, #tpu.memory_space<vmem>>
      %dma_wait3A_90 = tpu.memref_squeeze %dma_wait3A_89 : memref<1x128xi32, #tpu.memory_space<vmem>> -> memref<128xi32, #tpu.memory_space<vmem>>
      %dma_wait3A_91 = arith.constant 0 : i32
      %dma_wait3A_92 = arith.constant 0 : i32
      %dma_wait3A_93 = tpu.memref_slice %arg2[%dma_wait3A_91, %dma_wait3A_92] : memref<10000x128xf32, #tpu.memory_space<hbm>> -> memref<10000x128xf32, #tpu.memory_space<hbm>>
      tpu.wait_indirect_dma semaphore(%arg12 : memref<!tpu.dma_semaphore, #tpu.memory_space<semaphore_mem>>) src(%dma_wait3A_93 : memref<10000x128xf32, #tpu.memory_space<hbm>>) dst(%dma_wait3A_87 : memref<128x128xf32, #tpu.memory_space<vmem>>)
      %run_scoped3A = arith.constant 0 : i32
      "tpu.region"() ({
        %run_scoped3A_123 = tpu.sem_alloc : memref<!tpu.dma_semaphore, #tpu.memory_space<semaphore_mem>>
        %dma_start3A_124 = arith.constant 0 : i32
        %dma_start3A_125 = arith.constant 0 : i32
        %dma_start3A_126 = tpu.memref_slice %arg11[%run_scoped3A, %dma_start3A_124, %dma_start3A_125] : memref<2x128x128xf32, #tpu.memory_space<vmem>> -> memref<1x128x128xf32, #tpu.memory_space<vmem>>
        %dma_start3A_127 = tpu.memref_squeeze %dma_start3A_126 : memref<1x128x128xf32, #tpu.memory_space<vmem>> -> memref<128x128xf32, #tpu.memory_space<vmem>>
        %dma_start3A_128 = arith.constant 0 : i32
        %dma_start3A_129 = tpu.memref_slice %arg10[%add3A_83, %dma_start3A_128] : memref<40x128xi32, #tpu.memory_space<vmem>> -> memref<1x128xi32, #tpu.memory_space<vmem>>
        %dma_start3A_130 = tpu.memref_squeeze %dma_start3A_129 : memref<1x128xi32, #tpu.memory_space<vmem>> -> memref<128xi32, #tpu.memory_space<vmem>>
        %dma_start3A_131 = arith.constant 0 : i32
        %dma_start3A_132 = arith.constant 0 : i32
        %dma_start3A_133 = tpu.memref_slice %arg8[%dma_start3A_131, %dma_start3A_132] : memref<10112x128xf32, #tpu.memory_space<vmem_shared>> -> memref<10112x128xf32, #tpu.memory_space<vmem_shared>>
        tpu.enqueue_indirect_dma source(%dma_start3A_127 : memref<128x128xf32, #tpu.memory_space<vmem>>) target(%dma_start3A_133 : memref<10112x128xf32, #tpu.memory_space<vmem_shared>>) offsets(%dma_start3A_130 : memref<128xi32, #tpu.memory_space<vmem>>) semaphore(%run_scoped3A_123 : memref<!tpu.dma_semaphore, #tpu.memory_space<semaphore_mem>>) {add = true}
        %dma_wait3A_134 = arith.constant 0 : i32
        %dma_wait3A_135 = arith.constant 0 : i32
        %dma_wait3A_136 = tpu.memref_slice %arg11[%run_scoped3A, %dma_wait3A_134, %dma_wait3A_135] : memref<2x128x128xf32, #tpu.memory_space<vmem>> -> memref<1x128x128xf32, #tpu.memory_space<vmem>>
        %dma_wait3A_137 = tpu.memref_squeeze %dma_wait3A_136 : memref<1x128x128xf32, #tpu.memory_space<vmem>> -> memref<128x128xf32, #tpu.memory_space<vmem>>
        %dma_wait3A_138 = arith.constant 0 : i32
        %dma_wait3A_139 = tpu.memref_slice %arg10[%add3A_83, %dma_wait3A_138] : memref<40x128xi32, #tpu.memory_space<vmem>> -> memref<1x128xi32, #tpu.memory_space<vmem>>
        %dma_wait3A_140 = tpu.memref_squeeze %dma_wait3A_139 : memref<1x128xi32, #tpu.memory_space<vmem>> -> memref<128xi32, #tpu.memory_space<vmem>>
        %dma_wait3A_141 = arith.constant 0 : i32
        %dma_wait3A_142 = arith.constant 0 : i32
        %dma_wait3A_143 = tpu.memref_slice %arg8[%dma_wait3A_141, %dma_wait3A_142] : memref<10112x128xf32, #tpu.memory_space<vmem_shared>> -> memref<10112x128xf32, #tpu.memory_space<vmem_shared>>
        tpu.wait_indirect_dma semaphore(%run_scoped3A_123 : memref<!tpu.dma_semaphore, #tpu.memory_space<semaphore_mem>>) src(%dma_wait3A_137 : memref<128x128xf32, #tpu.memory_space<vmem>>) dst(%dma_wait3A_143 : memref<10112x128xf32, #tpu.memory_space<vmem_shared>>)
        tpu.yield
      }) : () -> ()
      %add3A_94 = arith.constant 2 : i32
      %add3A_95 = arith.addi %add3A_83, %add3A_94 : i32
      %lt3A = arith.constant 40 : i32
      %lt3A_96 = arith.cmpi slt, %add3A_95, %lt3A : i32
      %convert_element_type3A_97 = arith.extui %lt3A_96 : i1 to i32
      %cond3A_98 = arith.constant 0 : i32
      %cond3A_99 = arith.cmpi ne, %convert_element_type3A_97, %cond3A_98 : i32
      scf.if %cond3A_99 {
        %add3A_123 = arith.constant 2 : i32
        %add3A_124 = arith.addi %add3A_83, %add3A_123 : i32
        %dma_start3A_125 = arith.constant 0 : i32
        %dma_start3A_126 = arith.constant 0 : i32
        %dma_start3A_127 = arith.constant 0 : i32
        %dma_start3A_128 = tpu.memref_slice %arg11[%dma_start3A_125, %dma_start3A_126, %dma_start3A_127] : memref<2x128x128xf32, #tpu.memory_space<vmem>> -> memref<1x128x128xf32, #tpu.memory_space<vmem>>
        %dma_start3A_129 = tpu.memref_squeeze %dma_start3A_128 : memref<1x128x128xf32, #tpu.memory_space<vmem>> -> memref<128x128xf32, #tpu.memory_space<vmem>>
        %dma_start3A_130 = arith.constant 0 : i32
        %dma_start3A_131 = tpu.memref_slice %arg9[%add3A_124, %dma_start3A_130] : memref<40x128xi32, #tpu.memory_space<vmem>> -> memref<1x128xi32, #tpu.memory_space<vmem>>
        %dma_start3A_132 = tpu.memref_squeeze %dma_start3A_131 : memref<1x128xi32, #tpu.memory_space<vmem>> -> memref<128xi32, #tpu.memory_space<vmem>>
        %dma_start3A_133 = arith.constant 0 : i32
        %dma_start3A_134 = arith.constant 0 : i32
        %dma_start3A_135 = tpu.memref_slice %arg2[%dma_start3A_133, %dma_start3A_134] : memref<10000x128xf32, #tpu.memory_space<hbm>> -> memref<10000x128xf32, #tpu.memory_space<hbm>>
        tpu.enqueue_indirect_dma source(%dma_start3A_135 : memref<10000x128xf32, #tpu.memory_space<hbm>>) target(%dma_start3A_129 : memref<128x128xf32, #tpu.memory_space<vmem>>) offsets(%dma_start3A_132 : memref<128xi32, #tpu.memory_space<vmem>>) semaphore(%arg12 : memref<!tpu.dma_semaphore, #tpu.memory_space<semaphore_mem>>)
      } else {
      }
      %mul3A_100 = arith.constant 2 : i32
      %mul3A_101 = arith.muli %scan3A_79, %mul3A_100 : i32
      %add3A_102 = arith.constant 1 : i32
      %add3A_103 = arith.addi %mul3A_101, %add3A_102 : i32
      %dma_wait3A_104 = arith.constant 1 : i32
      %dma_wait3A_105 = arith.constant 0 : i32
      %dma_wait3A_106 = arith.constant 0 : i32
      %dma_wait3A_107 = tpu.memref_slice %arg11[%dma_wait3A_104, %dma_wait3A_105, %dma_wait3A_106] : memref<2x128x128xf32, #tpu.memory_space<vmem>> -> memref<1x128x128xf32, #tpu.memory_space<vmem>>
      %dma_wait3A_108 = tpu.memref_squeeze %dma_wait3A_107 : memref<1x128x128xf32, #tpu.memory_space<vmem>> -> memref<128x128xf32, #tpu.memory_space<vmem>>
      %dma_wait3A_109 = arith.constant 0 : i32
      %dma_wait3A_110 = tpu.memref_slice %arg9[%add3A_103, %dma_wait3A_109] : memref<40x128xi32, #tpu.memory_space<vmem>> -> memref<1x128xi32, #tpu.memory_space<vmem>>
      %dma_wait3A_111 = tpu.memref_squeeze %dma_wait3A_110 : memref<1x128xi32, #tpu.memory_space<vmem>> -> memref<128xi32, #tpu.memory_space<vmem>>
      %dma_wait3A_112 = arith.constant 0 : i32
      %dma_wait3A_113 = arith.constant 0 : i32
      %dma_wait3A_114 = tpu.memref_slice %arg2[%dma_wait3A_112, %dma_wait3A_113] : memref<10000x128xf32, #tpu.memory_space<hbm>> -> memref<10000x128xf32, #tpu.memory_space<hbm>>
      tpu.wait_indirect_dma semaphore(%arg13 : memref<!tpu.dma_semaphore, #tpu.memory_space<semaphore_mem>>) src(%dma_wait3A_114 : memref<10000x128xf32, #tpu.memory_space<hbm>>) dst(%dma_wait3A_108 : memref<128x128xf32, #tpu.memory_space<vmem>>)
      %run_scoped3A_115 = arith.constant 1 : i32
      "tpu.region"() ({
        %run_scoped3A_123 = tpu.sem_alloc : memref<!tpu.dma_semaphore, #tpu.memory_space<semaphore_mem>>
        %dma_start3A_124 = arith.constant 0 : i32
        %dma_start3A_125 = arith.constant 0 : i32
        %dma_start3A_126 = tpu.memref_slice %arg11[%run_scoped3A_115, %dma_start3A_124, %dma_start3A_125] : memref<2x128x128xf32, #tpu.memory_space<vmem>> -> memref<1x128x128xf32, #tpu.memory_space<vmem>>
        %dma_start3A_127 = tpu.memref_squeeze %dma_start3A_126 : memref<1x128x128xf32, #tpu.memory_space<vmem>> -> memref<128x128xf32, #tpu.memory_space<vmem>>
        %dma_start3A_128 = arith.constant 0 : i32
        %dma_start3A_129 = tpu.memref_slice %arg10[%add3A_103, %dma_start3A_128] : memref<40x128xi32, #tpu.memory_space<vmem>> -> memref<1x128xi32, #tpu.memory_space<vmem>>
        %dma_start3A_130 = tpu.memref_squeeze %dma_start3A_129 : memref<1x128xi32, #tpu.memory_space<vmem>> -> memref<128xi32, #tpu.memory_space<vmem>>
        %dma_start3A_131 = arith.constant 0 : i32
        %dma_start3A_132 = arith.constant 0 : i32
        %dma_start3A_133 = tpu.memref_slice %arg8[%dma_start3A_131, %dma_start3A_132] : memref<10112x128xf32, #tpu.memory_space<vmem_shared>> -> memref<10112x128xf32, #tpu.memory_space<vmem_shared>>
        tpu.enqueue_indirect_dma source(%dma_start3A_127 : memref<128x128xf32, #tpu.memory_space<vmem>>) target(%dma_start3A_133 : memref<10112x128xf32, #tpu.memory_space<vmem_shared>>) offsets(%dma_start3A_130 : memref<128xi32, #tpu.memory_space<vmem>>) semaphore(%run_scoped3A_123 : memref<!tpu.dma_semaphore, #tpu.memory_space<semaphore_mem>>) {add = true}
        %dma_wait3A_134 = arith.constant 0 : i32
        %dma_wait3A_135 = arith.constant 0 : i32
        %dma_wait3A_136 = tpu.memref_slice %arg11[%run_scoped3A_115, %dma_wait3A_134, %dma_wait3A_135] : memref<2x128x128xf32, #tpu.memory_space<vmem>> -> memref<1x128x128xf32, #tpu.memory_space<vmem>>
        %dma_wait3A_137 = tpu.memref_squeeze %dma_wait3A_136 : memref<1x128x128xf32, #tpu.memory_space<vmem>> -> memref<128x128xf32, #tpu.memory_space<vmem>>
        %dma_wait3A_138 = arith.constant 0 : i32
        %dma_wait3A_139 = tpu.memref_slice %arg10[%add3A_103, %dma_wait3A_138] : memref<40x128xi32, #tpu.memory_space<vmem>> -> memref<1x128xi32, #tpu.memory_space<vmem>>
        %dma_wait3A_140 = tpu.memref_squeeze %dma_wait3A_139 : memref<1x128xi32, #tpu.memory_space<vmem>> -> memref<128xi32, #tpu.memory_space<vmem>>
        %dma_wait3A_141 = arith.constant 0 : i32
        %dma_wait3A_142 = arith.constant 0 : i32
        %dma_wait3A_143 = tpu.memref_slice %arg8[%dma_wait3A_141, %dma_wait3A_142] : memref<10112x128xf32, #tpu.memory_space<vmem_shared>> -> memref<10112x128xf32, #tpu.memory_space<vmem_shared>>
        tpu.wait_indirect_dma semaphore(%run_scoped3A_123 : memref<!tpu.dma_semaphore, #tpu.memory_space<semaphore_mem>>) src(%dma_wait3A_137 : memref<128x128xf32, #tpu.memory_space<vmem>>) dst(%dma_wait3A_143 : memref<10112x128xf32, #tpu.memory_space<vmem_shared>>)
        tpu.yield
      }) : () -> ()
      %add3A_116 = arith.constant 2 : i32
      %add3A_117 = arith.addi %add3A_103, %add3A_116 : i32
      %lt3A_118 = arith.constant 40 : i32
      %lt3A_119 = arith.cmpi slt, %add3A_117, %lt3A_118 : i32
      %convert_element_type3A_120 = arith.extui %lt3A_119 : i1 to i32
      %cond3A_121 = arith.constant 0 : i32
      %cond3A_122 = arith.cmpi ne, %convert_element_type3A_120, %cond3A_121 : i32
      scf.if %cond3A_122 {
        %add3A_123 = arith.constant 2 : i32
        %add3A_124 = arith.addi %add3A_103, %add3A_123 : i32
        %dma_start3A_125 = arith.constant 1 : i32
        %dma_start3A_126 = arith.constant 0 : i32
        %dma_start3A_127 = arith.constant 0 : i32
        %dma_start3A_128 = tpu.memref_slice %arg11[%dma_start3A_125, %dma_start3A_126, %dma_start3A_127] : memref<2x128x128xf32, #tpu.memory_space<vmem>> -> memref<1x128x128xf32, #tpu.memory_space<vmem>>
        %dma_start3A_129 = tpu.memref_squeeze %dma_start3A_128 : memref<1x128x128xf32, #tpu.memory_space<vmem>> -> memref<128x128xf32, #tpu.memory_space<vmem>>
        %dma_start3A_130 = arith.constant 0 : i32
        %dma_start3A_131 = tpu.memref_slice %arg9[%add3A_124, %dma_start3A_130] : memref<40x128xi32, #tpu.memory_space<vmem>> -> memref<1x128xi32, #tpu.memory_space<vmem>>
        %dma_start3A_132 = tpu.memref_squeeze %dma_start3A_131 : memref<1x128xi32, #tpu.memory_space<vmem>> -> memref<128xi32, #tpu.memory_space<vmem>>
        %dma_start3A_133 = arith.constant 0 : i32
        %dma_start3A_134 = arith.constant 0 : i32
        %dma_start3A_135 = tpu.memref_slice %arg2[%dma_start3A_133, %dma_start3A_134] : memref<10000x128xf32, #tpu.memory_space<hbm>> -> memref<10000x128xf32, #tpu.memory_space<hbm>>
        tpu.enqueue_indirect_dma source(%dma_start3A_135 : memref<10000x128xf32, #tpu.memory_space<hbm>>) target(%dma_start3A_129 : memref<128x128xf32, #tpu.memory_space<vmem>>) offsets(%dma_start3A_132 : memref<128xi32, #tpu.memory_space<vmem>>) semaphore(%arg13 : memref<!tpu.dma_semaphore, #tpu.memory_space<semaphore_mem>>)
      } else {
      }
    }
    %scan3A_36 = arith.constant 20 : i32
    %mul3A_37 = arith.constant 80 : i32
    %mul3A_38 = arith.muli %add3A, %mul3A_37 : i32
    %add3A_39 = arith.constant 40 : i32
    %add3A_40 = arith.addi %mul3A_38, %add3A_39 : i32
    "tpu.region"() ({
      %run_scoped3A = tpu.sem_alloc : memref<!tpu.dma_semaphore, #tpu.memory_space<semaphore_mem>>
      %dma_start3A_79 = arith.constant 0 : i32
      %dma_start3A_80 = tpu.memref_slice %arg3[%add3A_40, %dma_start3A_79] : memref<2560x128xi32, #tpu.memory_space<hbm>> -> memref<40x128xi32, #tpu.memory_space<hbm>>
      %dma_start3A_81 = arith.constant 0 : i32
      %dma_start3A_82 = tpu.memref_slice %arg3[%add3A_40, %dma_start3A_81] : memref<2560x128xi32, #tpu.memory_space<hbm>> -> memref<40x128xi32, #tpu.memory_space<hbm>>
      tpu.enqueue_dma source(%dma_start3A_82 : memref<40x128xi32, #tpu.memory_space<hbm>>) target(%arg9 : memref<40x128xi32, #tpu.memory_space<vmem>>) target_semaphore(%run_scoped3A : memref<!tpu.dma_semaphore, #tpu.memory_space<semaphore_mem>>)
      %dma_wait3A = arith.constant 0 : i32
      %dma_wait3A_83 = tpu.memref_slice %arg3[%add3A_40, %dma_wait3A] : memref<2560x128xi32, #tpu.memory_space<hbm>> -> memref<40x128xi32, #tpu.memory_space<hbm>>
      %dma_wait3A_84 = arith.constant 0 : i32
      %dma_wait3A_85 = tpu.memref_slice %arg3[%add3A_40, %dma_wait3A_84] : memref<2560x128xi32, #tpu.memory_space<hbm>> -> memref<40x128xi32, #tpu.memory_space<hbm>>
      tpu.wait_dma2 semaphore(%run_scoped3A : memref<!tpu.dma_semaphore, #tpu.memory_space<semaphore_mem>>) src(%dma_wait3A_85 : memref<40x128xi32, #tpu.memory_space<hbm>>) dst(%arg9 : memref<40x128xi32, #tpu.memory_space<vmem>>)
      tpu.yield
    }) : () -> ()
    "tpu.region"() ({
      %run_scoped3A = tpu.sem_alloc : memref<!tpu.dma_semaphore, #tpu.memory_space<semaphore_mem>>
      %dma_start3A_79 = arith.constant 0 : i32
      %dma_start3A_80 = tpu.memref_slice %arg4[%add3A_40, %dma_start3A_79] : memref<2560x128xi32, #tpu.memory_space<hbm>> -> memref<40x128xi32, #tpu.memory_space<hbm>>
      %dma_start3A_81 = arith.constant 0 : i32
      %dma_start3A_82 = tpu.memref_slice %arg4[%add3A_40, %dma_start3A_81] : memref<2560x128xi32, #tpu.memory_space<hbm>> -> memref<40x128xi32, #tpu.memory_space<hbm>>
      tpu.enqueue_dma source(%dma_start3A_82 : memref<40x128xi32, #tpu.memory_space<hbm>>) target(%arg10 : memref<40x128xi32, #tpu.memory_space<vmem>>) target_semaphore(%run_scoped3A : memref<!tpu.dma_semaphore, #tpu.memory_space<semaphore_mem>>)
      %dma_wait3A = arith.constant 0 : i32
      %dma_wait3A_83 = tpu.memref_slice %arg4[%add3A_40, %dma_wait3A] : memref<2560x128xi32, #tpu.memory_space<hbm>> -> memref<40x128xi32, #tpu.memory_space<hbm>>
      %dma_wait3A_84 = arith.constant 0 : i32
      %dma_wait3A_85 = tpu.memref_slice %arg4[%add3A_40, %dma_wait3A_84] : memref<2560x128xi32, #tpu.memory_space<hbm>> -> memref<40x128xi32, #tpu.memory_space<hbm>>
      tpu.wait_dma2 semaphore(%run_scoped3A : memref<!tpu.dma_semaphore, #tpu.memory_space<semaphore_mem>>) src(%dma_wait3A_85 : memref<40x128xi32, #tpu.memory_space<hbm>>) dst(%arg10 : memref<40x128xi32, #tpu.memory_space<vmem>>)
      tpu.yield
    }) : () -> ()
    %dma_start3A_41 = arith.constant 0 : i32
    %dma_start3A_42 = arith.constant 0 : i32
    %dma_start3A_43 = arith.constant 0 : i32
    %dma_start3A_44 = arith.constant 0 : i32
    %dma_start3A_45 = tpu.memref_slice %arg11[%dma_start3A_42, %dma_start3A_43, %dma_start3A_44] : memref<2x128x128xf32, #tpu.memory_space<vmem>> -> memref<1x128x128xf32, #tpu.memory_space<vmem>>
    %dma_start3A_46 = tpu.memref_squeeze %dma_start3A_45 : memref<1x128x128xf32, #tpu.memory_space<vmem>> -> memref<128x128xf32, #tpu.memory_space<vmem>>
    %dma_start3A_47 = arith.constant 0 : i32
    %dma_start3A_48 = tpu.memref_slice %arg9[%dma_start3A_41, %dma_start3A_47] : memref<40x128xi32, #tpu.memory_space<vmem>> -> memref<1x128xi32, #tpu.memory_space<vmem>>
    %dma_start3A_49 = tpu.memref_squeeze %dma_start3A_48 : memref<1x128xi32, #tpu.memory_space<vmem>> -> memref<128xi32, #tpu.memory_space<vmem>>
    %dma_start3A_50 = arith.constant 0 : i32
    %dma_start3A_51 = arith.constant 0 : i32
    %dma_start3A_52 = tpu.memref_slice %arg2[%dma_start3A_50, %dma_start3A_51] : memref<10000x128xf32, #tpu.memory_space<hbm>> -> memref<10000x128xf32, #tpu.memory_space<hbm>>
    tpu.enqueue_indirect_dma source(%dma_start3A_52 : memref<10000x128xf32, #tpu.memory_space<hbm>>) target(%dma_start3A_46 : memref<128x128xf32, #tpu.memory_space<vmem>>) offsets(%dma_start3A_49 : memref<128xi32, #tpu.memory_space<vmem>>) semaphore(%arg12 : memref<!tpu.dma_semaphore, #tpu.memory_space<semaphore_mem>>)
    %dma_start3A_53 = arith.constant 1 : i32
    %dma_start3A_54 = arith.constant 1 : i32
    %dma_start3A_55 = arith.constant 0 : i32
    %dma_start3A_56 = arith.constant 0 : i32
    %dma_start3A_57 = tpu.memref_slice %arg11[%dma_start3A_54, %dma_start3A_55, %dma_start3A_56] : memref<2x128x128xf32, #tpu.memory_space<vmem>> -> memref<1x128x128xf32, #tpu.memory_space<vmem>>
    %dma_start3A_58 = tpu.memref_squeeze %dma_start3A_57 : memref<1x128x128xf32, #tpu.memory_space<vmem>> -> memref<128x128xf32, #tpu.memory_space<vmem>>
    %dma_start3A_59 = arith.constant 0 : i32
    %dma_start3A_60 = tpu.memref_slice %arg9[%dma_start3A_53, %dma_start3A_59] : memref<40x128xi32, #tpu.memory_space<vmem>> -> memref<1x128xi32, #tpu.memory_space<vmem>>
    %dma_start3A_61 = tpu.memref_squeeze %dma_start3A_60 : memref<1x128xi32, #tpu.memory_space<vmem>> -> memref<128xi32, #tpu.memory_space<vmem>>
    %dma_start3A_62 = arith.constant 0 : i32
    %dma_start3A_63 = arith.constant 0 : i32
    %dma_start3A_64 = tpu.memref_slice %arg2[%dma_start3A_62, %dma_start3A_63] : memref<10000x128xf32, #tpu.memory_space<hbm>> -> memref<10000x128xf32, #tpu.memory_space<hbm>>
    tpu.enqueue_indirect_dma source(%dma_start3A_64 : memref<10000x128xf32, #tpu.memory_space<hbm>>) target(%dma_start3A_58 : memref<128x128xf32, #tpu.memory_space<vmem>>) offsets(%dma_start3A_61 : memref<128xi32, #tpu.memory_space<vmem>>) semaphore(%arg13 : memref<!tpu.dma_semaphore, #tpu.memory_space<semaphore_mem>>)
    %scan3A_65 = arith.constant 0 : i32
    %scan3A_66 = arith.constant 0 : i32
    %scan3A_67 = arith.constant 20 : i32
    %scan3A_68 = arith.addi %scan3A_66, %scan3A_67 : i32
    %scan3A_69 = arith.constant 1 : i32
    scf.for %scan3A_79 = %scan3A_66 to %scan3A_68 step %scan3A_69  : i32 {
      %mul3A_80 = arith.constant 2 : i32
      %mul3A_81 = arith.muli %scan3A_79, %mul3A_80 : i32
      %add3A_82 = arith.constant 0 : i32
      %add3A_83 = arith.addi %mul3A_81, %add3A_82 : i32
      %dma_wait3A = arith.constant 0 : i32
      %dma_wait3A_84 = arith.constant 0 : i32
      %dma_wait3A_85 = arith.constant 0 : i32
      %dma_wait3A_86 = tpu.memref_slice %arg11[%dma_wait3A, %dma_wait3A_84, %dma_wait3A_85] : memref<2x128x128xf32, #tpu.memory_space<vmem>> -> memref<1x128x128xf32, #tpu.memory_space<vmem>>
      %dma_wait3A_87 = tpu.memref_squeeze %dma_wait3A_86 : memref<1x128x128xf32, #tpu.memory_space<vmem>> -> memref<128x128xf32, #tpu.memory_space<vmem>>
      %dma_wait3A_88 = arith.constant 0 : i32
      %dma_wait3A_89 = tpu.memref_slice %arg9[%add3A_83, %dma_wait3A_88] : memref<40x128xi32, #tpu.memory_space<vmem>> -> memref<1x128xi32, #tpu.memory_space<vmem>>
      %dma_wait3A_90 = tpu.memref_squeeze %dma_wait3A_89 : memref<1x128xi32, #tpu.memory_space<vmem>> -> memref<128xi32, #tpu.memory_space<vmem>>
      %dma_wait3A_91 = arith.constant 0 : i32
      %dma_wait3A_92 = arith.constant 0 : i32
      %dma_wait3A_93 = tpu.memref_slice %arg2[%dma_wait3A_91, %dma_wait3A_92] : memref<10000x128xf32, #tpu.memory_space<hbm>> -> memref<10000x128xf32, #tpu.memory_space<hbm>>
      tpu.wait_indirect_dma semaphore(%arg12 : memref<!tpu.dma_semaphore, #tpu.memory_space<semaphore_mem>>) src(%dma_wait3A_93 : memref<10000x128xf32, #tpu.memory_space<hbm>>) dst(%dma_wait3A_87 : memref<128x128xf32, #tpu.memory_space<vmem>>)
      %run_scoped3A = arith.constant 0 : i32
      "tpu.region"() ({
        %run_scoped3A_123 = tpu.sem_alloc : memref<!tpu.dma_semaphore, #tpu.memory_space<semaphore_mem>>
        %dma_start3A_124 = arith.constant 0 : i32
        %dma_start3A_125 = arith.constant 0 : i32
        %dma_start3A_126 = tpu.memref_slice %arg11[%run_scoped3A, %dma_start3A_124, %dma_start3A_125] : memref<2x128x128xf32, #tpu.memory_space<vmem>> -> memref<1x128x128xf32, #tpu.memory_space<vmem>>
        %dma_start3A_127 = tpu.memref_squeeze %dma_start3A_126 : memref<1x128x128xf32, #tpu.memory_space<vmem>> -> memref<128x128xf32, #tpu.memory_space<vmem>>
        %dma_start3A_128 = arith.constant 0 : i32
        %dma_start3A_129 = tpu.memref_slice %arg10[%add3A_83, %dma_start3A_128] : memref<40x128xi32, #tpu.memory_space<vmem>> -> memref<1x128xi32, #tpu.memory_space<vmem>>
        %dma_start3A_130 = tpu.memref_squeeze %dma_start3A_129 : memref<1x128xi32, #tpu.memory_space<vmem>> -> memref<128xi32, #tpu.memory_space<vmem>>
        %dma_start3A_131 = arith.constant 0 : i32
        %dma_start3A_132 = arith.constant 0 : i32
        %dma_start3A_133 = tpu.memref_slice %arg8[%dma_start3A_131, %dma_start3A_132] : memref<10112x128xf32, #tpu.memory_space<vmem_shared>> -> memref<10112x128xf32, #tpu.memory_space<vmem_shared>>
        tpu.enqueue_indirect_dma source(%dma_start3A_127 : memref<128x128xf32, #tpu.memory_space<vmem>>) target(%dma_start3A_133 : memref<10112x128xf32, #tpu.memory_space<vmem_shared>>) offsets(%dma_start3A_130 : memref<128xi32, #tpu.memory_space<vmem>>) semaphore(%run_scoped3A_123 : memref<!tpu.dma_semaphore, #tpu.memory_space<semaphore_mem>>) {add = true}
        %dma_wait3A_134 = arith.constant 0 : i32
        %dma_wait3A_135 = arith.constant 0 : i32
        %dma_wait3A_136 = tpu.memref_slice %arg11[%run_scoped3A, %dma_wait3A_134, %dma_wait3A_135] : memref<2x128x128xf32, #tpu.memory_space<vmem>> -> memref<1x128x128xf32, #tpu.memory_space<vmem>>
        %dma_wait3A_137 = tpu.memref_squeeze %dma_wait3A_136 : memref<1x128x128xf32, #tpu.memory_space<vmem>> -> memref<128x128xf32, #tpu.memory_space<vmem>>
        %dma_wait3A_138 = arith.constant 0 : i32
        %dma_wait3A_139 = tpu.memref_slice %arg10[%add3A_83, %dma_wait3A_138] : memref<40x128xi32, #tpu.memory_space<vmem>> -> memref<1x128xi32, #tpu.memory_space<vmem>>
        %dma_wait3A_140 = tpu.memref_squeeze %dma_wait3A_139 : memref<1x128xi32, #tpu.memory_space<vmem>> -> memref<128xi32, #tpu.memory_space<vmem>>
        %dma_wait3A_141 = arith.constant 0 : i32
        %dma_wait3A_142 = arith.constant 0 : i32
        %dma_wait3A_143 = tpu.memref_slice %arg8[%dma_wait3A_141, %dma_wait3A_142] : memref<10112x128xf32, #tpu.memory_space<vmem_shared>> -> memref<10112x128xf32, #tpu.memory_space<vmem_shared>>
        tpu.wait_indirect_dma semaphore(%run_scoped3A_123 : memref<!tpu.dma_semaphore, #tpu.memory_space<semaphore_mem>>) src(%dma_wait3A_137 : memref<128x128xf32, #tpu.memory_space<vmem>>) dst(%dma_wait3A_143 : memref<10112x128xf32, #tpu.memory_space<vmem_shared>>)
        tpu.yield
      }) : () -> ()
      %add3A_94 = arith.constant 2 : i32
      %add3A_95 = arith.addi %add3A_83, %add3A_94 : i32
      %lt3A = arith.constant 40 : i32
      %lt3A_96 = arith.cmpi slt, %add3A_95, %lt3A : i32
      %convert_element_type3A_97 = arith.extui %lt3A_96 : i1 to i32
      %cond3A_98 = arith.constant 0 : i32
      %cond3A_99 = arith.cmpi ne, %convert_element_type3A_97, %cond3A_98 : i32
      scf.if %cond3A_99 {
        %add3A_123 = arith.constant 2 : i32
        %add3A_124 = arith.addi %add3A_83, %add3A_123 : i32
        %dma_start3A_125 = arith.constant 0 : i32
        %dma_start3A_126 = arith.constant 0 : i32
        %dma_start3A_127 = arith.constant 0 : i32
        %dma_start3A_128 = tpu.memref_slice %arg11[%dma_start3A_125, %dma_start3A_126, %dma_start3A_127] : memref<2x128x128xf32, #tpu.memory_space<vmem>> -> memref<1x128x128xf32, #tpu.memory_space<vmem>>
        %dma_start3A_129 = tpu.memref_squeeze %dma_start3A_128 : memref<1x128x128xf32, #tpu.memory_space<vmem>> -> memref<128x128xf32, #tpu.memory_space<vmem>>
        %dma_start3A_130 = arith.constant 0 : i32
        %dma_start3A_131 = tpu.memref_slice %arg9[%add3A_124, %dma_start3A_130] : memref<40x128xi32, #tpu.memory_space<vmem>> -> memref<1x128xi32, #tpu.memory_space<vmem>>
        %dma_start3A_132 = tpu.memref_squeeze %dma_start3A_131 : memref<1x128xi32, #tpu.memory_space<vmem>> -> memref<128xi32, #tpu.memory_space<vmem>>
        %dma_start3A_133 = arith.constant 0 : i32
        %dma_start3A_134 = arith.constant 0 : i32
        %dma_start3A_135 = tpu.memref_slice %arg2[%dma_start3A_133, %dma_start3A_134] : memref<10000x128xf32, #tpu.memory_space<hbm>> -> memref<10000x128xf32, #tpu.memory_space<hbm>>
        tpu.enqueue_indirect_dma source(%dma_start3A_135 : memref<10000x128xf32, #tpu.memory_space<hbm>>) target(%dma_start3A_129 : memref<128x128xf32, #tpu.memory_space<vmem>>) offsets(%dma_start3A_132 : memref<128xi32, #tpu.memory_space<vmem>>) semaphore(%arg12 : memref<!tpu.dma_semaphore, #tpu.memory_space<semaphore_mem>>)
      } else {
      }
      %mul3A_100 = arith.constant 2 : i32
      %mul3A_101 = arith.muli %scan3A_79, %mul3A_100 : i32
      %add3A_102 = arith.constant 1 : i32
      %add3A_103 = arith.addi %mul3A_101, %add3A_102 : i32
      %dma_wait3A_104 = arith.constant 1 : i32
      %dma_wait3A_105 = arith.constant 0 : i32
      %dma_wait3A_106 = arith.constant 0 : i32
      %dma_wait3A_107 = tpu.memref_slice %arg11[%dma_wait3A_104, %dma_wait3A_105, %dma_wait3A_106] : memref<2x128x128xf32, #tpu.memory_space<vmem>> -> memref<1x128x128xf32, #tpu.memory_space<vmem>>
      %dma_wait3A_108 = tpu.memref_squeeze %dma_wait3A_107 : memref<1x128x128xf32, #tpu.memory_space<vmem>> -> memref<128x128xf32, #tpu.memory_space<vmem>>
      %dma_wait3A_109 = arith.constant 0 : i32
      %dma_wait3A_110 = tpu.memref_slice %arg9[%add3A_103, %dma_wait3A_109] : memref<40x128xi32, #tpu.memory_space<vmem>> -> memref<1x128xi32, #tpu.memory_space<vmem>>
      %dma_wait3A_111 = tpu.memref_squeeze %dma_wait3A_110 : memref<1x128xi32, #tpu.memory_space<vmem>> -> memref<128xi32, #tpu.memory_space<vmem>>
      %dma_wait3A_112 = arith.constant 0 : i32
      %dma_wait3A_113 = arith.constant 0 : i32
      %dma_wait3A_114 = tpu.memref_slice %arg2[%dma_wait3A_112, %dma_wait3A_113] : memref<10000x128xf32, #tpu.memory_space<hbm>> -> memref<10000x128xf32, #tpu.memory_space<hbm>>
      tpu.wait_indirect_dma semaphore(%arg13 : memref<!tpu.dma_semaphore, #tpu.memory_space<semaphore_mem>>) src(%dma_wait3A_114 : memref<10000x128xf32, #tpu.memory_space<hbm>>) dst(%dma_wait3A_108 : memref<128x128xf32, #tpu.memory_space<vmem>>)
      %run_scoped3A_115 = arith.constant 1 : i32
      "tpu.region"() ({
        %run_scoped3A_123 = tpu.sem_alloc : memref<!tpu.dma_semaphore, #tpu.memory_space<semaphore_mem>>
        %dma_start3A_124 = arith.constant 0 : i32
        %dma_start3A_125 = arith.constant 0 : i32
        %dma_start3A_126 = tpu.memref_slice %arg11[%run_scoped3A_115, %dma_start3A_124, %dma_start3A_125] : memref<2x128x128xf32, #tpu.memory_space<vmem>> -> memref<1x128x128xf32, #tpu.memory_space<vmem>>
        %dma_start3A_127 = tpu.memref_squeeze %dma_start3A_126 : memref<1x128x128xf32, #tpu.memory_space<vmem>> -> memref<128x128xf32, #tpu.memory_space<vmem>>
        %dma_start3A_128 = arith.constant 0 : i32
        %dma_start3A_129 = tpu.memref_slice %arg10[%add3A_103, %dma_start3A_128] : memref<40x128xi32, #tpu.memory_space<vmem>> -> memref<1x128xi32, #tpu.memory_space<vmem>>
        %dma_start3A_130 = tpu.memref_squeeze %dma_start3A_129 : memref<1x128xi32, #tpu.memory_space<vmem>> -> memref<128xi32, #tpu.memory_space<vmem>>
        %dma_start3A_131 = arith.constant 0 : i32
        %dma_start3A_132 = arith.constant 0 : i32
        %dma_start3A_133 = tpu.memref_slice %arg8[%dma_start3A_131, %dma_start3A_132] : memref<10112x128xf32, #tpu.memory_space<vmem_shared>> -> memref<10112x128xf32, #tpu.memory_space<vmem_shared>>
        tpu.enqueue_indirect_dma source(%dma_start3A_127 : memref<128x128xf32, #tpu.memory_space<vmem>>) target(%dma_start3A_133 : memref<10112x128xf32, #tpu.memory_space<vmem_shared>>) offsets(%dma_start3A_130 : memref<128xi32, #tpu.memory_space<vmem>>) semaphore(%run_scoped3A_123 : memref<!tpu.dma_semaphore, #tpu.memory_space<semaphore_mem>>) {add = true}
        %dma_wait3A_134 = arith.constant 0 : i32
        %dma_wait3A_135 = arith.constant 0 : i32
        %dma_wait3A_136 = tpu.memref_slice %arg11[%run_scoped3A_115, %dma_wait3A_134, %dma_wait3A_135] : memref<2x128x128xf32, #tpu.memory_space<vmem>> -> memref<1x128x128xf32, #tpu.memory_space<vmem>>
        %dma_wait3A_137 = tpu.memref_squeeze %dma_wait3A_136 : memref<1x128x128xf32, #tpu.memory_space<vmem>> -> memref<128x128xf32, #tpu.memory_space<vmem>>
        %dma_wait3A_138 = arith.constant 0 : i32
        %dma_wait3A_139 = tpu.memref_slice %arg10[%add3A_103, %dma_wait3A_138] : memref<40x128xi32, #tpu.memory_space<vmem>> -> memref<1x128xi32, #tpu.memory_space<vmem>>
        %dma_wait3A_140 = tpu.memref_squeeze %dma_wait3A_139 : memref<1x128xi32, #tpu.memory_space<vmem>> -> memref<128xi32, #tpu.memory_space<vmem>>
        %dma_wait3A_141 = arith.constant 0 : i32
        %dma_wait3A_142 = arith.constant 0 : i32
        %dma_wait3A_143 = tpu.memref_slice %arg8[%dma_wait3A_141, %dma_wait3A_142] : memref<10112x128xf32, #tpu.memory_space<vmem_shared>> -> memref<10112x128xf32, #tpu.memory_space<vmem_shared>>
        tpu.wait_indirect_dma semaphore(%run_scoped3A_123 : memref<!tpu.dma_semaphore, #tpu.memory_space<semaphore_mem>>) src(%dma_wait3A_137 : memref<128x128xf32, #tpu.memory_space<vmem>>) dst(%dma_wait3A_143 : memref<10112x128xf32, #tpu.memory_space<vmem_shared>>)
        tpu.yield
      }) : () -> ()
      %add3A_116 = arith.constant 2 : i32
      %add3A_117 = arith.addi %add3A_103, %add3A_116 : i32
      %lt3A_118 = arith.constant 40 : i32
      %lt3A_119 = arith.cmpi slt, %add3A_117, %lt3A_118 : i32
      %convert_element_type3A_120 = arith.extui %lt3A_119 : i1 to i32
      %cond3A_121 = arith.constant 0 : i32
      %cond3A_122 = arith.cmpi ne, %convert_element_type3A_120, %cond3A_121 : i32
      scf.if %cond3A_122 {
        %add3A_123 = arith.constant 2 : i32
        %add3A_124 = arith.addi %add3A_103, %add3A_123 : i32
        %dma_start3A_125 = arith.constant 1 : i32
        %dma_start3A_126 = arith.constant 0 : i32
        %dma_start3A_127 = arith.constant 0 : i32
        %dma_start3A_128 = tpu.memref_slice %arg11[%dma_start3A_125, %dma_start3A_126, %dma_start3A_127] : memref<2x128x128xf32, #tpu.memory_space<vmem>> -> memref<1x128x128xf32, #tpu.memory_space<vmem>>
        %dma_start3A_129 = tpu.memref_squeeze %dma_start3A_128 : memref<1x128x128xf32, #tpu.memory_space<vmem>> -> memref<128x128xf32, #tpu.memory_space<vmem>>
        %dma_start3A_130 = arith.constant 0 : i32
        %dma_start3A_131 = tpu.memref_slice %arg9[%add3A_124, %dma_start3A_130] : memref<40x128xi32, #tpu.memory_space<vmem>> -> memref<1x128xi32, #tpu.memory_space<vmem>>
        %dma_start3A_132 = tpu.memref_squeeze %dma_start3A_131 : memref<1x128xi32, #tpu.memory_space<vmem>> -> memref<128xi32, #tpu.memory_space<vmem>>
        %dma_start3A_133 = arith.constant 0 : i32
        %dma_start3A_134 = arith.constant 0 : i32
        %dma_start3A_135 = tpu.memref_slice %arg2[%dma_start3A_133, %dma_start3A_134] : memref<10000x128xf32, #tpu.memory_space<hbm>> -> memref<10000x128xf32, #tpu.memory_space<hbm>>
        tpu.enqueue_indirect_dma source(%dma_start3A_135 : memref<10000x128xf32, #tpu.memory_space<hbm>>) target(%dma_start3A_129 : memref<128x128xf32, #tpu.memory_space<vmem>>) offsets(%dma_start3A_132 : memref<128xi32, #tpu.memory_space<vmem>>) semaphore(%arg13 : memref<!tpu.dma_semaphore, #tpu.memory_space<semaphore_mem>>)
      } else {
      }
    }
    %scan3A_70 = arith.constant 20 : i32
    %barrier3A_71 = arith.constant 0 : index
    tpu.barrier barrier_id(%barrier3A_71)
    %eq3A = arith.constant 0 : i32
    %eq3A_72 = arith.cmpi eq, %arg0, %eq3A : i32
    %convert_element_type3A = arith.extui %eq3A_72 : i1 to i32
    %cond3A = arith.constant 0 : i32
    %cond3A_73 = arith.cmpi ne, %convert_element_type3A, %cond3A : i32
    scf.if %cond3A_73 {
      %mul3A_79 = arith.constant 632 : i32
      %mul3A_80 = arith.muli %arg1, %mul3A_79 : i32
      %mul3A_81 = arith.constant 632 : i32
      %mul3A_82 = arith.muli %arg1, %mul3A_81 : i32
      "tpu.region"() ({
        %run_scoped3A = tpu.sem_alloc : memref<!tpu.dma_semaphore, #tpu.memory_space<semaphore_mem>>
        %dma_start3A_83 = arith.constant 0 : i32
        %dma_start3A_84 = tpu.memref_slice %arg6[%mul3A_82, %dma_start3A_83] : memref<10112x128xf32, #tpu.memory_space<hbm>> -> memref<632x128xf32, #tpu.memory_space<hbm>>
        %dma_start3A_85 = arith.constant 0 : i32
        %dma_start3A_86 = tpu.memref_slice %arg8[%mul3A_80, %dma_start3A_85] : memref<10112x128xf32, #tpu.memory_space<vmem_shared>> -> memref<632x128xf32, #tpu.memory_space<vmem_shared>>
        tpu.enqueue_dma source(%dma_start3A_86 : memref<632x128xf32, #tpu.memory_space<vmem_shared>>) target(%dma_start3A_84 : memref<632x128xf32, #tpu.memory_space<hbm>>) target_semaphore(%run_scoped3A : memref<!tpu.dma_semaphore, #tpu.memory_space<semaphore_mem>>)
        %dma_wait3A = arith.constant 0 : i32
        %dma_wait3A_87 = tpu.memref_slice %arg6[%mul3A_82, %dma_wait3A] : memref<10112x128xf32, #tpu.memory_space<hbm>> -> memref<632x128xf32, #tpu.memory_space<hbm>>
        %dma_wait3A_88 = arith.constant 0 : i32
        %dma_wait3A_89 = tpu.memref_slice %arg8[%mul3A_80, %dma_wait3A_88] : memref<10112x128xf32, #tpu.memory_space<vmem_shared>> -> memref<632x128xf32, #tpu.memory_space<vmem_shared>>
        tpu.wait_dma2 semaphore(%run_scoped3A : memref<!tpu.dma_semaphore, #tpu.memory_space<semaphore_mem>>) src(%dma_wait3A_89 : memref<632x128xf32, #tpu.memory_space<vmem_shared>>) dst(%dma_wait3A_87 : memref<632x128xf32, #tpu.memory_space<hbm>>)
        tpu.yield
      }) : () -> ()
    } else {
    }
    %eq3A_74 = arith.constant 1 : i32
    %eq3A_75 = arith.cmpi eq, %arg0, %eq3A_74 : i32
    %convert_element_type3A_76 = arith.extui %eq3A_75 : i1 to i32
    %cond3A_77 = arith.constant 0 : i32
    %cond3A_78 = arith.cmpi ne, %convert_element_type3A_76, %cond3A_77 : i32
    scf.if %cond3A_78 {
      %mul3A_79 = arith.constant 632 : i32
      %mul3A_80 = arith.muli %arg1, %mul3A_79 : i32
      %mul3A_81 = arith.constant 632 : i32
      %mul3A_82 = arith.muli %arg1, %mul3A_81 : i32
      "tpu.region"() ({
        %run_scoped3A = tpu.sem_alloc : memref<!tpu.dma_semaphore, #tpu.memory_space<semaphore_mem>>
        %dma_start3A_83 = arith.constant 0 : i32
        %dma_start3A_84 = tpu.memref_slice %arg7[%mul3A_82, %dma_start3A_83] : memref<10112x128xf32, #tpu.memory_space<hbm>> -> memref<632x128xf32, #tpu.memory_space<hbm>>
        %dma_start3A_85 = arith.constant 0 : i32
        %dma_start3A_86 = tpu.memref_slice %arg8[%mul3A_80, %dma_start3A_85] : memref<10112x128xf32, #tpu.memory_space<vmem_shared>> -> memref<632x128xf32, #tpu.memory_space<vmem_shared>>
        tpu.enqueue_dma source(%dma_start3A_86 : memref<632x128xf32, #tpu.memory_space<vmem_shared>>) target(%dma_start3A_84 : memref<632x128xf32, #tpu.memory_space<hbm>>) target_semaphore(%run_scoped3A : memref<!tpu.dma_semaphore, #tpu.memory_space<semaphore_mem>>)
        %dma_wait3A = arith.constant 0 : i32
        %dma_wait3A_87 = tpu.memref_slice %arg7[%mul3A_82, %dma_wait3A] : memref<10112x128xf32, #tpu.memory_space<hbm>> -> memref<632x128xf32, #tpu.memory_space<hbm>>
        %dma_wait3A_88 = arith.constant 0 : i32
        %dma_wait3A_89 = tpu.memref_slice %arg8[%mul3A_80, %dma_wait3A_88] : memref<10112x128xf32, #tpu.memory_space<vmem_shared>> -> memref<632x128xf32, #tpu.memory_space<vmem_shared>>
        tpu.wait_dma2 semaphore(%run_scoped3A : memref<!tpu.dma_semaphore, #tpu.memory_space<semaphore_mem>>) src(%dma_wait3A_89 : memref<632x128xf32, #tpu.memory_space<vmem_shared>>) dst(%dma_wait3A_87 : memref<632x128xf32, #tpu.memory_space<hbm>>)
        tpu.yield
      }) : () -> ()
    } else {
    }
    return
  }
}

module attributes {stable_mosaic.version = 14 : i64} {
  func.func @body(%arg0: i32, %arg1: memref<5000x512xf32, #tpu.memory_space<vmem>>, %arg2: memref<512x256xf32, #tpu.memory_space<vmem>>, %arg3: memref<1x256xf32, #tpu.memory_space<vmem>>, %arg4: memref<256x128xf32, #tpu.memory_space<vmem>>, %arg5: memref<1x128xf32, #tpu.memory_space<vmem>>, %arg6: memref<5000x128xf32, #tpu.memory_space<vmem>>) attributes {dimension_semantics = [#tpu.dimension_semantics<arbitrary>], iteration_bounds = array<i64: 2>, scalar_prefetch = 0 : i64, scratch_operands = 0 : i64, tpu.core_type = #tpu.core_type<tc>, window_params = [{transform_indices = @transform_0, window_bounds = array<i64: 5000, 512>}, {pipeline_mode = #tpu.pipeline_mode<synchronous>, transform_indices = @transform_1, window_bounds = array<i64: 512, 256>}, {pipeline_mode = #tpu.pipeline_mode<synchronous>, transform_indices = @transform_2, window_bounds = array<i64: 1, 256>}, {pipeline_mode = #tpu.pipeline_mode<synchronous>, transform_indices = @transform_3, window_bounds = array<i64: 256, 128>}, {pipeline_mode = #tpu.pipeline_mode<synchronous>, transform_indices = @transform_4, window_bounds = array<i64: 1, 128>}, {transform_indices = @transform_5, window_bounds = array<i64: 5000, 128>}]} {
    %get3A = arith.constant 0 : index
    %get3A_0 = arith.constant 0 : index
    %get3A_1 = vector.load %arg1[%get3A, %get3A_0] : memref<5000x512xf32, #tpu.memory_space<vmem>>, vector<5000x512xf32>
    %get3A_2 = arith.constant 0 : index
    %get3A_3 = arith.constant 0 : index
    %get3A_4 = vector.load %arg2[%get3A_2, %get3A_3] : memref<512x256xf32, #tpu.memory_space<vmem>>, vector<512x256xf32>
    %dot_general3A = arith.constant dense<0.000000e+00> : vector<5000x256xf32>
    %dot_general3A_5 = tpu.matmul %get3A_1, %get3A_4, %dot_general3A {dimension_numbers = #tpu.dot_dimension_numbers<[1], [0], [0], [1], [0, 0, 1, 1], [], []>, transpose_lhs_hint = false} : vector<5000x512xf32>, vector<512x256xf32>, vector<5000x256xf32> -> vector<5000x256xf32>
    %get3A_6 = arith.constant 0 : index
    %get3A_7 = arith.constant 0 : index
    %get3A_8 = vector.load %arg3[%get3A_6, %get3A_7] : memref<1x256xf32, #tpu.memory_space<vmem>>, vector<1x256xf32>
    %add3A = vector.broadcast %get3A_8 : vector<1x256xf32> to vector<5000x256xf32>
    %add3A_9 = arith.addf %dot_general3A_5, %add3A : vector<5000x256xf32>
    %max3A = arith.constant 0.000000e+00 : f32
    %max3A_10 = vector.broadcast %max3A : f32 to vector<5000x256xf32>
    %max3A_11 = arith.maximumf %add3A_9, %max3A_10 : vector<5000x256xf32>
    %get3A_12 = arith.constant 0 : index
    %get3A_13 = arith.constant 0 : index
    %get3A_14 = vector.load %arg4[%get3A_12, %get3A_13] : memref<256x128xf32, #tpu.memory_space<vmem>>, vector<256x128xf32>
    %dot_general3A_15 = arith.constant dense<0.000000e+00> : vector<5000x128xf32>
    %dot_general3A_16 = tpu.matmul %max3A_11, %get3A_14, %dot_general3A_15 {dimension_numbers = #tpu.dot_dimension_numbers<[1], [0], [0], [1], [0, 0, 1, 1], [], []>, transpose_lhs_hint = false} : vector<5000x256xf32>, vector<256x128xf32>, vector<5000x128xf32> -> vector<5000x128xf32>
    %get3A_17 = arith.constant 0 : index
    %get3A_18 = arith.constant 0 : index
    %get3A_19 = vector.load %arg5[%get3A_17, %get3A_18] : memref<1x128xf32, #tpu.memory_space<vmem>>, vector<1x128xf32>
    %add3A_20 = vector.broadcast %get3A_19 : vector<1x128xf32> to vector<5000x128xf32>
    %add3A_21 = arith.addf %dot_general3A_16, %add3A_20 : vector<5000x128xf32>
    %swap3A = arith.constant 0 : index
    %swap3A_22 = arith.constant 0 : index
    %swap3A_23 = vector.load %arg6[%swap3A, %swap3A_22] : memref<5000x128xf32, #tpu.memory_space<vmem>>, vector<5000x128xf32>
    tpu.vector_store %arg6[%swap3A, %swap3A_22], %add3A_21 {strides = array<i32>} : memref<5000x128xf32, #tpu.memory_space<vmem>>, vector<5000x128xf32>,
    return
  }
  func.func @transform_0(%arg0: i32) -> (i32, i32) {
    %c0_i32 = arith.constant 0 : i32
    %c0_i32_0 = arith.constant 0 : i32
    return %arg0, %c0_i32 : i32, i32
  }
  func.func @transform_1(%arg0: i32) -> (i32, i32) {
    %c0_i32 = arith.constant 0 : i32
    %c0_i32_0 = arith.constant 0 : i32
    %c0_i32_1 = arith.constant 0 : i32
    return %c0_i32, %c0_i32_0 : i32, i32
  }
  func.func @transform_2(%arg0: i32) -> (i32, i32) {
    %c0_i32 = arith.constant 0 : i32
    %c0_i32_0 = arith.constant 0 : i32
    %c0_i32_1 = arith.constant 0 : i32
    return %c0_i32, %c0_i32_0 : i32, i32
  }
  func.func @transform_3(%arg0: i32) -> (i32, i32) {
    %c0_i32 = arith.constant 0 : i32
    %c0_i32_0 = arith.constant 0 : i32
    %c0_i32_1 = arith.constant 0 : i32
    return %c0_i32, %c0_i32_0 : i32, i32
  }
  func.func @transform_4(%arg0: i32) -> (i32, i32) {
    %c0_i32 = arith.constant 0 : i32
    %c0_i32_0 = arith.constant 0 : i32
    %c0_i32_1 = arith.constant 0 : i32
    return %c0_i32, %c0_i32_0 : i32, i32
  }
  func.func @transform_5(%arg0: i32) -> (i32, i32) {
    %c0_i32 = arith.constant 0 : i32
    %c0_i32_0 = arith.constant 0 : i32
    return %arg0, %c0_i32 : i32, i32
  }
}

module attributes {stable_mosaic.version = 14 : i64} {
  func.func @body(%arg0: i32, %arg1: memref<5000x128xf32, #tpu.memory_space<vmem>>, %arg2: memref<5000x128xf32, #tpu.memory_space<vmem>>, %arg3: memref<5000x128xf32, #tpu.memory_space<vmem>>, %arg4: memref<1x1xf32, #tpu.memory_space<vmem>>, %arg5: memref<128x128xf32, #tpu.memory_space<vmem>>, %arg6: memref<1x128xf32, #tpu.memory_space<vmem>>, %arg7: memref<128x128xf32, #tpu.memory_space<vmem>>, %arg8: memref<1x128xf32, #tpu.memory_space<vmem>>, %arg9: memref<1x128xf32, #tpu.memory_space<vmem>>, %arg10: memref<1x128xf32, #tpu.memory_space<vmem>>, %arg11: memref<5000x128xf32, #tpu.memory_space<vmem>>) attributes {dimension_semantics = [#tpu.dimension_semantics<arbitrary>], iteration_bounds = array<i64: 2>, scalar_prefetch = 0 : i64, scratch_operands = 0 : i64, tpu.core_type = #tpu.core_type<tc>, window_params = [{transform_indices = @transform_0, window_bounds = array<i64: 5000, 128>}, {transform_indices = @transform_1, window_bounds = array<i64: 5000, 128>}, {transform_indices = @transform_2, window_bounds = array<i64: 5000, 128>}, {pipeline_mode = #tpu.pipeline_mode<synchronous>, transform_indices = @transform_3, window_bounds = array<i64: 1, 1>}, {pipeline_mode = #tpu.pipeline_mode<synchronous>, transform_indices = @transform_4, window_bounds = array<i64: 128, 128>}, {pipeline_mode = #tpu.pipeline_mode<synchronous>, transform_indices = @transform_5, window_bounds = array<i64: 1, 128>}, {pipeline_mode = #tpu.pipeline_mode<synchronous>, transform_indices = @transform_6, window_bounds = array<i64: 128, 128>}, {pipeline_mode = #tpu.pipeline_mode<synchronous>, transform_indices = @transform_7, window_bounds = array<i64: 1, 128>}, {pipeline_mode = #tpu.pipeline_mode<synchronous>, transform_indices = @transform_8, window_bounds = array<i64: 1, 128>}, {pipeline_mode = #tpu.pipeline_mode<synchronous>, transform_indices = @transform_9, window_bounds = array<i64: 1, 128>}, {transform_indices = @transform_10, window_bounds = array<i64: 5000, 128>}]} {
    %get3A = arith.constant 0 : index
    %get3A_0 = arith.constant 0 : index
    %get3A_1 = vector.load %arg1[%get3A, %get3A_0] : memref<5000x128xf32, #tpu.memory_space<vmem>>, vector<5000x128xf32>
    %get3A_2 = arith.constant 0 : index
    %get3A_3 = arith.constant 0 : index
    %get3A_4 = vector.load %arg4[%get3A_2, %get3A_3] : memref<1x1xf32, #tpu.memory_space<vmem>>, vector<1x1xf32>
    %get3A_5 = vector.extract %get3A_4[0, 0] : f32 from vector<1x1xf32>
    %mul3A = vector.broadcast %get3A_5 : f32 to vector<5000x128xf32>
    %mul3A_6 = arith.mulf %get3A_1, %mul3A : vector<5000x128xf32>
    %get3A_7 = arith.constant 0 : index
    %get3A_8 = arith.constant 0 : index
    %get3A_9 = vector.load %arg2[%get3A_7, %get3A_8] : memref<5000x128xf32, #tpu.memory_space<vmem>>, vector<5000x128xf32>
    %add3A = arith.addf %mul3A_6, %get3A_9 : vector<5000x128xf32>
    %get3A_10 = arith.constant 0 : index
    %get3A_11 = arith.constant 0 : index
    %get3A_12 = vector.load %arg3[%get3A_10, %get3A_11] : memref<5000x128xf32, #tpu.memory_space<vmem>>, vector<5000x128xf32>
    %add3A_13 = arith.addf %add3A, %get3A_12 : vector<5000x128xf32>
    %get3A_14 = arith.constant 0 : index
    %get3A_15 = arith.constant 0 : index
    %get3A_16 = vector.load %arg5[%get3A_14, %get3A_15] : memref<128x128xf32, #tpu.memory_space<vmem>>, vector<128x128xf32>
    %dot_general3A = arith.constant dense<0.000000e+00> : vector<5000x128xf32>
    %dot_general3A_17 = tpu.matmul %add3A_13, %get3A_16, %dot_general3A {dimension_numbers = #tpu.dot_dimension_numbers<[1], [0], [0], [1], [0, 0, 1, 1], [], []>, transpose_lhs_hint = false} : vector<5000x128xf32>, vector<128x128xf32>, vector<5000x128xf32> -> vector<5000x128xf32>
    %get3A_18 = arith.constant 0 : index
    %get3A_19 = arith.constant 0 : index
    %get3A_20 = vector.load %arg6[%get3A_18, %get3A_19] : memref<1x128xf32, #tpu.memory_space<vmem>>, vector<1x128xf32>
    %add3A_21 = vector.broadcast %get3A_20 : vector<1x128xf32> to vector<5000x128xf32>
    %add3A_22 = arith.addf %dot_general3A_17, %add3A_21 : vector<5000x128xf32>
    %max3A = arith.constant 0.000000e+00 : f32
    %max3A_23 = vector.broadcast %max3A : f32 to vector<5000x128xf32>
    %max3A_24 = arith.maximumf %add3A_22, %max3A_23 : vector<5000x128xf32>
    %get3A_25 = arith.constant 0 : index
    %get3A_26 = arith.constant 0 : index
    %get3A_27 = vector.load %arg7[%get3A_25, %get3A_26] : memref<128x128xf32, #tpu.memory_space<vmem>>, vector<128x128xf32>
    %dot_general3A_28 = arith.constant dense<0.000000e+00> : vector<5000x128xf32>
    %dot_general3A_29 = tpu.matmul %max3A_24, %get3A_27, %dot_general3A_28 {dimension_numbers = #tpu.dot_dimension_numbers<[1], [0], [0], [1], [0, 0, 1, 1], [], []>, transpose_lhs_hint = false} : vector<5000x128xf32>, vector<128x128xf32>, vector<5000x128xf32> -> vector<5000x128xf32>
    %get3A_30 = arith.constant 0 : index
    %get3A_31 = arith.constant 0 : index
    %get3A_32 = vector.load %arg8[%get3A_30, %get3A_31] : memref<1x128xf32, #tpu.memory_space<vmem>>, vector<1x128xf32>
    %add3A_33 = vector.broadcast %get3A_32 : vector<1x128xf32> to vector<5000x128xf32>
    %add3A_34 = arith.addf %dot_general3A_29, %add3A_33 : vector<5000x128xf32>
    %max3A_35 = arith.constant 0.000000e+00 : f32
    %max3A_36 = vector.broadcast %max3A_35 : f32 to vector<5000x128xf32>
    %max3A_37 = arith.maximumf %add3A_34, %max3A_36 : vector<5000x128xf32>
    %get3A_38 = arith.constant 0 : index
    %get3A_39 = arith.constant 0 : index
    %get3A_40 = vector.load %arg9[%get3A_38, %get3A_39] : memref<1x128xf32, #tpu.memory_space<vmem>>, vector<1x128xf32>
    %mul3A_41 = vector.broadcast %get3A_40 : vector<1x128xf32> to vector<5000x128xf32>
    %mul3A_42 = arith.mulf %max3A_37, %mul3A_41 : vector<5000x128xf32>
    %get3A_43 = arith.constant 0 : index
    %get3A_44 = arith.constant 0 : index
    %get3A_45 = vector.load %arg10[%get3A_43, %get3A_44] : memref<1x128xf32, #tpu.memory_space<vmem>>, vector<1x128xf32>
    %add3A_46 = vector.broadcast %get3A_45 : vector<1x128xf32> to vector<5000x128xf32>
    %add3A_47 = arith.addf %mul3A_42, %add3A_46 : vector<5000x128xf32>
    %swap3A = arith.constant 0 : index
    %swap3A_48 = arith.constant 0 : index
    %swap3A_49 = vector.load %arg11[%swap3A, %swap3A_48] : memref<5000x128xf32, #tpu.memory_space<vmem>>, vector<5000x128xf32>
    tpu.vector_store %arg11[%swap3A, %swap3A_48], %add3A_47 {strides = array<i32>} : memref<5000x128xf32, #tpu.memory_space<vmem>>, vector<5000x128xf32>,
    return
  }
  func.func @transform_0(%arg0: i32) -> (i32, i32) {
    %c0_i32 = arith.constant 0 : i32
    %c0_i32_0 = arith.constant 0 : i32
    return %arg0, %c0_i32 : i32, i32
  }
  func.func @transform_1(%arg0: i32) -> (i32, i32) {
    %c0_i32 = arith.constant 0 : i32
    %c0_i32_0 = arith.constant 0 : i32
    return %arg0, %c0_i32 : i32, i32
  }
  func.func @transform_2(%arg0: i32) -> (i32, i32) {
    %c0_i32 = arith.constant 0 : i32
    %c0_i32_0 = arith.constant 0 : i32
    return %arg0, %c0_i32 : i32, i32
  }
  func.func @transform_3(%arg0: i32) -> (i32, i32) {
    %c0_i32 = arith.constant 0 : i32
    %c0_i32_0 = arith.constant 0 : i32
    %c0_i32_1 = arith.constant 0 : i32
    return %c0_i32, %c0_i32_0 : i32, i32
  }
  func.func @transform_4(%arg0: i32) -> (i32, i32) {
    %c0_i32 = arith.constant 0 : i32
    %c0_i32_0 = arith.constant 0 : i32
    %c0_i32_1 = arith.constant 0 : i32
    return %c0_i32, %c0_i32_0 : i32, i32
  }
  func.func @transform_5(%arg0: i32) -> (i32, i32) {
    %c0_i32 = arith.constant 0 : i32
    %c0_i32_0 = arith.constant 0 : i32
    %c0_i32_1 = arith.constant 0 : i32
    return %c0_i32, %c0_i32_0 : i32, i32
  }
  func.func @transform_6(%arg0: i32) -> (i32, i32) {
    %c0_i32 = arith.constant 0 : i32
    %c0_i32_0 = arith.constant 0 : i32
    %c0_i32_1 = arith.constant 0 : i32
    return %c0_i32, %c0_i32_0 : i32, i32
  }
  func.func @transform_7(%arg0: i32) -> (i32, i32) {
    %c0_i32 = arith.constant 0 : i32
    %c0_i32_0 = arith.constant 0 : i32
    %c0_i32_1 = arith.constant 0 : i32
    return %c0_i32, %c0_i32_0 : i32, i32
  }
  func.func @transform_8(%arg0: i32) -> (i32, i32) {
    %c0_i32 = arith.constant 0 : i32
    %c0_i32_0 = arith.constant 0 : i32
    %c0_i32_1 = arith.constant 0 : i32
    return %c0_i32, %c0_i32_0 : i32, i32
  }
  func.func @transform_9(%arg0: i32) -> (i32, i32) {
    %c0_i32 = arith.constant 0 : i32
    %c0_i32_0 = arith.constant 0 : i32
    %c0_i32_1 = arith.constant 0 : i32
    return %c0_i32, %c0_i32_0 : i32, i32
  }
  func.func @transform_10(%arg0: i32) -> (i32, i32) {
    %c0_i32 = arith.constant 0 : i32
    %c0_i32_0 = arith.constant 0 : i32
    return %arg0, %c0_i32 : i32, i32
  }
}

module attributes {stable_mosaic.version = 14 : i64} {
  func.func @body(%arg0: i32, %arg1: memref<5000x128xf32, #tpu.memory_space<vmem>>, %arg2: memref<5000x128xf32, #tpu.memory_space<vmem>>, %arg3: memref<5000x128xf32, #tpu.memory_space<vmem>>, %arg4: memref<1x1xf32, #tpu.memory_space<vmem>>, %arg5: memref<128x128xf32, #tpu.memory_space<vmem>>, %arg6: memref<1x128xf32, #tpu.memory_space<vmem>>, %arg7: memref<128x128xf32, #tpu.memory_space<vmem>>, %arg8: memref<1x128xf32, #tpu.memory_space<vmem>>, %arg9: memref<1x128xf32, #tpu.memory_space<vmem>>, %arg10: memref<1x128xf32, #tpu.memory_space<vmem>>, %arg11: memref<5000x1xi32, #tpu.memory_space<vmem>>, %arg12: memref<128x128xf32, #tpu.memory_space<vmem>>, %arg13: memref<1x128xf32, #tpu.memory_space<vmem>>, %arg14: memref<128x10xf32, #tpu.memory_space<vmem>>, %arg15: memref<1x10xf32, #tpu.memory_space<vmem>>, %arg16: memref<5000x128xf32, #tpu.memory_space<vmem>>, %arg17: memref<64x10xf32, #tpu.memory_space<vmem>>, %arg18: memref<64x128xf32, #tpu.memory_space<vmem>>, %arg19: memref<64x1xf32, #tpu.memory_space<vmem>>) attributes {dimension_semantics = [#tpu.dimension_semantics<arbitrary>], iteration_bounds = array<i64: 2>, scalar_prefetch = 0 : i64, scratch_operands = 2 : i64, tpu.core_type = #tpu.core_type<tc>, window_params = [{transform_indices = @transform_0, window_bounds = array<i64: 5000, 128>}, {transform_indices = @transform_1, window_bounds = array<i64: 5000, 128>}, {transform_indices = @transform_2, window_bounds = array<i64: 5000, 128>}, {pipeline_mode = #tpu.pipeline_mode<synchronous>, transform_indices = @transform_3, window_bounds = array<i64: 1, 1>}, {pipeline_mode = #tpu.pipeline_mode<synchronous>, transform_indices = @transform_4, window_bounds = array<i64: 128, 128>}, {pipeline_mode = #tpu.pipeline_mode<synchronous>, transform_indices = @transform_5, window_bounds = array<i64: 1, 128>}, {pipeline_mode = #tpu.pipeline_mode<synchronous>, transform_indices = @transform_6, window_bounds = array<i64: 128, 128>}, {pipeline_mode = #tpu.pipeline_mode<synchronous>, transform_indices = @transform_7, window_bounds = array<i64: 1, 128>}, {pipeline_mode = #tpu.pipeline_mode<synchronous>, transform_indices = @transform_8, window_bounds = array<i64: 1, 128>}, {pipeline_mode = #tpu.pipeline_mode<synchronous>, transform_indices = @transform_9, window_bounds = array<i64: 1, 128>}, {transform_indices = @transform_10, window_bounds = array<i64: 5000, 1>}, {pipeline_mode = #tpu.pipeline_mode<synchronous>, transform_indices = @transform_11, window_bounds = array<i64: 128, 128>}, {pipeline_mode = #tpu.pipeline_mode<synchronous>, transform_indices = @transform_12, window_bounds = array<i64: 1, 128>}, {pipeline_mode = #tpu.pipeline_mode<synchronous>, transform_indices = @transform_13, window_bounds = array<i64: 128, 10>}, {pipeline_mode = #tpu.pipeline_mode<synchronous>, transform_indices = @transform_14, window_bounds = array<i64: 1, 10>}, {transform_indices = @transform_15, window_bounds = array<i64: 5000, 128>}, {pipeline_mode = #tpu.pipeline_mode<synchronous>, transform_indices = @transform_16, window_bounds = array<i64: 64, 10>}]} {
    %eq3A = arith.constant 0 : i32
    %eq3A_0 = arith.cmpi eq, %arg0, %eq3A : i32
    %convert_element_type3A = arith.extui %eq3A_0 : i1 to i32
    %cond3A = arith.constant 0 : i32
    %cond3A_1 = arith.cmpi ne, %convert_element_type3A, %cond3A : i32
    scf.if %cond3A_1 {
      %broadcast_in_dim3A_84 = arith.constant 0.000000e+00 : f32
      %broadcast_in_dim3A_85 = vector.broadcast %broadcast_in_dim3A_84 : f32 to vector<64x128xf32>
      %swap3A_86 = arith.constant 0 : index
      %swap3A_87 = arith.constant 0 : index
      %swap3A_88 = vector.load %arg18[%swap3A_86, %swap3A_87] : memref<64x128xf32, #tpu.memory_space<vmem>>, vector<64x128xf32>
      tpu.vector_store %arg18[%swap3A_86, %swap3A_87], %broadcast_in_dim3A_85 {strides = array<i32>} : memref<64x128xf32, #tpu.memory_space<vmem>>, vector<64x128xf32>,
      %broadcast_in_dim3A_89 = arith.constant 0.000000e+00 : f32
      %broadcast_in_dim3A_90 = vector.broadcast %broadcast_in_dim3A_89 : f32 to vector<64x1xf32>
      %swap3A_91 = arith.constant 0 : index
      %swap3A_92 = arith.constant 0 : index
      %swap3A_93 = vector.load %arg19[%swap3A_91, %swap3A_92] : memref<64x1xf32, #tpu.memory_space<vmem>>, vector<64x1xf32>
      tpu.vector_store %arg19[%swap3A_91, %swap3A_92], %broadcast_in_dim3A_90 {strides = array<i32>} : memref<64x1xf32, #tpu.memory_space<vmem>>, vector<64x1xf32>,
    } else {
    }
    %get3A = arith.constant 0 : index
    %get3A_2 = arith.constant 0 : index
    %get3A_3 = vector.load %arg1[%get3A, %get3A_2] : memref<5000x128xf32, #tpu.memory_space<vmem>>, vector<5000x128xf32>
    %get3A_4 = arith.constant 0 : index
    %get3A_5 = arith.constant 0 : index
    %get3A_6 = vector.load %arg4[%get3A_4, %get3A_5] : memref<1x1xf32, #tpu.memory_space<vmem>>, vector<1x1xf32>
    %get3A_7 = vector.extract %get3A_6[0, 0] : f32 from vector<1x1xf32>
    %mul3A = vector.broadcast %get3A_7 : f32 to vector<5000x128xf32>
    %mul3A_8 = arith.mulf %get3A_3, %mul3A : vector<5000x128xf32>
    %get3A_9 = arith.constant 0 : index
    %get3A_10 = arith.constant 0 : index
    %get3A_11 = vector.load %arg2[%get3A_9, %get3A_10] : memref<5000x128xf32, #tpu.memory_space<vmem>>, vector<5000x128xf32>
    %add3A = arith.addf %mul3A_8, %get3A_11 : vector<5000x128xf32>
    %get3A_12 = arith.constant 0 : index
    %get3A_13 = arith.constant 0 : index
    %get3A_14 = vector.load %arg3[%get3A_12, %get3A_13] : memref<5000x128xf32, #tpu.memory_space<vmem>>, vector<5000x128xf32>
    %add3A_15 = arith.addf %add3A, %get3A_14 : vector<5000x128xf32>
    %get3A_16 = arith.constant 0 : index
    %get3A_17 = arith.constant 0 : index
    %get3A_18 = vector.load %arg5[%get3A_16, %get3A_17] : memref<128x128xf32, #tpu.memory_space<vmem>>, vector<128x128xf32>
    %dot_general3A = arith.constant dense<0.000000e+00> : vector<5000x128xf32>
    %dot_general3A_19 = tpu.matmul %add3A_15, %get3A_18, %dot_general3A {dimension_numbers = #tpu.dot_dimension_numbers<[1], [0], [0], [1], [0, 0, 1, 1], [], []>, transpose_lhs_hint = false} : vector<5000x128xf32>, vector<128x128xf32>, vector<5000x128xf32> -> vector<5000x128xf32>
    %get3A_20 = arith.constant 0 : index
    %get3A_21 = arith.constant 0 : index
    %get3A_22 = vector.load %arg6[%get3A_20, %get3A_21] : memref<1x128xf32, #tpu.memory_space<vmem>>, vector<1x128xf32>
    %add3A_23 = vector.broadcast %get3A_22 : vector<1x128xf32> to vector<5000x128xf32>
    %add3A_24 = arith.addf %dot_general3A_19, %add3A_23 : vector<5000x128xf32>
    %max3A = arith.constant 0.000000e+00 : f32
    %max3A_25 = vector.broadcast %max3A : f32 to vector<5000x128xf32>
    %max3A_26 = arith.maximumf %add3A_24, %max3A_25 : vector<5000x128xf32>
    %get3A_27 = arith.constant 0 : index
    %get3A_28 = arith.constant 0 : index
    %get3A_29 = vector.load %arg7[%get3A_27, %get3A_28] : memref<128x128xf32, #tpu.memory_space<vmem>>, vector<128x128xf32>
    %dot_general3A_30 = arith.constant dense<0.000000e+00> : vector<5000x128xf32>
    %dot_general3A_31 = tpu.matmul %max3A_26, %get3A_29, %dot_general3A_30 {dimension_numbers = #tpu.dot_dimension_numbers<[1], [0], [0], [1], [0, 0, 1, 1], [], []>, transpose_lhs_hint = false} : vector<5000x128xf32>, vector<128x128xf32>, vector<5000x128xf32> -> vector<5000x128xf32>
    %get3A_32 = arith.constant 0 : index
    %get3A_33 = arith.constant 0 : index
    %get3A_34 = vector.load %arg8[%get3A_32, %get3A_33] : memref<1x128xf32, #tpu.memory_space<vmem>>, vector<1x128xf32>
    %add3A_35 = vector.broadcast %get3A_34 : vector<1x128xf32> to vector<5000x128xf32>
    %add3A_36 = arith.addf %dot_general3A_31, %add3A_35 : vector<5000x128xf32>
    %max3A_37 = arith.constant 0.000000e+00 : f32
    %max3A_38 = vector.broadcast %max3A_37 : f32 to vector<5000x128xf32>
    %max3A_39 = arith.maximumf %add3A_36, %max3A_38 : vector<5000x128xf32>
    %get3A_40 = arith.constant 0 : index
    %get3A_41 = arith.constant 0 : index
    %get3A_42 = vector.load %arg9[%get3A_40, %get3A_41] : memref<1x128xf32, #tpu.memory_space<vmem>>, vector<1x128xf32>
    %mul3A_43 = vector.broadcast %get3A_42 : vector<1x128xf32> to vector<5000x128xf32>
    %mul3A_44 = arith.mulf %max3A_39, %mul3A_43 : vector<5000x128xf32>
    %get3A_45 = arith.constant 0 : index
    %get3A_46 = arith.constant 0 : index
    %get3A_47 = vector.load %arg10[%get3A_45, %get3A_46] : memref<1x128xf32, #tpu.memory_space<vmem>>, vector<1x128xf32>
    %add3A_48 = vector.broadcast %get3A_47 : vector<1x128xf32> to vector<5000x128xf32>
    %add3A_49 = arith.addf %mul3A_44, %add3A_48 : vector<5000x128xf32>
    %swap3A = arith.constant 0 : index
    %swap3A_50 = arith.constant 0 : index
    %swap3A_51 = vector.load %arg16[%swap3A, %swap3A_50] : memref<5000x128xf32, #tpu.memory_space<vmem>>, vector<5000x128xf32>
    tpu.vector_store %arg16[%swap3A, %swap3A_50], %add3A_49 {strides = array<i32>} : memref<5000x128xf32, #tpu.memory_space<vmem>>, vector<5000x128xf32>,
    %get3A_52 = arith.constant 0 : index
    %get3A_53 = arith.constant 0 : index
    %get3A_54 = vector.load %arg11[%get3A_52, %get3A_53] : memref<5000x1xi32, #tpu.memory_space<vmem>>, vector<5000x1xi32>
    %iota3A = tpu.iota {dimensions = array<i32: 1>} : vector<1x64xi32>
    %eq3A_55 = vector.broadcast %get3A_54 : vector<5000x1xi32> to vector<5000x64xi32>
    %eq3A_56 = vector.broadcast %iota3A : vector<1x64xi32> to vector<5000x64xi32>
    %eq3A_57 = arith.cmpi eq, %eq3A_55, %eq3A_56 : vector<5000x64xi32>
    %convert_element_type3A_58 = arith.extui %eq3A_57 : vector<5000x64xi1> to vector<5000x64xi32>
    %convert_element_type3A_59 = arith.sitofp %convert_element_type3A_58 : vector<5000x64xi32> to vector<5000x64xf32>
    %get3A_60 = arith.constant 0 : index
    %get3A_61 = arith.constant 0 : index
    %get3A_62 = vector.load %arg18[%get3A_60, %get3A_61] : memref<64x128xf32, #tpu.memory_space<vmem>>, vector<64x128xf32>
    %dot_general3A_63 = arith.constant dense<0.000000e+00> : vector<64x128xf32>
    %dot_general3A_64 = tpu.matmul %convert_element_type3A_59, %add3A_49, %dot_general3A_63 {dimension_numbers = #tpu.dot_dimension_numbers<[0], [0], [1], [1], [0, 1, 1, 1], [], []>, transpose_lhs_hint = false} : vector<5000x64xf32>, vector<5000x128xf32>, vector<64x128xf32> -> vector<64x128xf32>
    %add3A_65 = arith.addf %get3A_62, %dot_general3A_64 : vector<64x128xf32>
    %swap3A_66 = arith.constant 0 : index
    %swap3A_67 = arith.constant 0 : index
    %swap3A_68 = vector.load %arg18[%swap3A_66, %swap3A_67] : memref<64x128xf32, #tpu.memory_space<vmem>>, vector<64x128xf32>
    tpu.vector_store %arg18[%swap3A_66, %swap3A_67], %add3A_65 {strides = array<i32>} : memref<64x128xf32, #tpu.memory_space<vmem>>, vector<64x128xf32>,
    %broadcast_in_dim3A = arith.constant 1.000000e+00 : f32
    %broadcast_in_dim3A_69 = vector.broadcast %broadcast_in_dim3A : f32 to vector<5000x1xf32>
    %get3A_70 = arith.constant 0 : index
    %get3A_71 = arith.constant 0 : index
    %get3A_72 = vector.load %arg19[%get3A_70, %get3A_71] : memref<64x1xf32, #tpu.memory_space<vmem>>, vector<64x1xf32>
    %dot_general3A_73 = arith.constant dense<0.000000e+00> : vector<64x1xf32>
    %dot_general3A_74 = tpu.matmul %convert_element_type3A_59, %broadcast_in_dim3A_69, %dot_general3A_73 {dimension_numbers = #tpu.dot_dimension_numbers<[0], [0], [1], [1], [0, 1, 1, 1], [], []>, transpose_lhs_hint = false} : vector<5000x64xf32>, vector<5000x1xf32>, vector<64x1xf32> -> vector<64x1xf32>
    %add3A_75 = arith.addf %get3A_72, %dot_general3A_74 : vector<64x1xf32>
    %swap3A_76 = arith.constant 0 : index
    %swap3A_77 = arith.constant 0 : index
    %swap3A_78 = vector.load %arg19[%swap3A_76, %swap3A_77] : memref<64x1xf32, #tpu.memory_space<vmem>>, vector<64x1xf32>
    tpu.vector_store %arg19[%swap3A_76, %swap3A_77], %add3A_75 {strides = array<i32>} : memref<64x1xf32, #tpu.memory_space<vmem>>, vector<64x1xf32>,
    %eq3A_79 = arith.constant 1 : i32
    %eq3A_80 = arith.cmpi eq, %arg0, %eq3A_79 : i32
    %convert_element_type3A_81 = arith.extui %eq3A_80 : i1 to i32
    %cond3A_82 = arith.constant 0 : i32
    %cond3A_83 = arith.cmpi ne, %convert_element_type3A_81, %cond3A_82 : i32
    scf.if %cond3A_83 {
      %get3A_84 = arith.constant 0 : index
      %get3A_85 = arith.constant 0 : index
      %get3A_86 = vector.load %arg18[%get3A_84, %get3A_85] : memref<64x128xf32, #tpu.memory_space<vmem>>, vector<64x128xf32>
      %get3A_87 = arith.constant 0 : index
      %get3A_88 = arith.constant 0 : index
      %get3A_89 = vector.load %arg19[%get3A_87, %get3A_88] : memref<64x1xf32, #tpu.memory_space<vmem>>, vector<64x1xf32>
      %max3A_90 = arith.constant 1.000000e+00 : f32
      %max3A_91 = vector.broadcast %max3A_90 : f32 to vector<64x1xf32>
      %max3A_92 = arith.maximumf %get3A_89, %max3A_91 : vector<64x1xf32>
      %div3A = vector.broadcast %max3A_92 : vector<64x1xf32> to vector<64x128xf32>
      %div3A_93 = arith.divf %get3A_86, %div3A : vector<64x128xf32>
      %get3A_94 = arith.constant 0 : index
      %get3A_95 = arith.constant 0 : index
      %get3A_96 = vector.load %arg12[%get3A_94, %get3A_95] : memref<128x128xf32, #tpu.memory_space<vmem>>, vector<128x128xf32>
      %dot_general3A_97 = arith.constant dense<0.000000e+00> : vector<64x128xf32>
      %dot_general3A_98 = tpu.matmul %div3A_93, %get3A_96, %dot_general3A_97 {dimension_numbers = #tpu.dot_dimension_numbers<[1], [0], [0], [1], [0, 0, 1, 1], [], []>, transpose_lhs_hint = false} : vector<64x128xf32>, vector<128x128xf32>, vector<64x128xf32> -> vector<64x128xf32>
      %get3A_99 = arith.constant 0 : index
      %get3A_100 = arith.constant 0 : index
      %get3A_101 = vector.load %arg13[%get3A_99, %get3A_100] : memref<1x128xf32, #tpu.memory_space<vmem>>, vector<1x128xf32>
      %add3A_102 = vector.broadcast %get3A_101 : vector<1x128xf32> to vector<64x128xf32>
      %add3A_103 = arith.addf %dot_general3A_98, %add3A_102 : vector<64x128xf32>
      %max3A_104 = arith.constant 0.000000e+00 : f32
      %max3A_105 = vector.broadcast %max3A_104 : f32 to vector<64x128xf32>
      %max3A_106 = arith.maximumf %add3A_103, %max3A_105 : vector<64x128xf32>
      %get3A_107 = arith.constant 0 : index
      %get3A_108 = arith.constant 0 : index
      %get3A_109 = vector.load %arg14[%get3A_107, %get3A_108] : memref<128x10xf32, #tpu.memory_space<vmem>>, vector<128x10xf32>
      %dot_general3A_110 = arith.constant dense<0.000000e+00> : vector<64x10xf32>
      %dot_general3A_111 = tpu.matmul %max3A_106, %get3A_109, %dot_general3A_110 {dimension_numbers = #tpu.dot_dimension_numbers<[1], [0], [0], [1], [0, 0, 1, 1], [], []>, transpose_lhs_hint = false} : vector<64x128xf32>, vector<128x10xf32>, vector<64x10xf32> -> vector<64x10xf32>
      %get3A_112 = arith.constant 0 : index
      %get3A_113 = arith.constant 0 : index
      %get3A_114 = vector.load %arg15[%get3A_112, %get3A_113] : memref<1x10xf32, #tpu.memory_space<vmem>>, vector<1x10xf32>
      %add3A_115 = vector.broadcast %get3A_114 : vector<1x10xf32> to vector<64x10xf32>
      %add3A_116 = arith.addf %dot_general3A_111, %add3A_115 : vector<64x10xf32>
      %reduce_max3A = arith.constant dense<0xFF800000> : vector<64xf32>
      %reduce_max3A_117 = vector.multi_reduction <maximumf>, %add3A_116, %reduce_max3A [1] : vector<64x10xf32> to vector<64xf32>
      %broadcast_in_dim3A_118 = vector.shape_cast %reduce_max3A_117 : vector<64xf32> to vector<64x1xf32>
      %sub3A = vector.broadcast %broadcast_in_dim3A_118 : vector<64x1xf32> to vector<64x10xf32>
      %sub3A_119 = arith.subf %add3A_116, %sub3A : vector<64x10xf32>
      %exp3A = math.exp %sub3A_119 : vector<64x10xf32>
      %reduce_sum3A = arith.constant dense<0.000000e+00> : vector<64xf32>
      %reduce_sum3A_120 = vector.multi_reduction <add>, %exp3A, %reduce_sum3A [1] : vector<64x10xf32> to vector<64xf32>
      %broadcast_in_dim3A_121 = vector.shape_cast %reduce_sum3A_120 : vector<64xf32> to vector<64x1xf32>
      %log3A = math.log %broadcast_in_dim3A_121 : vector<64x1xf32>
      %add3A_122 = arith.addf %log3A, %broadcast_in_dim3A_118 : vector<64x1xf32>
      %sub3A_123 = vector.broadcast %add3A_122 : vector<64x1xf32> to vector<64x10xf32>
      %sub3A_124 = arith.subf %add3A_116, %sub3A_123 : vector<64x10xf32>
      %swap3A_125 = arith.constant 0 : index
      %swap3A_126 = arith.constant 0 : index
      %swap3A_127 = vector.load %arg17[%swap3A_125, %swap3A_126] : memref<64x10xf32, #tpu.memory_space<vmem>>, vector<64x10xf32>
      tpu.vector_store %arg17[%swap3A_125, %swap3A_126], %sub3A_124 {strides = array<i32>} : memref<64x10xf32, #tpu.memory_space<vmem>>, vector<64x10xf32>,
    } else {
    }
    return
  }
  func.func @transform_0(%arg0: i32) -> (i32, i32) {
    %c0_i32 = arith.constant 0 : i32
    %c0_i32_0 = arith.constant 0 : i32
    return %arg0, %c0_i32 : i32, i32
  }
  func.func @transform_1(%arg0: i32) -> (i32, i32) {
    %c0_i32 = arith.constant 0 : i32
    %c0_i32_0 = arith.constant 0 : i32
    return %arg0, %c0_i32 : i32, i32
  }
  func.func @transform_2(%arg0: i32) -> (i32, i32) {
    %c0_i32 = arith.constant 0 : i32
    %c0_i32_0 = arith.constant 0 : i32
    return %arg0, %c0_i32 : i32, i32
  }
  func.func @transform_3(%arg0: i32) -> (i32, i32) {
    %c0_i32 = arith.constant 0 : i32
    %c0_i32_0 = arith.constant 0 : i32
    %c0_i32_1 = arith.constant 0 : i32
    return %c0_i32, %c0_i32_0 : i32, i32
  }
  func.func @transform_4(%arg0: i32) -> (i32, i32) {
    %c0_i32 = arith.constant 0 : i32
    %c0_i32_0 = arith.constant 0 : i32
    %c0_i32_1 = arith.constant 0 : i32
    return %c0_i32, %c0_i32_0 : i32, i32
  }
  func.func @transform_5(%arg0: i32) -> (i32, i32) {
    %c0_i32 = arith.constant 0 : i32
    %c0_i32_0 = arith.constant 0 : i32
    %c0_i32_1 = arith.constant 0 : i32
    return %c0_i32, %c0_i32_0 : i32, i32
  }
  func.func @transform_6(%arg0: i32) -> (i32, i32) {
    %c0_i32 = arith.constant 0 : i32
    %c0_i32_0 = arith.constant 0 : i32
    %c0_i32_1 = arith.constant 0 : i32
    return %c0_i32, %c0_i32_0 : i32, i32
  }
  func.func @transform_7(%arg0: i32) -> (i32, i32) {
    %c0_i32 = arith.constant 0 : i32
    %c0_i32_0 = arith.constant 0 : i32
    %c0_i32_1 = arith.constant 0 : i32
    return %c0_i32, %c0_i32_0 : i32, i32
  }
  func.func @transform_8(%arg0: i32) -> (i32, i32) {
    %c0_i32 = arith.constant 0 : i32
    %c0_i32_0 = arith.constant 0 : i32
    %c0_i32_1 = arith.constant 0 : i32
    return %c0_i32, %c0_i32_0 : i32, i32
  }
  func.func @transform_9(%arg0: i32) -> (i32, i32) {
    %c0_i32 = arith.constant 0 : i32
    %c0_i32_0 = arith.constant 0 : i32
    %c0_i32_1 = arith.constant 0 : i32
    return %c0_i32, %c0_i32_0 : i32, i32
  }
  func.func @transform_10(%arg0: i32) -> (i32, i32) {
    %c0_i32 = arith.constant 0 : i32
    %c0_i32_0 = arith.constant 0 : i32
    return %arg0, %c0_i32 : i32, i32
  }
  func.func @transform_11(%arg0: i32) -> (i32, i32) {
    %c0_i32 = arith.constant 0 : i32
    %c0_i32_0 = arith.constant 0 : i32
    %c0_i32_1 = arith.constant 0 : i32
    return %c0_i32, %c0_i32_0 : i32, i32
  }
  func.func @transform_12(%arg0: i32) -> (i32, i32) {
    %c0_i32 = arith.constant 0 : i32
    %c0_i32_0 = arith.constant 0 : i32
    %c0_i32_1 = arith.constant 0 : i32
    return %c0_i32, %c0_i32_0 : i32, i32
  }
  func.func @transform_13(%arg0: i32) -> (i32, i32) {
    %c0_i32 = arith.constant 0 : i32
    %c0_i32_0 = arith.constant 0 : i32
    %c0_i32_1 = arith.constant 0 : i32
    return %c0_i32, %c0_i32_0 : i32, i32
  }
  func.func @transform_14(%arg0: i32) -> (i32, i32) {
    %c0_i32 = arith.constant 0 : i32
    %c0_i32_0 = arith.constant 0 : i32
    %c0_i32_1 = arith.constant 0 : i32
    return %c0_i32, %c0_i32_0 : i32, i32
  }
  func.func @transform_15(%arg0: i32) -> (i32, i32) {
    %c0_i32 = arith.constant 0 : i32
    %c0_i32_0 = arith.constant 0 : i32
    return %arg0, %c0_i32 : i32, i32
  }
  func.func @transform_16(%arg0: i32) -> (i32, i32) {
    %c0_i32 = arith.constant 0 : i32
    %c0_i32_0 = arith.constant 0 : i32
    %c0_i32_1 = arith.constant 0 : i32
    return %c0_i32, %c0_i32_0 : i32, i32
  }
}

</mosaic_0001>

<sc_bundles>
// kernel: kernel.12.cloned.1.call-start
scs
__scs_entry_jumppad:
0x0: {  	(pc) =	sbr.rel $0x88, $3  }
0x1: {  	(tag) =	ssettag $0x0;
	lr =	simm.s32 $0x1  }
0x2: {  	[smem:$0x3F7B] =	sst lr;
	_ =	strace $0xD0000000  }
0x3: {  	_ = 	snop  }
0x4: {  	_ = 	snop  }
0x5: {  	_ = 	snop  }
0x6: {  	_ = 	snop  }
0x7: {  	_ = 	snop  }
__scs_overlays_trampoline_lowered:
0x8: {  	[smem:$0x3F8A] =	sst s0  }
0x9: {  	[smem:$0x3F8B] =	sst s1  }
0xa: {  	[smem:$0x3F8C] =	sst s2  }
0xb: {  	[smem:$0x3F8D] =	sst s3  }
0xc: {  	[smem:$0x3F8E] =	sst s4  }
0xd: {  	[smem:$0x3F8F] =	sst s5  }
0xe: {  	[smem:$0x3F90] =	sst s6  }
0xf: {  	[smem:$0x3F91] =	sst s7  }
0x10: {  	[smem:$0x3F92] =	sst s8  }
0x11: {  	[smem:$0x3F93] =	sst s9;
	s0 =	simm.s32 @!p0 $0x0  }
0x12: {  	s1 =	sld [smem:$0x3F79];
	s0 =	simm.s32 @p0 $0x1  }
0x13: {  	[smem:$0x3F94] =	sst s0;
	s0 =	simm.s32 @!p1 $0x0  }
0x14: {  	s2 =	sld [smem:$0x3F78];
	s0 =	simm.s32 @p1 $0x1  }
0x15: {  	[smem:$0x3F95] =	sst s0;
	s0 =	simm.s32 @!p2 $0x0  }
0x16: {  	s3 =	sld [smem:$0x3FDB];
	s0 =	simm.s32 @p2 $0x1  }
0x17: {  	s4 =	simm.s32 $0x1BF5;
	[smem:$0x3F97] =	sst s0  }
0x18: {  	s0 =	sld [smem:$0x3F7A];
	_ =	swait.ge [sflag:s4], $0x0  }
0x19: {  	s7 =	sld [smem:$0x3F7B]  }
0x1a: {  	s8 =	sadd.s32 $0xFFFFE003, lr  }
0x1b: {  	s9 =	sadd.s32 $0xFFFFFEF7, lr;
	s5 =	simm.s32 $0xFFFFFFFF;
	p2 =	slt.u32 s8, $0xFFFFF086  }
0x1c: {  	p1 =	slt.u32 s9, $0xF7A;
	s5 =	simm.s32 @!p2 $0x0  }
0x1d: {  	s5 =	simm.s32 @p1 $0x1;
	p0 =	seq.s32 s7, s2  }
0x1e: {  	s7 =	smul.u32 @!p0 $0xF7A, s2;
	p2 =	seq.s32 @!p0 s5, $0x0  }
0x1f: {  	s9 =	smul.u32 $0xF7A, s1;
	s8 =	simm.s32 @!p0 $0x1BF5;
	p2 =	por !p2, p0  }
0x20: {  	[sflag:s8] =	ssyncset.s32 @!p0 $0xFFFFF086;
	s6 =	sadd.s32 @!p0 s3, s7;
	s7 =	simm.s32 @!p0 $0x108  }
0x21: {  	s3 =	sadd.s32 s3, s9;
	s6 =	sadd.s32 @!p0 $0x88, s6;
	s7 =	simm.s32 @p2 $0x1082  }
0x22: {  	[simem:s7], [sflag:s8] =	dma.local @!p0 [hbm:s6], $0xF7A  }
0x23: {  	s9 =	sor.u32 $0xD0000000, s2;
	s6 =	simm.s32 $0x108;
	_ =	swait.ge @!p0 [sflag:s8], $0x0  }
0x24: {  	s3 =	sadd.s32 $0x88, s3;
	s6 =	simm.s32 @!p1 $0x1082;
	[sflag:s4] =	ssyncset.s32 $0xFFFFF086  }
0x25: {  	[simem:s6], [sflag:s4] =	dma.local [hbm:s3], $0xF7A  }
0x26: {  	[smem:$0x3F7B] =	sst s1;
	(tag) =	ssettag s2;
	_ =	strace s9  }
0x27: {  	s1 =	sld [smem:$0x3F8B]  }
0x28: {  	s2 =	sld [smem:$0x3F8C]  }
0x29: {  	s4 =	sld [smem:$0x3F8E]  }
0x2a: {  	p0 =	seq.s32 s5, $0x0;
	s5 =	sld [smem:$0x3F8F]  }
0x2b: {  	s6 =	sld [smem:$0x3F90]  }
0x2c: {  	s7 =	sld [smem:$0x3F91]  }
0x2d: {  	s3 =	simm.s32 $0x108;
	s8 =	sld [smem:$0x3F92]  }
0x2e: {  	s3 =	simm.s32 @!p0 $0x1082;
	s9 =	sld [smem:$0x3F93]  }
0x2f: {  	lr =	sadd.s32 s0, s3;
	s0 =	sld [smem:$0x3F8A]  }
0x30: {  	s3 =	sld [smem:$0x3F8D]  }
0x31: {  	[smem:$0x3F96] =	sst s10  }
0x32: {  	s10 =	sld [smem:$0x3F94];
	_ =	sdelay $0x3  }
0x33: {  	p0 =	seq.s32 s10, $0x1;
	s10 =	sld [smem:$0x3F96];
	_ =	sdelay $0x3  }
0x34: {  	[smem:$0x3F96] =	sst s10  }
0x35: {  	s10 =	sld [smem:$0x3F95];
	_ =	sdelay $0x3  }
0x36: {  	p1 =	seq.s32 s10, $0x1;
	s10 =	sld [smem:$0x3F96];
	_ =	sdelay $0x3  }
0x37: {  	[smem:$0x3F96] =	sst s10  }
0x38: {  	s10 =	sld [smem:$0x3F97]  }
0x39: {  	_ = 	snop;
	(pc) =	sbr.ind lr, $3  }
0x3a: {  	_ = 	snop  }
0x3b: {  	_ = 	snop  }
0x3c: {  	p2 =	seq.s32 s10, $0x1;
	s10 =	sld [smem:$0x3F96]  }
0x3d: {  	_ =	shalt  }
0x3e: {  	_ =	shalt  }
0x3f: {  	_ =	shalt  }
0x40: {  	_ =	shalt  }
0x41: {  	_ =	shalt  }
0x42: {  	_ =	shalt  }
0x43: {  	_ =	shalt  }
0x44: {  	_ =	shalt  }
0x45: {  	_ =	shalt  }
0x46: {  	_ =	shalt  }
0x47: {  	_ =	shalt  }
0x48: {  	_ =	shalt  }
0x49: {  	_ =	shalt  }
0x4a: {  	_ =	shalt  }
0x4b: {  	_ =	shalt  }
0x4c: {  	_ =	shalt  }
0x4d: {  	_ =	shalt  }
0x4e: {  	_ =	shalt  }
0x4f: {  	_ =	shalt  }
0x50: {  	_ =	shalt  }
0x51: {  	_ =	shalt  }
0x52: {  	_ =	shalt  }
0x53: {  	_ =	shalt  }
0x54: {  	_ =	shalt  }
0x55: {  	_ =	shalt  }
0x56: {  	_ =	shalt  }
0x57: {  	_ =	shalt  }
0x58: {  	_ =	shalt  }
0x59: {  	_ =	shalt  }
0x5a: {  	_ =	shalt  }
0x5b: {  	_ =	shalt  }
0x5c: {  	_ =	shalt  }
0x5d: {  	_ =	shalt  }
0x5e: {  	_ =	shalt  }
0x5f: {  	_ =	shalt  }
0x60: {  	_ =	shalt  }
0x61: {  	_ =	shalt  }
0x62: {  	_ =	shalt  }
0x63: {  	_ =	shalt  }
0x64: {  	_ =	shalt  }
0x65: {  	_ =	shalt  }
0x66: {  	_ =	shalt  }
0x67: {  	_ =	shalt  }
0x68: {  	_ =	shalt  }
0x69: {  	_ =	shalt  }
0x6a: {  	_ =	shalt  }
0x6b: {  	_ =	shalt  }
0x6c: {  	_ =	shalt  }
0x6d: {  	_ =	shalt  }
0x6e: {  	_ =	shalt  }
0x6f: {  	_ =	shalt  }
0x70: {  	_ =	shalt  }
0x71: {  	_ =	shalt  }
0x72: {  	_ =	shalt  }
0x73: {  	_ =	shalt  }
0x74: {  	_ =	shalt  }
0x75: {  	_ =	shalt  }
0x76: {  	_ =	shalt  }
0x77: {  	_ =	shalt  }
0x78: {  	_ =	shalt  }
0x79: {  	_ =	shalt  }
0x7a: {  	_ =	shalt  }
0x7b: {  	_ =	shalt  }
0x7c: {  	_ =	shalt  }
0x7d: {  	_ =	shalt  }
0x7e: {  	_ =	shalt  }
0x7f: {  	_ =	shalt  }
0x80: {  	_ =	shalt  }
0x81: {  	_ =	shalt  }
0x82: {  	_ =	shalt  }
0x83: {  	_ =	shalt  }
0x84: {  	_ =	shalt  }
0x85: {  	_ =	shalt  }
0x86: {  	_ =	shalt  }
0x87: {  	_ =	shalt  }
.Lfunc_end0:
.L_simem_size_0:
called_computation.1_lowered:
.L_overlay_start_0:
0x88: {  	s2 =	sld [smem:$0x3FD9]  }
0x89: {  	s3 =	sld [smem:$0x3FFE];
	_ =	sdelay $0x1  }
0x8a: {  	s1 =	srdreg.scid  }
0x8b: {  	s0 =	sand.u32 $0x1, s1  }
0x8c: {  	s14 =	sshll.u32 s0, $0xA;
	s2 =	sadd.s32 s3, s2  }
0x8d: {  	s2 =	sadd.s32 s2, s14  }
0x8e: {  	[smem:$0x3FA2] =	sst s2  }
0x8f: {  	_ = 	snop  }
0x90: {  	s2 =	sld [smem:$0x3FD0];
	_ =	sdelay $0x2  }
0x91: {  	s15 =	simm.s32 $0xA;
	s4 =	simm.s32 $0x10  }
0x92: {  	[smem:s4], [sflag:s15] =	dma.local [hbm:s2], $0x1  }
0x93: {  	_ =	swait.eq [sflag:s15], $0x1  }
0x94: {  	[sflag:s15] =	ssyncset.done $0x0  }
0x95: {  	[sflag:s15] =	ssyncadd.s32 $0xFFFFFFFF  }
0x96: {  	s16 =	sld [smem:$0x10];
	(tm) =	ssettm $0x1  }
0x97: {  	s17 =	sld [smem:$0x3FFB];
	_ =	sdelay $0x3  }
0x98: {  	_ =	strace s17  }
0x99: {  	s3 =	sld [smem:$0x3FFC];
	_ =	sdelay $0x3  }
0x9a: {  	_ =	strace s3  }
0x9b: {  	s3 =	sld [smem:$0x3FFD];
	_ =	sdelay $0x3  }
0x9c: {  	_ =	strace s3  }
0x9d: {  	_ =	strace $0x8FFFFFFF  }
0x9e: {  	s18 =	sld [smem:$0x3FDB];
	_ =	sdelay $0x1  }
0x9f: {  	s19 =	simm.s32 $_scs_section_size  }
0xa0: {  	s5 =	simm.s32 $_size__tile_overlayer_lowered;
	s6 =	simm.s32 $_tile_overlayer_lowered  }
0xa1: {  	s22 =	simm.s32 $0x1BFF;
	s21 =	sshll.u32 s6, $0x1;
	s3 =	sadd.s32 s19, s18  }
0xa2: {  	s7 =	simm.s32 $0x0;
	s20 =	sshll.u32 s5, $0x1;
	s5 =	sadd.s32 s21, s3  }
0xa3: {  	[timem:s7], [sflag:s22] =	dma.local [hbm:s5], s20  }
0xa4: {  	_ =	swait.ge [sflag:s22], s20  }
0xa5: {  	s4 =	ssub.s32 $0x0, s20;
	[sflag:s22] =	ssyncset.done $0x0  }
0xa6: {  	[sflag:s22] =	ssyncadd.s32 s4;
	_ =	sdelay $0x1  }
0xa7: {  	s23 =	simm.s32 $0x1B8B  }
0xa8: {  	_ =	swait.ge [sflag:s23], $0x1  }
0xa9: {  	[sflag:s23] =	ssyncset.done $0x0  }
0xaa: {  	s25 =	simm.s32 $0x1B8E;
	s24 =	sld [smem:$0x3FFE];
	[sflag:s23] =	ssyncadd.s32 $0xFFFFFFFF  }
0xab: {  	s26 =	simm.s32 $execute0_lowered;
	[smem:$0x3FD2] =	sst s25  }
0xac: {  	s5 =	sshll.u32 s26, $0x1;
	_ =	strace $0x80000049;
	[dreg:$0x1] =	wrdreg $0xFFFFFFFF  }
0xad: {  	s28 =	simm.s32 $_size_execute0_lowered;
	s3 =	sadd.s32 s3, s5;
	[dreg:$0x0] =	wrdreg $0x0  }
0xae: {  	s5 =	sshll.u32 s28, $0x1;
	[dreg:$0x2] =	wrdreg s3  }
0xaf: {  	[dreg:$0x3] =	wrdreg s5  }
0xb0: {  	[dreg:$0x4] =	wrdreg $0xC0  }
0xb1: {  	_ =	task [dreg:s7], $0x5FFFF  }
0xb2: {  	[dreg:$0x1] =	wrdreg $0xFFFFFFFF  }
0xb3: {  	[dreg:$0x0] =	wrdreg $0x60  }
0xb4: {  	[dreg:$0x2] =	wrdreg s16  }
0xb5: {  	[dreg:$0x3] =	wrdreg s24  }
0xb6: {  	[dreg:$0x4] =	wrdreg $0x0  }
0xb7: {  	[dreg:$0x5] =	wrdreg $0x9  }
0xb8: {  	_ =	task.clear_ibuf [dreg:s7], $0x6FFFF;
	_ =	strace $0x90000049  }
0xb9: {  	s29 =	simm.s32 $0x9;
	_ =	strace $0x8000004B  }
0xba: {  	_ =	swait.ge [sflag:s29], $0x1  }
0xbb: {  	[sflag:s29] =	ssyncadd.s32 $0xFFFFFFFF  }
0xbc: {  	_ =	strace $0x9000004B  }
0xbd: {  	_ =	sfence  }
0xbe: {  	s30 =	sld [smem:$0x0];
	_ =	sdelay $0x2  }
0xbf: {  	s31 =	sshll.u32 s1, $0xD;
	s1 =	sshrl.u32 s1, $0x2  }
0xc0: {  	s3 =	sand.u32 $0x4000, s31;
	s1 =	sadd.s32 s1, s30  }
0xc1: {  	s0 =	sor.u32 s3, s0;
	s1 =	sshll.u32 s1, $0x11  }
0xc2: {  	s0 =	sor.u32 s1, s0  }
0xc3: {  	s0 =	sadd.s32 $0x8F2B, s0  }
0xc4: {  	[sflag:s0] =	ssyncadd.remote.s32 $0x1  }
0xc5: {  	_ =	sfence.sel $0xFFFF  }
0xc6: {  	[dreg:$0x0] =	wrdreg $0xFFFFFFFF;
	(pc) =	sbr.abs _section_cstart, $3  }
0xc7: {  	[dreg:$0x1] =	wrdreg $0xFFFFFFFF  }
0xc8: {  	_ =	task.clear_ibuf [dreg:s7], $0x2FFFF;
	_ =	strace $0x9FFFFFFF  }
0xc9: {  	(tm) =	ssettm $0x7FFFFFFF  }
tec
execute0_lowered:
.L_overlay_start_1:
0x0: {  	(tag) =	ssettag $0x1  }
0x1: {  	s1 =	rddreg [dreg:$0x0]  }
0x2: {  	s5 =	rddreg [dreg:$0x1]  }
0x3: {  	s2 =	rddreg [dreg:$0x2]  }
0x4: {  	s0 =	rddreg [dreg:$0x3];
	s3 =	simm.s32 $0x0;
	s6 =	srdreg.scid  }
0x5: {  	s4 =	stileid.u32;
	s17 =	simm.s32 $0x80;
	s18 =	simm.s32 $0x16400  }
0x6: {  	s19 =	simm.s32 $0x13C80;
	s20 =	simm.s32 $0x1A400;
	s21 =	simm.s32 $0x1  }
0x7: {  	s22 =	simm.s32 $0x2;
	s23 =	simm.s32 $0x16300;
	s24 =	simm.s32 $0x16380  }
0x8: {  	s25 =	simm.s32 $0x0;
	[smem:$0x7FF] =	sst s3;
	s9 =	sadd.s32 $0x7400, s5  }
0x9: {  	s10 =	sadd.s32 $0x11400, s5;
	s11 =	sand.u32 $0x1, s6;
	s28 =	smul.u32 $0x2780, s4  }
0xa: {  	s13 =	smul.u32 $0x4F000, s4;
	s30 =	sshll.u32 s4, $0x6;
	s8 =	sshll.u32 s11, $0x4  }
0xb: {  	_ =	strace $0x8000004A;
	s7 =	ssub.s32 $0x2, s11;
	s8 =	sor.u32 s4, s8  }
0xc: {  	s6 =	sor.u32 $0x1C03, s30;
	p0 =	seq.s32 s11, $0x1;
	s15 =	smul.u32 $0x500, s8  }
0xd: {  	s12 =	sshrl.u32 s7, $0x1;
	s29 =	sshrl.u32 s13, $0x2;
	s31 =	smul.u32 $0x2800, s8  }
0xe: {  	s14 =	sadd.s32 s28, s5;
	s12 =	ssub.s32 s7, s12;
	s16 =	sadd.s32 s29, s2  }
0xf: {  	s5 =	sadd.s32 $0x1B400, s14;
	s7 =	sadd.s32 s9, s15;
	s13 =	sshrl.u32 s31, $0x3  }
0x10: {  	s8 =	sadd.s32 s10, s15;
	s15 =	simm.s32 $0x6A400;
	s13 =	sadd.s32 $0x280, s13  }
0x11: {  	s11 =	smax.u32 s12, $0x1;
	s15 =	simm.s32 @!p0 $0x42C00;
	s9 =	sadd.s32 s9, s13  }
0x12: {  	s10 =	sadd.s32 s10, s13;
	s12 =	sadd.s32 s15, s14;
	s13 =	sshrl.u32 s16, $0x3  }
0x13: {  	s14 =	simm.s32 $0x3;
	s15 =	simm.s32 $0x13C00;
	s16 =	simm.s32 $0x15000  }
.LBB2_1:
0x14: {  	[spmem:s13], [sflag:s6] =	dma.local [hbm:s5], $0x2780  }
0x15: {  	_ =	swait.ge [sflag:s14], $0x2780  }
0x16: {  	[sflag:s14] =	ssyncset.done $0x0  }
0x17: {  	[sflag:s14] =	ssyncadd.s32 $0xFFFFD880  }
0x18: {  	[bflag:$0x0] =	sbarrier.arrive $0xFFFF  }
0x19: {  	[tilespmem:s15], [sflag:$0x3] =	stream.linear.gather [hbm4b:s7+s3], $0x1400, $0x38;
	[tilespmem:$0x1E400] =	vst v63  }
0x1a: {  	_ =	swait.ge [sflag:s14], $0x1400  }
0x1b: {  	[sflag:s14] =	ssyncset.done $0x0  }
0x1c: {  	[sflag:s14] =	ssyncadd.s32 $0xFFFFEC00  }
0x1d: {  	[tilespmem:s16], [sflag:$0x3] =	stream.linear.gather [hbm4b:s8+s3], $0x1400, $0x38;
	[tilespmem:$0x1E400] =	vst v63  }
0x1e: {  	_ =	swait.ge [sflag:s14], $0x1400  }
0x1f: {  	[sflag:s14] =	ssyncset.done $0x0  }
0x20: {  	[sflag:s14] =	ssyncadd.s32 $0xFFFFEC00  }
0x21: {  	[tilespmem:s18], [sflag:$0x1] =	stream.indirect.gather [hbm4b:s1+s17], $0x80, s15, s17, $0xb8;
	[tilespmem:$0x1E400] =	vst v63  }
0x22: {  	_ = 	snop  }
0x23: {  	[tilespmem:s20], [sflag:$0x2] =	stream.indirect.gather [hbm4b:s1+s17], $0x80, s19, s17, $0xb8;
	[tilespmem:$0x1E400] =	vst v63  }
0x24: {  	_ =	swait.ge [sflag:s21], $0x4000  }
0x25: {  	[sflag:s21] =	ssyncset.done $0x0  }
0x26: {  	s26 =	simm.s32 $0x15000;
	[sflag:s21] =	ssyncadd.s32 $0xFFFFC000  }
0x27: {  	[spmem:s2] =	stream.indirect.scatter.add.f32 [tilespmem:s18], [sflag:$0x3], $0x80, s26, s17, $0xb8;
	[tilespmem:$0x1E400] =	vst v63  }
0x28: {  	_ =	swait.ge [sflag:s14], $0x4000  }
0x29: {  	[sflag:s14] =	ssyncset.done $0x0  }
0x2a: {  	s30 =	simm.s32 $0x13D00;
	[sflag:s14] =	ssyncadd.s32 $0xFFFFC000  }
0x2b: {  	[tilespmem:s18], [sflag:$0x1] =	stream.indirect.gather [hbm4b:s1+s17], $0x80, s30, s17, $0xb8;
	[tilespmem:$0x1E400] =	vst v63  }
0x2c: {  	_ =	swait.ge [sflag:s22], $0x4000  }
0x2d: {  	[sflag:s22] =	ssyncset.done $0x0  }
0x2e: {  	s31 =	simm.s32 $0x15080;
	[sflag:s22] =	ssyncadd.s32 $0xFFFFC000  }
0x2f: {  	[spmem:s2] =	stream.indirect.scatter.add.f32 [tilespmem:s20], [sflag:$0x3], $0x80, s31, s17, $0xb8;
	[tilespmem:$0x1E400] =	vst v63  }
0x30: {  	_ =	swait.ge [sflag:s14], $0x4000  }
0x31: {  	[sflag:s14] =	ssyncset.done $0x0  }
0x32: {  	s28 =	simm.s32 $0x13D80;
	s26 =	simm.s32 $0x400;
	[sflag:s14] =	ssyncadd.s32 $0xFFFFC000  }
.LBB2_2:
0x33: {  	[tilespmem:s20], [sflag:$0x2] =	stream.indirect.gather [hbm4b:s1+s17], $0x80, s28, s17, $0xb8;
	[tilespmem:$0x1E400] =	vst v63  }
0x34: {  	s28 =	smov.u32 s26  }
0x35: {  	p0 =	sne.s32 s26, $0x4800;
	s26 =	sadd.s32 $0x400, s26;
	_ =	swait.ge [sflag:s21], $0x4000  }
0x36: {  	s28 =	sshra.s32 s28, $0x2;
	[sflag:s21] =	ssyncset.done $0x0  }
0x37: {  	s29 =	sadd.s32 $0x15000, s28;
	[sflag:s21] =	ssyncadd.s32 $0xFFFFC000  }
0x38: {  	[spmem:s2] =	stream.indirect.scatter.add.f32 [tilespmem:s18], [sflag:$0x3], $0x80, s29, s17, $0xb8;
	[tilespmem:$0x1E400] =	vst v63  }
0x39: {  	_ =	swait.ge [sflag:s14], $0x4000  }
0x3a: {  	[sflag:s14] =	ssyncset.done $0x0  }
0x3b: {  	s29 =	sadd.s32 $0x13D00, s28;
	[sflag:s14] =	ssyncadd.s32 $0xFFFFC000  }
0x3c: {  	[tilespmem:s18], [sflag:$0x1] =	stream.indirect.gather [hbm4b:s1+s17], $0x80, s29, s17, $0xb8;
	[tilespmem:$0x1E400] =	vst v63  }
0x3d: {  	_ =	swait.ge [sflag:s22], $0x4000  }
0x3e: {  	[sflag:s22] =	ssyncset.done $0x0  }
.Ltmp0:
0x3f: {  	s29 =	sadd.s32 $0x15080, s28;
	[sflag:s22] =	ssyncadd.s32 $0xFFFFC000;
	(pc) =	sbr.rel @p0 .LBB2_2-.Ltmp0, $4  }
0x40: {  	[spmem:s2] =	stream.indirect.scatter.add.f32 [tilespmem:s20], [sflag:$0x3], $0x80, s29, s17, $0xb8;
	[tilespmem:$0x1E400] =	vst v63  }
0x41: {  	_ =	swait.ge [sflag:s14], $0x4000  }
0x42: {  	[sflag:s14] =	ssyncset.done $0x0  }
0x43: {  	s28 =	sadd.s32 $0x13D80, s28;
	[sflag:s14] =	ssyncadd.s32 $0xFFFFC000  }
0x44: {  	[tilespmem:s20], [sflag:$0x2] =	stream.indirect.gather [hbm4b:s1+s17], $0x80, s28, s17, $0xb8;
	[tilespmem:$0x1E400] =	vst v63  }
0x45: {  	_ =	swait.ge [sflag:s21], $0x4000  }
0x46: {  	[sflag:s21] =	ssyncset.done $0x0  }
0x47: {  	[sflag:s21] =	ssyncadd.s32 $0xFFFFC000  }
0x48: {  	[spmem:s2] =	stream.indirect.scatter.add.f32 [tilespmem:s18], [sflag:$0x3], $0x80, s23, s17, $0xb8;
	[tilespmem:$0x1E400] =	vst v63  }
0x49: {  	_ =	swait.ge [sflag:s14], $0x4000  }
0x4a: {  	[sflag:s14] =	ssyncset.done $0x0  }
0x4b: {  	[sflag:s14] =	ssyncadd.s32 $0xFFFFC000  }
0x4c: {  	_ =	swait.ge [sflag:s22], $0x4000  }
0x4d: {  	[sflag:s22] =	ssyncset.done $0x0  }
0x4e: {  	[sflag:s22] =	ssyncadd.s32 $0xFFFFC000  }
0x4f: {  	[spmem:s2] =	stream.indirect.scatter.add.f32 [tilespmem:s20], [sflag:$0x3], $0x80, s24, s17, $0xb8;
	[tilespmem:$0x1E400] =	vst v63  }
0x50: {  	_ =	swait.ge [sflag:s14], $0x4000  }
0x51: {  	[sflag:s14] =	ssyncset.done $0x0  }
0x52: {  	s26 =	simm.s32 $0x0;
	[sflag:s14] =	ssyncadd.s32 $0xFFFFC000  }
0x53: {  	[tilespmem:s15], [sflag:$0x3] =	stream.linear.gather [hbm4b:s9+s26], $0x1400, $0x38;
	[tilespmem:$0x1E400] =	vst v63  }
0x54: {  	_ =	swait.ge [sflag:s14], $0x1400  }
0x55: {  	[sflag:s14] =	ssyncset.done $0x0  }
0x56: {  	[sflag:s14] =	ssyncadd.s32 $0xFFFFEC00  }
0x57: {  	[tilespmem:s16], [sflag:$0x3] =	stream.linear.gather [hbm4b:s10+s26], $0x1400, $0x38;
	[tilespmem:$0x1E400] =	vst v63  }
0x58: {  	_ =	swait.ge [sflag:s14], $0x1400  }
0x59: {  	[sflag:s14] =	ssyncset.done $0x0  }
0x5a: {  	[sflag:s14] =	ssyncadd.s32 $0xFFFFEC00  }
0x5b: {  	[tilespmem:s18], [sflag:$0x1] =	stream.indirect.gather [hbm4b:s1+s17], $0x80, s15, s17, $0xb8;
	[tilespmem:$0x1E400] =	vst v63  }
0x5c: {  	_ = 	snop  }
0x5d: {  	[tilespmem:s20], [sflag:$0x2] =	stream.indirect.gather [hbm4b:s1+s17], $0x80, s19, s17, $0xb8;
	[tilespmem:$0x1E400] =	vst v63  }
0x5e: {  	_ =	swait.ge [sflag:s21], $0x4000  }
0x5f: {  	[sflag:s21] =	ssyncset.done $0x0  }
0x60: {  	s29 =	simm.s32 $0x15000;
	[sflag:s21] =	ssyncadd.s32 $0xFFFFC000  }
0x61: {  	[spmem:s2] =	stream.indirect.scatter.add.f32 [tilespmem:s18], [sflag:$0x3], $0x80, s29, s17, $0xb8;
	[tilespmem:$0x1E400] =	vst v63  }
0x62: {  	_ =	swait.ge [sflag:s14], $0x4000  }
0x63: {  	[sflag:s14] =	ssyncset.done $0x0  }
0x64: {  	s30 =	simm.s32 $0x13D00;
	[sflag:s14] =	ssyncadd.s32 $0xFFFFC000  }
0x65: {  	[tilespmem:s18], [sflag:$0x1] =	stream.indirect.gather [hbm4b:s1+s17], $0x80, s30, s17, $0xb8;
	[tilespmem:$0x1E400] =	vst v63  }
0x66: {  	_ =	swait.ge [sflag:s22], $0x4000  }
0x67: {  	[sflag:s22] =	ssyncset.done $0x0  }
0x68: {  	s31 =	simm.s32 $0x15080;
	[sflag:s22] =	ssyncadd.s32 $0xFFFFC000  }
0x69: {  	[spmem:s2] =	stream.indirect.scatter.add.f32 [tilespmem:s20], [sflag:$0x3], $0x80, s31, s17, $0xb8;
	[tilespmem:$0x1E400] =	vst v63  }
0x6a: {  	_ =	swait.ge [sflag:s14], $0x4000  }
0x6b: {  	[sflag:s14] =	ssyncset.done $0x0  }
0x6c: {  	s28 =	simm.s32 $0x13D80;
	s26 =	simm.s32 $0x400;
	[sflag:s14] =	ssyncadd.s32 $0xFFFFC000  }
.LBB2_4:
0x6d: {  	[tilespmem:s20], [sflag:$0x2] =	stream.indirect.gather [hbm4b:s1+s17], $0x80, s28, s17, $0xb8;
	[tilespmem:$0x1E400] =	vst v63  }
0x6e: {  	s28 =	smov.u32 s26  }
0x6f: {  	p0 =	sne.s32 s26, $0x4800;
	s26 =	sadd.s32 $0x400, s26;
	_ =	swait.ge [sflag:s21], $0x4000  }
0x70: {  	s28 =	sshra.s32 s28, $0x2;
	[sflag:s21] =	ssyncset.done $0x0  }
0x71: {  	s29 =	sadd.s32 $0x15000, s28;
	[sflag:s21] =	ssyncadd.s32 $0xFFFFC000  }
0x72: {  	[spmem:s2] =	stream.indirect.scatter.add.f32 [tilespmem:s18], [sflag:$0x3], $0x80, s29, s17, $0xb8;
	[tilespmem:$0x1E400] =	vst v63  }
0x73: {  	_ =	swait.ge [sflag:s14], $0x4000  }
0x74: {  	[sflag:s14] =	ssyncset.done $0x0  }
0x75: {  	s29 =	sadd.s32 $0x13D00, s28;
	[sflag:s14] =	ssyncadd.s32 $0xFFFFC000  }
0x76: {  	[tilespmem:s18], [sflag:$0x1] =	stream.indirect.gather [hbm4b:s1+s17], $0x80, s29, s17, $0xb8;
	[tilespmem:$0x1E400] =	vst v63  }
0x77: {  	_ =	swait.ge [sflag:s22], $0x4000  }
0x78: {  	[sflag:s22] =	ssyncset.done $0x0  }
.Ltmp1:
0x79: {  	s29 =	sadd.s32 $0x15080, s28;
	[sflag:s22] =	ssyncadd.s32 $0xFFFFC000;
	(pc) =	sbr.rel @p0 .LBB2_4-.Ltmp1, $4  }
0x7a: {  	[spmem:s2] =	stream.indirect.scatter.add.f32 [tilespmem:s20], [sflag:$0x3], $0x80, s29, s17, $0xb8;
	[tilespmem:$0x1E400] =	vst v63  }
0x7b: {  	_ =	swait.ge [sflag:s14], $0x4000  }
0x7c: {  	[sflag:s14] =	ssyncset.done $0x0  }
0x7d: {  	s28 =	sadd.s32 $0x13D80, s28;
	[sflag:s14] =	ssyncadd.s32 $0xFFFFC000  }
0x7e: {  	[tilespmem:s20], [sflag:$0x2] =	stream.indirect.gather [hbm4b:s1+s17], $0x80, s28, s17, $0xb8;
	[tilespmem:$0x1E400] =	vst v63  }
0x7f: {  	_ =	swait.ge [sflag:s21], $0x4000  }
0x80: {  	[sflag:s21] =	ssyncset.done $0x0  }
0x81: {  	[sflag:s21] =	ssyncadd.s32 $0xFFFFC000  }
0x82: {  	[spmem:s2] =	stream.indirect.scatter.add.f32 [tilespmem:s18], [sflag:$0x3], $0x80, s23, s17, $0xb8;
	[tilespmem:$0x1E400] =	vst v63  }
0x83: {  	_ =	swait.ge [sflag:s14], $0x4000  }
0x84: {  	[sflag:s14] =	ssyncset.done $0x0  }
0x85: {  	[sflag:s14] =	ssyncadd.s32 $0xFFFFC000  }
0x86: {  	_ =	swait.ge [sflag:s22], $0x4000  }
0x87: {  	[sflag:s22] =	ssyncset.done $0x0  }
0x88: {  	[sflag:s22] =	ssyncadd.s32 $0xFFFFC000  }
0x89: {  	[spmem:s2] =	stream.indirect.scatter.add.f32 [tilespmem:s20], [sflag:$0x3], $0x80, s24, s17, $0xb8;
	[tilespmem:$0x1E400] =	vst v63  }
0x8a: {  	_ =	swait.ge [sflag:s14], $0x4000  }
0x8b: {  	s25 =	sadd.s32 $0x1, s25;
	[sflag:s14] =	ssyncset.done $0x0  }
0x8c: {  	p0 =	sne.s32 s25, s11;
	[sflag:s14] =	ssyncadd.s32 $0xFFFFC000  }
.Ltmp2:
0x8d: {  	[bflag:$0x0] =	sbarrier.arrive $0xFFFF;
	(pc) =	sbr.rel @p0 .LBB2_1-.Ltmp2, $4  }
0x8e: {  	[hbm:s12], [sflag:s6] =	dma.local [spmem:s13], $0x2780  }
0x8f: {  	_ =	swait.ge [sflag:s14], $0x2780  }
0x90: {  	[sflag:s14] =	ssyncset.done $0x0  }
0x91: {  	[sflag:s14] =	ssyncadd.s32 $0xFFFFD880  }
0x92: {  	_ =	sfence.sel $0x180000  }
0x93: {  	[bflag:$0x0] =	sbarrier.arrive $0xFFFF  }
0x94: {  	p0 =	sne.s32 s4, $0x0;
	_ =	strace $0x9000004A  }
0x95: {  	s0 =	sadd.s32 @!p0 $0x100000, s0;
	[bflag:$0x2] =	sbarrier.arrive $0xFFFF  }
0x96: {  	[sflag:s0] =	ssyncadd.tile.s32 @!p0 $0x1;
	_ =	shalt  }
.Lfunc_end2:
_tile_overlayer_lowered:
.L_overlay_start_2:
0x97: {  	(tag) =	ssettag $0x2  }
0x98: {  	s0 =	rddreg [dreg:$0x0];
	s2 =	stileid.u32  }
0x99: {  	s1 =	rddreg [dreg:$0x1];
	p0 =	sne.s32 s2, $0x0  }
0x9a: {  	s3 =	rddreg [dreg:$0x2];
	[bflag:$0x3] =	sbarrier.arrive $0xFFFF;
	s2 =	simm.s32 @!p0 $0x1C03  }
0x9b: {  	[timem:s3], [sflag:s2] =	dma.local @!p0 [hbm:s0], s1  }
0x9c: {  	s0 =	simm.s32 @!p0 $0x3  }
0x9d: {  	_ =	swait.ge @!p0 [sflag:s0], s1  }
0x9e: {  	s1 =	ssub.s32 @!p0 $0x0, s1;
	[sflag:s0] =	ssyncset.done @!p0 $0x0  }
0x9f: {  	[sflag:s0] =	ssyncadd.s32 @!p0 s1  }
0xa0: {  	[bflag:$0x3] =	sbarrier.arrive $0xFFFF  }
0xa1: {  	_ =	shalt  }

// kernel: kernel.15.cloned.1.call-start
scs
__scs_entry_jumppad:
0x0: {  	(pc) =	sbr.rel $0x88, $3  }
0x1: {  	(tag) =	ssettag $0x0;
	lr =	simm.s32 $0x1  }
0x2: {  	[smem:$0x3F7B] =	sst lr;
	_ =	strace $0xD0000000  }
0x3: {  	_ = 	snop  }
0x4: {  	_ = 	snop  }
0x5: {  	_ = 	snop  }
0x6: {  	_ = 	snop  }
0x7: {  	_ = 	snop  }
__scs_overlays_trampoline_lowered:
0x8: {  	[smem:$0x3F8A] =	sst s0  }
0x9: {  	[smem:$0x3F8B] =	sst s1  }
0xa: {  	[smem:$0x3F8C] =	sst s2  }
0xb: {  	[smem:$0x3F8D] =	sst s3  }
0xc: {  	[smem:$0x3F8E] =	sst s4  }
0xd: {  	[smem:$0x3F8F] =	sst s5  }
0xe: {  	[smem:$0x3F90] =	sst s6  }
0xf: {  	[smem:$0x3F91] =	sst s7  }
0x10: {  	[smem:$0x3F92] =	sst s8  }
0x11: {  	[smem:$0x3F93] =	sst s9;
	s0 =	simm.s32 @!p0 $0x0  }
0x12: {  	s1 =	sld [smem:$0x3F79];
	s0 =	simm.s32 @p0 $0x1  }
0x13: {  	[smem:$0x3F94] =	sst s0;
	s0 =	simm.s32 @!p1 $0x0  }
0x14: {  	s2 =	sld [smem:$0x3F78];
	s0 =	simm.s32 @p1 $0x1  }
0x15: {  	[smem:$0x3F95] =	sst s0;
	s0 =	simm.s32 @!p2 $0x0  }
0x16: {  	s3 =	sld [smem:$0x3FDB];
	s0 =	simm.s32 @p2 $0x1  }
0x17: {  	s4 =	simm.s32 $0x1BF5;
	[smem:$0x3F97] =	sst s0  }
0x18: {  	s0 =	sld [smem:$0x3F7A];
	_ =	swait.ge [sflag:s4], $0x0  }
0x19: {  	s7 =	sld [smem:$0x3F7B]  }
0x1a: {  	s8 =	sadd.s32 $0xFFFFE003, lr  }
0x1b: {  	s9 =	sadd.s32 $0xFFFFFEF7, lr;
	s5 =	simm.s32 $0xFFFFFFFF;
	p2 =	slt.u32 s8, $0xFFFFF086  }
0x1c: {  	p1 =	slt.u32 s9, $0xF7A;
	s5 =	simm.s32 @!p2 $0x0  }
0x1d: {  	s5 =	simm.s32 @p1 $0x1;
	p0 =	seq.s32 s7, s2  }
0x1e: {  	s7 =	smul.u32 @!p0 $0xF7A, s2;
	p2 =	seq.s32 @!p0 s5, $0x0  }
0x1f: {  	s9 =	smul.u32 $0xF7A, s1;
	s8 =	simm.s32 @!p0 $0x1BF5;
	p2 =	por !p2, p0  }
0x20: {  	[sflag:s8] =	ssyncset.s32 @!p0 $0xFFFFF086;
	s6 =	sadd.s32 @!p0 s3, s7;
	s7 =	simm.s32 @!p0 $0x108  }
0x21: {  	s3 =	sadd.s32 s3, s9;
	s6 =	sadd.s32 @!p0 $0x88, s6;
	s7 =	simm.s32 @p2 $0x1082  }
0x22: {  	[simem:s7], [sflag:s8] =	dma.local @!p0 [hbm:s6], $0xF7A  }
0x23: {  	s9 =	sor.u32 $0xD0000000, s2;
	s6 =	simm.s32 $0x108;
	_ =	swait.ge @!p0 [sflag:s8], $0x0  }
0x24: {  	s3 =	sadd.s32 $0x88, s3;
	s6 =	simm.s32 @!p1 $0x1082;
	[sflag:s4] =	ssyncset.s32 $0xFFFFF086  }
0x25: {  	[simem:s6], [sflag:s4] =	dma.local [hbm:s3], $0xF7A  }
0x26: {  	[smem:$0x3F7B] =	sst s1;
	(tag) =	ssettag s2;
	_ =	strace s9  }
0x27: {  	s1 =	sld [smem:$0x3F8B]  }
0x28: {  	s2 =	sld [smem:$0x3F8C]  }
0x29: {  	s4 =	sld [smem:$0x3F8E]  }
0x2a: {  	p0 =	seq.s32 s5, $0x0;
	s5 =	sld [smem:$0x3F8F]  }
0x2b: {  	s6 =	sld [smem:$0x3F90]  }
0x2c: {  	s7 =	sld [smem:$0x3F91]  }
0x2d: {  	s3 =	simm.s32 $0x108;
	s8 =	sld [smem:$0x3F92]  }
0x2e: {  	s3 =	simm.s32 @!p0 $0x1082;
	s9 =	sld [smem:$0x3F93]  }
0x2f: {  	lr =	sadd.s32 s0, s3;
	s0 =	sld [smem:$0x3F8A]  }
0x30: {  	s3 =	sld [smem:$0x3F8D]  }
0x31: {  	[smem:$0x3F96] =	sst s10  }
0x32: {  	s10 =	sld [smem:$0x3F94];
	_ =	sdelay $0x3  }
0x33: {  	p0 =	seq.s32 s10, $0x1;
	s10 =	sld [smem:$0x3F96];
	_ =	sdelay $0x3  }
0x34: {  	[smem:$0x3F96] =	sst s10  }
0x35: {  	s10 =	sld [smem:$0x3F95];
	_ =	sdelay $0x3  }
0x36: {  	p1 =	seq.s32 s10, $0x1;
	s10 =	sld [smem:$0x3F96];
	_ =	sdelay $0x3  }
0x37: {  	[smem:$0x3F96] =	sst s10  }
0x38: {  	s10 =	sld [smem:$0x3F97]  }
0x39: {  	_ = 	snop;
	(pc) =	sbr.ind lr, $3  }
0x3a: {  	_ = 	snop  }
0x3b: {  	_ = 	snop  }
0x3c: {  	p2 =	seq.s32 s10, $0x1;
	s10 =	sld [smem:$0x3F96]  }
0x3d: {  	_ =	shalt  }
0x3e: {  	_ =	shalt  }
0x3f: {  	_ =	shalt  }
0x40: {  	_ =	shalt  }
0x41: {  	_ =	shalt  }
0x42: {  	_ =	shalt  }
0x43: {  	_ =	shalt  }
0x44: {  	_ =	shalt  }
0x45: {  	_ =	shalt  }
0x46: {  	_ =	shalt  }
0x47: {  	_ =	shalt  }
0x48: {  	_ =	shalt  }
0x49: {  	_ =	shalt  }
0x4a: {  	_ =	shalt  }
0x4b: {  	_ =	shalt  }
0x4c: {  	_ =	shalt  }
0x4d: {  	_ =	shalt  }
0x4e: {  	_ =	shalt  }
0x4f: {  	_ =	shalt  }
0x50: {  	_ =	shalt  }
0x51: {  	_ =	shalt  }
0x52: {  	_ =	shalt  }
0x53: {  	_ =	shalt  }
0x54: {  	_ =	shalt  }
0x55: {  	_ =	shalt  }
0x56: {  	_ =	shalt  }
0x57: {  	_ =	shalt  }
0x58: {  	_ =	shalt  }
0x59: {  	_ =	shalt  }
0x5a: {  	_ =	shalt  }
0x5b: {  	_ =	shalt  }
0x5c: {  	_ =	shalt  }
0x5d: {  	_ =	shalt  }
0x5e: {  	_ =	shalt  }
0x5f: {  	_ =	shalt  }
0x60: {  	_ =	shalt  }
0x61: {  	_ =	shalt  }
0x62: {  	_ =	shalt  }
0x63: {  	_ =	shalt  }
0x64: {  	_ =	shalt  }
0x65: {  	_ =	shalt  }
0x66: {  	_ =	shalt  }
0x67: {  	_ =	shalt  }
0x68: {  	_ =	shalt  }
0x69: {  	_ =	shalt  }
0x6a: {  	_ =	shalt  }
0x6b: {  	_ =	shalt  }
0x6c: {  	_ =	shalt  }
0x6d: {  	_ =	shalt  }
0x6e: {  	_ =	shalt  }
0x6f: {  	_ =	shalt  }
0x70: {  	_ =	shalt  }
0x71: {  	_ =	shalt  }
0x72: {  	_ =	shalt  }
0x73: {  	_ =	shalt  }
0x74: {  	_ =	shalt  }
0x75: {  	_ =	shalt  }
0x76: {  	_ =	shalt  }
0x77: {  	_ =	shalt  }
0x78: {  	_ =	shalt  }
0x79: {  	_ =	shalt  }
0x7a: {  	_ =	shalt  }
0x7b: {  	_ =	shalt  }
0x7c: {  	_ =	shalt  }
0x7d: {  	_ =	shalt  }
0x7e: {  	_ =	shalt  }
0x7f: {  	_ =	shalt  }
0x80: {  	_ =	shalt  }
0x81: {  	_ =	shalt  }
0x82: {  	_ =	shalt  }
0x83: {  	_ =	shalt  }
0x84: {  	_ =	shalt  }
0x85: {  	_ =	shalt  }
0x86: {  	_ =	shalt  }
0x87: {  	_ =	shalt  }
.Lfunc_end0:
.L_simem_size_0:
called_computation.2_lowered:
.L_overlay_start_0:
0x88: {  	s2 =	sld [smem:$0x3FD9]  }
0x89: {  	s3 =	sld [smem:$0x3FFE];
	_ =	sdelay $0x1  }
0x8a: {  	s1 =	srdreg.scid  }
0x8b: {  	s0 =	sand.u32 $0x1, s1  }
0x8c: {  	s14 =	sshll.u32 s0, $0xA;
	s2 =	sadd.s32 s3, s2  }
0x8d: {  	s2 =	sadd.s32 s2, s14  }
0x8e: {  	[smem:$0x3FA2] =	sst s2  }
0x8f: {  	_ = 	snop  }
0x90: {  	s2 =	sld [smem:$0x3FD0];
	_ =	sdelay $0x2  }
0x91: {  	s15 =	simm.s32 $0xA;
	s4 =	simm.s32 $0x10  }
0x92: {  	[smem:s4], [sflag:s15] =	dma.local [hbm:s2], $0x1  }
0x93: {  	_ =	swait.eq [sflag:s15], $0x1  }
0x94: {  	[sflag:s15] =	ssyncset.done $0x0  }
0x95: {  	[sflag:s15] =	ssyncadd.s32 $0xFFFFFFFF  }
0x96: {  	s16 =	sld [smem:$0x10];
	(tm) =	ssettm $0x1  }
0x97: {  	s17 =	sld [smem:$0x3FFB];
	_ =	sdelay $0x3  }
0x98: {  	_ =	strace s17  }
0x99: {  	s3 =	sld [smem:$0x3FFC];
	_ =	sdelay $0x3  }
0x9a: {  	_ =	strace s3  }
0x9b: {  	s3 =	sld [smem:$0x3FFD];
	_ =	sdelay $0x3  }
0x9c: {  	_ =	strace s3  }
0x9d: {  	_ =	strace $0x8FFFFFFF  }
0x9e: {  	s18 =	sld [smem:$0x3FDB];
	_ =	sdelay $0x1  }
0x9f: {  	s19 =	simm.s32 $_scs_section_size  }
0xa0: {  	s5 =	simm.s32 $_size__tile_overlayer_lowered;
	s6 =	simm.s32 $_tile_overlayer_lowered  }
0xa1: {  	s22 =	simm.s32 $0x1BFF;
	s21 =	sshll.u32 s6, $0x1;
	s3 =	sadd.s32 s19, s18  }
0xa2: {  	s7 =	simm.s32 $0x0;
	s20 =	sshll.u32 s5, $0x1;
	s5 =	sadd.s32 s21, s3  }
0xa3: {  	[timem:s7], [sflag:s22] =	dma.local [hbm:s5], s20  }
0xa4: {  	_ =	swait.ge [sflag:s22], s20  }
0xa5: {  	s4 =	ssub.s32 $0x0, s20;
	[sflag:s22] =	ssyncset.done $0x0  }
0xa6: {  	[sflag:s22] =	ssyncadd.s32 s4;
	_ =	sdelay $0x1  }
0xa7: {  	s23 =	simm.s32 $0x1B8B  }
0xa8: {  	_ =	swait.ge [sflag:s23], $0x1  }
0xa9: {  	[sflag:s23] =	ssyncset.done $0x0  }
0xaa: {  	s25 =	simm.s32 $0x1B8E;
	s24 =	sld [smem:$0x3FFE];
	[sflag:s23] =	ssyncadd.s32 $0xFFFFFFFF  }
0xab: {  	s26 =	simm.s32 $execute0_lowered;
	[smem:$0x3FD2] =	sst s25  }
0xac: {  	s5 =	sshll.u32 s26, $0x1;
	_ =	strace $0x8000004C;
	[dreg:$0x1] =	wrdreg $0xFFFFFFFF  }
0xad: {  	s28 =	simm.s32 $_size_execute0_lowered;
	s3 =	sadd.s32 s3, s5;
	[dreg:$0x0] =	wrdreg $0x0  }
0xae: {  	s5 =	sshll.u32 s28, $0x1;
	[dreg:$0x2] =	wrdreg s3  }
0xaf: {  	[dreg:$0x3] =	wrdreg s5  }
0xb0: {  	[dreg:$0x4] =	wrdreg $0xC0  }
0xb1: {  	_ =	task [dreg:s7], $0x5FFFF  }
0xb2: {  	[dreg:$0x1] =	wrdreg $0xFFFFFFFF  }
0xb3: {  	[dreg:$0x0] =	wrdreg $0x60  }
0xb4: {  	[dreg:$0x2] =	wrdreg s16  }
0xb5: {  	[dreg:$0x3] =	wrdreg s24  }
0xb6: {  	[dreg:$0x4] =	wrdreg $0x0  }
0xb7: {  	[dreg:$0x5] =	wrdreg $0x9  }
0xb8: {  	_ =	task.clear_ibuf [dreg:s7], $0x6FFFF;
	_ =	strace $0x9000004C  }
0xb9: {  	s29 =	simm.s32 $0x9;
	_ =	strace $0x8000004E  }
0xba: {  	_ =	swait.ge [sflag:s29], $0x1  }
0xbb: {  	[sflag:s29] =	ssyncadd.s32 $0xFFFFFFFF  }
0xbc: {  	_ =	strace $0x9000004E  }
0xbd: {  	_ =	sfence  }
0xbe: {  	s30 =	sld [smem:$0x0];
	_ =	sdelay $0x2  }
0xbf: {  	s31 =	sshll.u32 s1, $0xD;
	s1 =	sshrl.u32 s1, $0x2  }
0xc0: {  	s3 =	sand.u32 $0x4000, s31;
	s1 =	sadd.s32 s1, s30  }
0xc1: {  	s0 =	sor.u32 s3, s0;
	s1 =	sshll.u32 s1, $0x11  }
0xc2: {  	s0 =	sor.u32 s1, s0  }
0xc3: {  	s0 =	sadd.s32 $0x8F2B, s0  }
0xc4: {  	[sflag:s0] =	ssyncadd.remote.s32 $0x1  }
0xc5: {  	_ =	sfence.sel $0xFFFF  }
0xc6: {  	[dreg:$0x0] =	wrdreg $0xFFFFFFFF;
	(pc) =	sbr.abs _section_cstart, $3  }
0xc7: {  	[dreg:$0x1] =	wrdreg $0xFFFFFFFF  }
0xc8: {  	_ =	task.clear_ibuf [dreg:s7], $0x2FFFF;
	_ =	strace $0x9FFFFFFF  }
0xc9: {  	(tm) =	ssettm $0x7FFFFFFF  }
tec
execute0_lowered:
.L_overlay_start_1:
0x0: {  	(tag) =	ssettag $0x1  }
0x1: {  	s1 =	rddreg [dreg:$0x0]  }
0x2: {  	s5 =	rddreg [dreg:$0x1]  }
0x3: {  	s2 =	rddreg [dreg:$0x2]  }
0x4: {  	s0 =	rddreg [dreg:$0x3];
	s3 =	simm.s32 $0x0;
	s6 =	srdreg.scid  }
0x5: {  	s4 =	stileid.u32;
	s17 =	simm.s32 $0x80;
	s18 =	simm.s32 $0x16400  }
0x6: {  	s19 =	simm.s32 $0x13C80;
	s20 =	simm.s32 $0x1A400;
	s21 =	simm.s32 $0x1  }
0x7: {  	s22 =	simm.s32 $0x2;
	s23 =	simm.s32 $0x16300;
	s24 =	simm.s32 $0x16380  }
0x8: {  	s25 =	simm.s32 $0x0;
	[smem:$0x7FF] =	sst s3;
	s9 =	sadd.s32 $0x7400, s5  }
0x9: {  	s10 =	sadd.s32 $0x11400, s5;
	s11 =	sand.u32 $0x1, s6;
	s28 =	smul.u32 $0x2780, s4  }
0xa: {  	s13 =	smul.u32 $0x4F000, s4;
	s30 =	sshll.u32 s4, $0x6;
	s8 =	sshll.u32 s11, $0x4  }
0xb: {  	_ =	strace $0x8000004D;
	s7 =	ssub.s32 $0x2, s11;
	s8 =	sor.u32 s4, s8  }
0xc: {  	s6 =	sor.u32 $0x1C03, s30;
	p0 =	seq.s32 s11, $0x1;
	s15 =	smul.u32 $0x500, s8  }
0xd: {  	s12 =	sshrl.u32 s7, $0x1;
	s29 =	sshrl.u32 s13, $0x2;
	s31 =	smul.u32 $0x2800, s8  }
0xe: {  	s14 =	sadd.s32 s28, s5;
	s12 =	ssub.s32 s7, s12;
	s16 =	sadd.s32 s29, s2  }
0xf: {  	s5 =	sadd.s32 $0x1B400, s14;
	s7 =	sadd.s32 s9, s15;
	s13 =	sshrl.u32 s31, $0x3  }
0x10: {  	s8 =	sadd.s32 s10, s15;
	s15 =	simm.s32 $0x6A400;
	s13 =	sadd.s32 $0x280, s13  }
0x11: {  	s11 =	smax.u32 s12, $0x1;
	s15 =	simm.s32 @!p0 $0x42C00;
	s9 =	sadd.s32 s9, s13  }
0x12: {  	s10 =	sadd.s32 s10, s13;
	s12 =	sadd.s32 s15, s14;
	s13 =	sshrl.u32 s16, $0x3  }
0x13: {  	s14 =	simm.s32 $0x3;
	s15 =	simm.s32 $0x13C00;
	s16 =	simm.s32 $0x15000  }
.LBB2_1:
0x14: {  	[spmem:s13], [sflag:s6] =	dma.local [hbm:s5], $0x2780  }
0x15: {  	_ =	swait.ge [sflag:s14], $0x2780  }
0x16: {  	[sflag:s14] =	ssyncset.done $0x0  }
0x17: {  	[sflag:s14] =	ssyncadd.s32 $0xFFFFD880  }
0x18: {  	[bflag:$0x0] =	sbarrier.arrive $0xFFFF  }
0x19: {  	[tilespmem:s15], [sflag:$0x3] =	stream.linear.gather [hbm4b:s7+s3], $0x1400, $0x38;
	[tilespmem:$0x1E400] =	vst v63  }
0x1a: {  	_ =	swait.ge [sflag:s14], $0x1400  }
0x1b: {  	[sflag:s14] =	ssyncset.done $0x0  }
0x1c: {  	[sflag:s14] =	ssyncadd.s32 $0xFFFFEC00  }
0x1d: {  	[tilespmem:s16], [sflag:$0x3] =	stream.linear.gather [hbm4b:s8+s3], $0x1400, $0x38;
	[tilespmem:$0x1E400] =	vst v63  }
0x1e: {  	_ =	swait.ge [sflag:s14], $0x1400  }
0x1f: {  	[sflag:s14] =	ssyncset.done $0x0  }
0x20: {  	[sflag:s14] =	ssyncadd.s32 $0xFFFFEC00  }
0x21: {  	[tilespmem:s18], [sflag:$0x1] =	stream.indirect.gather [hbm4b:s1+s17], $0x80, s15, s17, $0xb8;
	[tilespmem:$0x1E400] =	vst v63  }
0x22: {  	_ = 	snop  }
0x23: {  	[tilespmem:s20], [sflag:$0x2] =	stream.indirect.gather [hbm4b:s1+s17], $0x80, s19, s17, $0xb8;
	[tilespmem:$0x1E400] =	vst v63  }
0x24: {  	_ =	swait.ge [sflag:s21], $0x4000  }
0x25: {  	[sflag:s21] =	ssyncset.done $0x0  }
0x26: {  	s26 =	simm.s32 $0x15000;
	[sflag:s21] =	ssyncadd.s32 $0xFFFFC000  }
0x27: {  	[spmem:s2] =	stream.indirect.scatter.add.f32 [tilespmem:s18], [sflag:$0x3], $0x80, s26, s17, $0xb8;
	[tilespmem:$0x1E400] =	vst v63  }
0x28: {  	_ =	swait.ge [sflag:s14], $0x4000  }
0x29: {  	[sflag:s14] =	ssyncset.done $0x0  }
0x2a: {  	s30 =	simm.s32 $0x13D00;
	[sflag:s14] =	ssyncadd.s32 $0xFFFFC000  }
0x2b: {  	[tilespmem:s18], [sflag:$0x1] =	stream.indirect.gather [hbm4b:s1+s17], $0x80, s30, s17, $0xb8;
	[tilespmem:$0x1E400] =	vst v63  }
0x2c: {  	_ =	swait.ge [sflag:s22], $0x4000  }
0x2d: {  	[sflag:s22] =	ssyncset.done $0x0  }
0x2e: {  	s31 =	simm.s32 $0x15080;
	[sflag:s22] =	ssyncadd.s32 $0xFFFFC000  }
0x2f: {  	[spmem:s2] =	stream.indirect.scatter.add.f32 [tilespmem:s20], [sflag:$0x3], $0x80, s31, s17, $0xb8;
	[tilespmem:$0x1E400] =	vst v63  }
0x30: {  	_ =	swait.ge [sflag:s14], $0x4000  }
0x31: {  	[sflag:s14] =	ssyncset.done $0x0  }
0x32: {  	s28 =	simm.s32 $0x13D80;
	s26 =	simm.s32 $0x400;
	[sflag:s14] =	ssyncadd.s32 $0xFFFFC000  }
.LBB2_2:
0x33: {  	[tilespmem:s20], [sflag:$0x2] =	stream.indirect.gather [hbm4b:s1+s17], $0x80, s28, s17, $0xb8;
	[tilespmem:$0x1E400] =	vst v63  }
0x34: {  	s28 =	smov.u32 s26  }
0x35: {  	p0 =	sne.s32 s26, $0x4800;
	s26 =	sadd.s32 $0x400, s26;
	_ =	swait.ge [sflag:s21], $0x4000  }
0x36: {  	s28 =	sshra.s32 s28, $0x2;
	[sflag:s21] =	ssyncset.done $0x0  }
0x37: {  	s29 =	sadd.s32 $0x15000, s28;
	[sflag:s21] =	ssyncadd.s32 $0xFFFFC000  }
0x38: {  	[spmem:s2] =	stream.indirect.scatter.add.f32 [tilespmem:s18], [sflag:$0x3], $0x80, s29, s17, $0xb8;
	[tilespmem:$0x1E400] =	vst v63  }
0x39: {  	_ =	swait.ge [sflag:s14], $0x4000  }
0x3a: {  	[sflag:s14] =	ssyncset.done $0x0  }
0x3b: {  	s29 =	sadd.s32 $0x13D00, s28;
	[sflag:s14] =	ssyncadd.s32 $0xFFFFC000  }
0x3c: {  	[tilespmem:s18], [sflag:$0x1] =	stream.indirect.gather [hbm4b:s1+s17], $0x80, s29, s17, $0xb8;
	[tilespmem:$0x1E400] =	vst v63  }
0x3d: {  	_ =	swait.ge [sflag:s22], $0x4000  }
0x3e: {  	[sflag:s22] =	ssyncset.done $0x0  }
.Ltmp0:
0x3f: {  	s29 =	sadd.s32 $0x15080, s28;
	[sflag:s22] =	ssyncadd.s32 $0xFFFFC000;
	(pc) =	sbr.rel @p0 .LBB2_2-.Ltmp0, $4  }
0x40: {  	[spmem:s2] =	stream.indirect.scatter.add.f32 [tilespmem:s20], [sflag:$0x3], $0x80, s29, s17, $0xb8;
	[tilespmem:$0x1E400] =	vst v63  }
0x41: {  	_ =	swait.ge [sflag:s14], $0x4000  }
0x42: {  	[sflag:s14] =	ssyncset.done $0x0  }
0x43: {  	s28 =	sadd.s32 $0x13D80, s28;
	[sflag:s14] =	ssyncadd.s32 $0xFFFFC000  }
0x44: {  	[tilespmem:s20], [sflag:$0x2] =	stream.indirect.gather [hbm4b:s1+s17], $0x80, s28, s17, $0xb8;
	[tilespmem:$0x1E400] =	vst v63  }
0x45: {  	_ =	swait.ge [sflag:s21], $0x4000  }
0x46: {  	[sflag:s21] =	ssyncset.done $0x0  }
0x47: {  	[sflag:s21] =	ssyncadd.s32 $0xFFFFC000  }
0x48: {  	[spmem:s2] =	stream.indirect.scatter.add.f32 [tilespmem:s18], [sflag:$0x3], $0x80, s23, s17, $0xb8;
	[tilespmem:$0x1E400] =	vst v63  }
0x49: {  	_ =	swait.ge [sflag:s14], $0x4000  }
0x4a: {  	[sflag:s14] =	ssyncset.done $0x0  }
0x4b: {  	[sflag:s14] =	ssyncadd.s32 $0xFFFFC000  }
0x4c: {  	_ =	swait.ge [sflag:s22], $0x4000  }
0x4d: {  	[sflag:s22] =	ssyncset.done $0x0  }
0x4e: {  	[sflag:s22] =	ssyncadd.s32 $0xFFFFC000  }
0x4f: {  	[spmem:s2] =	stream.indirect.scatter.add.f32 [tilespmem:s20], [sflag:$0x3], $0x80, s24, s17, $0xb8;
	[tilespmem:$0x1E400] =	vst v63  }
0x50: {  	_ =	swait.ge [sflag:s14], $0x4000  }
0x51: {  	[sflag:s14] =	ssyncset.done $0x0  }
0x52: {  	s26 =	simm.s32 $0x0;
	[sflag:s14] =	ssyncadd.s32 $0xFFFFC000  }
0x53: {  	[tilespmem:s15], [sflag:$0x3] =	stream.linear.gather [hbm4b:s9+s26], $0x1400, $0x38;
	[tilespmem:$0x1E400] =	vst v63  }
0x54: {  	_ =	swait.ge [sflag:s14], $0x1400  }
0x55: {  	[sflag:s14] =	ssyncset.done $0x0  }
0x56: {  	[sflag:s14] =	ssyncadd.s32 $0xFFFFEC00  }
0x57: {  	[tilespmem:s16], [sflag:$0x3] =	stream.linear.gather [hbm4b:s10+s26], $0x1400, $0x38;
	[tilespmem:$0x1E400] =	vst v63  }
0x58: {  	_ =	swait.ge [sflag:s14], $0x1400  }
0x59: {  	[sflag:s14] =	ssyncset.done $0x0  }
0x5a: {  	[sflag:s14] =	ssyncadd.s32 $0xFFFFEC00  }
0x5b: {  	[tilespmem:s18], [sflag:$0x1] =	stream.indirect.gather [hbm4b:s1+s17], $0x80, s15, s17, $0xb8;
	[tilespmem:$0x1E400] =	vst v63  }
0x5c: {  	_ = 	snop  }
0x5d: {  	[tilespmem:s20], [sflag:$0x2] =	stream.indirect.gather [hbm4b:s1+s17], $0x80, s19, s17, $0xb8;
	[tilespmem:$0x1E400] =	vst v63  }
0x5e: {  	_ =	swait.ge [sflag:s21], $0x4000  }
0x5f: {  	[sflag:s21] =	ssyncset.done $0x0  }
0x60: {  	s29 =	simm.s32 $0x15000;
	[sflag:s21] =	ssyncadd.s32 $0xFFFFC000  }
0x61: {  	[spmem:s2] =	stream.indirect.scatter.add.f32 [tilespmem:s18], [sflag:$0x3], $0x80, s29, s17, $0xb8;
	[tilespmem:$0x1E400] =	vst v63  }
0x62: {  	_ =	swait.ge [sflag:s14], $0x4000  }
0x63: {  	[sflag:s14] =	ssyncset.done $0x0  }
0x64: {  	s30 =	simm.s32 $0x13D00;
	[sflag:s14] =	ssyncadd.s32 $0xFFFFC000  }
0x65: {  	[tilespmem:s18], [sflag:$0x1] =	stream.indirect.gather [hbm4b:s1+s17], $0x80, s30, s17, $0xb8;
	[tilespmem:$0x1E400] =	vst v63  }
0x66: {  	_ =	swait.ge [sflag:s22], $0x4000  }
0x67: {  	[sflag:s22] =	ssyncset.done $0x0  }
0x68: {  	s31 =	simm.s32 $0x15080;
	[sflag:s22] =	ssyncadd.s32 $0xFFFFC000  }
0x69: {  	[spmem:s2] =	stream.indirect.scatter.add.f32 [tilespmem:s20], [sflag:$0x3], $0x80, s31, s17, $0xb8;
	[tilespmem:$0x1E400] =	vst v63  }
0x6a: {  	_ =	swait.ge [sflag:s14], $0x4000  }
0x6b: {  	[sflag:s14] =	ssyncset.done $0x0  }
0x6c: {  	s28 =	simm.s32 $0x13D80;
	s26 =	simm.s32 $0x400;
	[sflag:s14] =	ssyncadd.s32 $0xFFFFC000  }
.LBB2_4:
0x6d: {  	[tilespmem:s20], [sflag:$0x2] =	stream.indirect.gather [hbm4b:s1+s17], $0x80, s28, s17, $0xb8;
	[tilespmem:$0x1E400] =	vst v63  }
0x6e: {  	s28 =	smov.u32 s26  }
0x6f: {  	p0 =	sne.s32 s26, $0x4800;
	s26 =	sadd.s32 $0x400, s26;
	_ =	swait.ge [sflag:s21], $0x4000  }
0x70: {  	s28 =	sshra.s32 s28, $0x2;
	[sflag:s21] =	ssyncset.done $0x0  }
0x71: {  	s29 =	sadd.s32 $0x15000, s28;
	[sflag:s21] =	ssyncadd.s32 $0xFFFFC000  }
0x72: {  	[spmem:s2] =	stream.indirect.scatter.add.f32 [tilespmem:s18], [sflag:$0x3], $0x80, s29, s17, $0xb8;
	[tilespmem:$0x1E400] =	vst v63  }
0x73: {  	_ =	swait.ge [sflag:s14], $0x4000  }
0x74: {  	[sflag:s14] =	ssyncset.done $0x0  }
0x75: {  	s29 =	sadd.s32 $0x13D00, s28;
	[sflag:s14] =	ssyncadd.s32 $0xFFFFC000  }
0x76: {  	[tilespmem:s18], [sflag:$0x1] =	stream.indirect.gather [hbm4b:s1+s17], $0x80, s29, s17, $0xb8;
	[tilespmem:$0x1E400] =	vst v63  }
0x77: {  	_ =	swait.ge [sflag:s22], $0x4000  }
0x78: {  	[sflag:s22] =	ssyncset.done $0x0  }
.Ltmp1:
0x79: {  	s29 =	sadd.s32 $0x15080, s28;
	[sflag:s22] =	ssyncadd.s32 $0xFFFFC000;
	(pc) =	sbr.rel @p0 .LBB2_4-.Ltmp1, $4  }
0x7a: {  	[spmem:s2] =	stream.indirect.scatter.add.f32 [tilespmem:s20], [sflag:$0x3], $0x80, s29, s17, $0xb8;
	[tilespmem:$0x1E400] =	vst v63  }
0x7b: {  	_ =	swait.ge [sflag:s14], $0x4000  }
0x7c: {  	[sflag:s14] =	ssyncset.done $0x0  }
0x7d: {  	s28 =	sadd.s32 $0x13D80, s28;
	[sflag:s14] =	ssyncadd.s32 $0xFFFFC000  }
0x7e: {  	[tilespmem:s20], [sflag:$0x2] =	stream.indirect.gather [hbm4b:s1+s17], $0x80, s28, s17, $0xb8;
	[tilespmem:$0x1E400] =	vst v63  }
0x7f: {  	_ =	swait.ge [sflag:s21], $0x4000  }
0x80: {  	[sflag:s21] =	ssyncset.done $0x0  }
0x81: {  	[sflag:s21] =	ssyncadd.s32 $0xFFFFC000  }
0x82: {  	[spmem:s2] =	stream.indirect.scatter.add.f32 [tilespmem:s18], [sflag:$0x3], $0x80, s23, s17, $0xb8;
	[tilespmem:$0x1E400] =	vst v63  }
0x83: {  	_ =	swait.ge [sflag:s14], $0x4000  }
0x84: {  	[sflag:s14] =	ssyncset.done $0x0  }
0x85: {  	[sflag:s14] =	ssyncadd.s32 $0xFFFFC000  }
0x86: {  	_ =	swait.ge [sflag:s22], $0x4000  }
0x87: {  	[sflag:s22] =	ssyncset.done $0x0  }
0x88: {  	[sflag:s22] =	ssyncadd.s32 $0xFFFFC000  }
0x89: {  	[spmem:s2] =	stream.indirect.scatter.add.f32 [tilespmem:s20], [sflag:$0x3], $0x80, s24, s17, $0xb8;
	[tilespmem:$0x1E400] =	vst v63  }
0x8a: {  	_ =	swait.ge [sflag:s14], $0x4000  }
0x8b: {  	s25 =	sadd.s32 $0x1, s25;
	[sflag:s14] =	ssyncset.done $0x0  }
0x8c: {  	p0 =	sne.s32 s25, s11;
	[sflag:s14] =	ssyncadd.s32 $0xFFFFC000  }
.Ltmp2:
0x8d: {  	[bflag:$0x0] =	sbarrier.arrive $0xFFFF;
	(pc) =	sbr.rel @p0 .LBB2_1-.Ltmp2, $4  }
0x8e: {  	[hbm:s12], [sflag:s6] =	dma.local [spmem:s13], $0x2780  }
0x8f: {  	_ =	swait.ge [sflag:s14], $0x2780  }
0x90: {  	[sflag:s14] =	ssyncset.done $0x0  }
0x91: {  	[sflag:s14] =	ssyncadd.s32 $0xFFFFD880  }
0x92: {  	_ =	sfence.sel $0x180000  }
0x93: {  	[bflag:$0x0] =	sbarrier.arrive $0xFFFF  }
0x94: {  	p0 =	sne.s32 s4, $0x0;
	_ =	strace $0x9000004D  }
0x95: {  	s0 =	sadd.s32 @!p0 $0x100000, s0;
	[bflag:$0x2] =	sbarrier.arrive $0xFFFF  }
0x96: {  	[sflag:s0] =	ssyncadd.tile.s32 @!p0 $0x1;
	_ =	shalt  }
.Lfunc_end2:
_tile_overlayer_lowered:
.L_overlay_start_2:
0x97: {  	(tag) =	ssettag $0x2  }
0x98: {  	s0 =	rddreg [dreg:$0x0];
	s2 =	stileid.u32  }
0x99: {  	s1 =	rddreg [dreg:$0x1];
	p0 =	sne.s32 s2, $0x0  }
0x9a: {  	s3 =	rddreg [dreg:$0x2];
	[bflag:$0x3] =	sbarrier.arrive $0xFFFF;
	s2 =	simm.s32 @!p0 $0x1C03  }
0x9b: {  	[timem:s3], [sflag:s2] =	dma.local @!p0 [hbm:s0], s1  }
0x9c: {  	s0 =	simm.s32 @!p0 $0x3  }
0x9d: {  	_ =	swait.ge @!p0 [sflag:s0], s1  }
0x9e: {  	s1 =	ssub.s32 @!p0 $0x0, s1;
	[sflag:s0] =	ssyncset.done @!p0 $0x0  }
0x9f: {  	[sflag:s0] =	ssyncadd.s32 @!p0 s1  }
0xa0: {  	[bflag:$0x3] =	sbarrier.arrive $0xFFFF  }
0xa1: {  	_ =	shalt  }

// kernel: kernel.9.cloned.1.call-start
scs
__scs_entry_jumppad:
0x0: {  	(pc) =	sbr.rel $0x88, $3  }
0x1: {  	(tag) =	ssettag $0x0;
	lr =	simm.s32 $0x1  }
0x2: {  	[smem:$0x3F7B] =	sst lr;
	_ =	strace $0xD0000000  }
0x3: {  	_ = 	snop  }
0x4: {  	_ = 	snop  }
0x5: {  	_ = 	snop  }
0x6: {  	_ = 	snop  }
0x7: {  	_ = 	snop  }
__scs_overlays_trampoline_lowered:
0x8: {  	[smem:$0x3F8A] =	sst s0  }
0x9: {  	[smem:$0x3F8B] =	sst s1  }
0xa: {  	[smem:$0x3F8C] =	sst s2  }
0xb: {  	[smem:$0x3F8D] =	sst s3  }
0xc: {  	[smem:$0x3F8E] =	sst s4  }
0xd: {  	[smem:$0x3F8F] =	sst s5  }
0xe: {  	[smem:$0x3F90] =	sst s6  }
0xf: {  	[smem:$0x3F91] =	sst s7  }
0x10: {  	[smem:$0x3F92] =	sst s8  }
0x11: {  	[smem:$0x3F93] =	sst s9;
	s0 =	simm.s32 @!p0 $0x0  }
0x12: {  	s1 =	sld [smem:$0x3F79];
	s0 =	simm.s32 @p0 $0x1  }
0x13: {  	[smem:$0x3F94] =	sst s0;
	s0 =	simm.s32 @!p1 $0x0  }
0x14: {  	s2 =	sld [smem:$0x3F78];
	s0 =	simm.s32 @p1 $0x1  }
0x15: {  	[smem:$0x3F95] =	sst s0;
	s0 =	simm.s32 @!p2 $0x0  }
0x16: {  	s3 =	sld [smem:$0x3FDB];
	s0 =	simm.s32 @p2 $0x1  }
0x17: {  	s4 =	simm.s32 $0x1BF5;
	[smem:$0x3F97] =	sst s0  }
0x18: {  	s0 =	sld [smem:$0x3F7A];
	_ =	swait.ge [sflag:s4], $0x0  }
0x19: {  	s7 =	sld [smem:$0x3F7B]  }
0x1a: {  	s8 =	sadd.s32 $0xFFFFE003, lr  }
0x1b: {  	s9 =	sadd.s32 $0xFFFFFEF7, lr;
	s5 =	simm.s32 $0xFFFFFFFF;
	p2 =	slt.u32 s8, $0xFFFFF086  }
0x1c: {  	p1 =	slt.u32 s9, $0xF7A;
	s5 =	simm.s32 @!p2 $0x0  }
0x1d: {  	s5 =	simm.s32 @p1 $0x1;
	p0 =	seq.s32 s7, s2  }
0x1e: {  	s7 =	smul.u32 @!p0 $0xF7A, s2;
	p2 =	seq.s32 @!p0 s5, $0x0  }
0x1f: {  	s9 =	smul.u32 $0xF7A, s1;
	s8 =	simm.s32 @!p0 $0x1BF5;
	p2 =	por !p2, p0  }
0x20: {  	[sflag:s8] =	ssyncset.s32 @!p0 $0xFFFFF086;
	s6 =	sadd.s32 @!p0 s3, s7;
	s7 =	simm.s32 @!p0 $0x108  }
0x21: {  	s3 =	sadd.s32 s3, s9;
	s6 =	sadd.s32 @!p0 $0x88, s6;
	s7 =	simm.s32 @p2 $0x1082  }
0x22: {  	[simem:s7], [sflag:s8] =	dma.local @!p0 [hbm:s6], $0xF7A  }
0x23: {  	s9 =	sor.u32 $0xD0000000, s2;
	s6 =	simm.s32 $0x108;
	_ =	swait.ge @!p0 [sflag:s8], $0x0  }
0x24: {  	s3 =	sadd.s32 $0x88, s3;
	s6 =	simm.s32 @!p1 $0x1082;
	[sflag:s4] =	ssyncset.s32 $0xFFFFF086  }
0x25: {  	[simem:s6], [sflag:s4] =	dma.local [hbm:s3], $0xF7A  }
0x26: {  	[smem:$0x3F7B] =	sst s1;
	(tag) =	ssettag s2;
	_ =	strace s9  }
0x27: {  	s1 =	sld [smem:$0x3F8B]  }
0x28: {  	s2 =	sld [smem:$0x3F8C]  }
0x29: {  	s4 =	sld [smem:$0x3F8E]  }
0x2a: {  	p0 =	seq.s32 s5, $0x0;
	s5 =	sld [smem:$0x3F8F]  }
0x2b: {  	s6 =	sld [smem:$0x3F90]  }
0x2c: {  	s7 =	sld [smem:$0x3F91]  }
0x2d: {  	s3 =	simm.s32 $0x108;
	s8 =	sld [smem:$0x3F92]  }
0x2e: {  	s3 =	simm.s32 @!p0 $0x1082;
	s9 =	sld [smem:$0x3F93]  }
0x2f: {  	lr =	sadd.s32 s0, s3;
	s0 =	sld [smem:$0x3F8A]  }
0x30: {  	s3 =	sld [smem:$0x3F8D]  }
0x31: {  	[smem:$0x3F96] =	sst s10  }
0x32: {  	s10 =	sld [smem:$0x3F94];
	_ =	sdelay $0x3  }
0x33: {  	p0 =	seq.s32 s10, $0x1;
	s10 =	sld [smem:$0x3F96];
	_ =	sdelay $0x3  }
0x34: {  	[smem:$0x3F96] =	sst s10  }
0x35: {  	s10 =	sld [smem:$0x3F95];
	_ =	sdelay $0x3  }
0x36: {  	p1 =	seq.s32 s10, $0x1;
	s10 =	sld [smem:$0x3F96];
	_ =	sdelay $0x3  }
0x37: {  	[smem:$0x3F96] =	sst s10  }
0x38: {  	s10 =	sld [smem:$0x3F97]  }
0x39: {  	_ = 	snop;
	(pc) =	sbr.ind lr, $3  }
0x3a: {  	_ = 	snop  }
0x3b: {  	_ = 	snop  }
0x3c: {  	p2 =	seq.s32 s10, $0x1;
	s10 =	sld [smem:$0x3F96]  }
0x3d: {  	_ =	shalt  }
0x3e: {  	_ =	shalt  }
0x3f: {  	_ =	shalt  }
0x40: {  	_ =	shalt  }
0x41: {  	_ =	shalt  }
0x42: {  	_ =	shalt  }
0x43: {  	_ =	shalt  }
0x44: {  	_ =	shalt  }
0x45: {  	_ =	shalt  }
0x46: {  	_ =	shalt  }
0x47: {  	_ =	shalt  }
0x48: {  	_ =	shalt  }
0x49: {  	_ =	shalt  }
0x4a: {  	_ =	shalt  }
0x4b: {  	_ =	shalt  }
0x4c: {  	_ =	shalt  }
0x4d: {  	_ =	shalt  }
0x4e: {  	_ =	shalt  }
0x4f: {  	_ =	shalt  }
0x50: {  	_ =	shalt  }
0x51: {  	_ =	shalt  }
0x52: {  	_ =	shalt  }
0x53: {  	_ =	shalt  }
0x54: {  	_ =	shalt  }
0x55: {  	_ =	shalt  }
0x56: {  	_ =	shalt  }
0x57: {  	_ =	shalt  }
0x58: {  	_ =	shalt  }
0x59: {  	_ =	shalt  }
0x5a: {  	_ =	shalt  }
0x5b: {  	_ =	shalt  }
0x5c: {  	_ =	shalt  }
0x5d: {  	_ =	shalt  }
0x5e: {  	_ =	shalt  }
0x5f: {  	_ =	shalt  }
0x60: {  	_ =	shalt  }
0x61: {  	_ =	shalt  }
0x62: {  	_ =	shalt  }
0x63: {  	_ =	shalt  }
0x64: {  	_ =	shalt  }
0x65: {  	_ =	shalt  }
0x66: {  	_ =	shalt  }
0x67: {  	_ =	shalt  }
0x68: {  	_ =	shalt  }
0x69: {  	_ =	shalt  }
0x6a: {  	_ =	shalt  }
0x6b: {  	_ =	shalt  }
0x6c: {  	_ =	shalt  }
0x6d: {  	_ =	shalt  }
0x6e: {  	_ =	shalt  }
0x6f: {  	_ =	shalt  }
0x70: {  	_ =	shalt  }
0x71: {  	_ =	shalt  }
0x72: {  	_ =	shalt  }
0x73: {  	_ =	shalt  }
0x74: {  	_ =	shalt  }
0x75: {  	_ =	shalt  }
0x76: {  	_ =	shalt  }
0x77: {  	_ =	shalt  }
0x78: {  	_ =	shalt  }
0x79: {  	_ =	shalt  }
0x7a: {  	_ =	shalt  }
0x7b: {  	_ =	shalt  }
0x7c: {  	_ =	shalt  }
0x7d: {  	_ =	shalt  }
0x7e: {  	_ =	shalt  }
0x7f: {  	_ =	shalt  }
0x80: {  	_ =	shalt  }
0x81: {  	_ =	shalt  }
0x82: {  	_ =	shalt  }
0x83: {  	_ =	shalt  }
0x84: {  	_ =	shalt  }
0x85: {  	_ =	shalt  }
0x86: {  	_ =	shalt  }
0x87: {  	_ =	shalt  }
.Lfunc_end0:
.L_simem_size_0:
called_computation_lowered:
.L_overlay_start_0:
0x88: {  	s2 =	sld [smem:$0x3FD9]  }
0x89: {  	s3 =	sld [smem:$0x3FFE];
	_ =	sdelay $0x1  }
0x8a: {  	s1 =	srdreg.scid  }
0x8b: {  	s0 =	sand.u32 $0x1, s1  }
0x8c: {  	s14 =	sshll.u32 s0, $0xA;
	s2 =	sadd.s32 s3, s2  }
0x8d: {  	s2 =	sadd.s32 s2, s14  }
0x8e: {  	[smem:$0x3FA2] =	sst s2  }
0x8f: {  	_ = 	snop  }
0x90: {  	s2 =	sld [smem:$0x3FD0];
	_ =	sdelay $0x2  }
0x91: {  	s15 =	simm.s32 $0xA;
	s4 =	simm.s32 $0x10  }
0x92: {  	[smem:s4], [sflag:s15] =	dma.local [hbm:s2], $0x1  }
0x93: {  	_ =	swait.eq [sflag:s15], $0x1  }
0x94: {  	[sflag:s15] =	ssyncset.done $0x0  }
0x95: {  	[sflag:s15] =	ssyncadd.s32 $0xFFFFFFFF  }
0x96: {  	s16 =	sld [smem:$0x10];
	(tm) =	ssettm $0x1  }
0x97: {  	s17 =	sld [smem:$0x3FFB];
	_ =	sdelay $0x3  }
0x98: {  	_ =	strace s17  }
0x99: {  	s3 =	sld [smem:$0x3FFC];
	_ =	sdelay $0x3  }
0x9a: {  	_ =	strace s3  }
0x9b: {  	s3 =	sld [smem:$0x3FFD];
	_ =	sdelay $0x3  }
0x9c: {  	_ =	strace s3  }
0x9d: {  	_ =	strace $0x8FFFFFFF  }
0x9e: {  	s18 =	sld [smem:$0x3FDB];
	_ =	sdelay $0x1  }
0x9f: {  	s19 =	simm.s32 $_scs_section_size  }
0xa0: {  	s5 =	simm.s32 $_size__tile_overlayer_lowered;
	s6 =	simm.s32 $_tile_overlayer_lowered  }
0xa1: {  	s22 =	simm.s32 $0x1BFF;
	s21 =	sshll.u32 s6, $0x1;
	s3 =	sadd.s32 s19, s18  }
0xa2: {  	s7 =	simm.s32 $0x0;
	s20 =	sshll.u32 s5, $0x1;
	s5 =	sadd.s32 s21, s3  }
0xa3: {  	[timem:s7], [sflag:s22] =	dma.local [hbm:s5], s20  }
0xa4: {  	_ =	swait.ge [sflag:s22], s20  }
0xa5: {  	s4 =	ssub.s32 $0x0, s20;
	[sflag:s22] =	ssyncset.done $0x0  }
0xa6: {  	[sflag:s22] =	ssyncadd.s32 s4;
	_ =	sdelay $0x1  }
0xa7: {  	s23 =	simm.s32 $0x1B8B  }
0xa8: {  	_ =	swait.ge [sflag:s23], $0x1  }
0xa9: {  	[sflag:s23] =	ssyncset.done $0x0  }
0xaa: {  	s25 =	simm.s32 $0x1B8E;
	s24 =	sld [smem:$0x3FFE];
	[sflag:s23] =	ssyncadd.s32 $0xFFFFFFFF  }
0xab: {  	s26 =	simm.s32 $execute0_lowered;
	[smem:$0x3FD2] =	sst s25  }
0xac: {  	s5 =	sshll.u32 s26, $0x1;
	_ =	strace $0x80000046;
	[dreg:$0x1] =	wrdreg $0xFFFFFFFF  }
0xad: {  	s28 =	simm.s32 $_size_execute0_lowered;
	s3 =	sadd.s32 s3, s5;
	[dreg:$0x0] =	wrdreg $0x0  }
0xae: {  	s5 =	sshll.u32 s28, $0x1;
	[dreg:$0x2] =	wrdreg s3  }
0xaf: {  	[dreg:$0x3] =	wrdreg s5  }
0xb0: {  	[dreg:$0x4] =	wrdreg $0xC0  }
0xb1: {  	_ =	task [dreg:s7], $0x5FFFF  }
0xb2: {  	[dreg:$0x1] =	wrdreg $0xFFFFFFFF  }
0xb3: {  	[dreg:$0x0] =	wrdreg $0x60  }
0xb4: {  	[dreg:$0x2] =	wrdreg s16  }
0xb5: {  	[dreg:$0x3] =	wrdreg s24  }
0xb6: {  	[dreg:$0x4] =	wrdreg $0x0  }
0xb7: {  	[dreg:$0x5] =	wrdreg $0x9  }
0xb8: {  	_ =	task.clear_ibuf [dreg:s7], $0x6FFFF;
	_ =	strace $0x90000046  }
0xb9: {  	s29 =	simm.s32 $0x9;
	_ =	strace $0x80000048  }
0xba: {  	_ =	swait.ge [sflag:s29], $0x1  }
0xbb: {  	[sflag:s29] =	ssyncadd.s32 $0xFFFFFFFF  }
0xbc: {  	_ =	strace $0x90000048  }
0xbd: {  	_ =	sfence  }
0xbe: {  	s30 =	sld [smem:$0x0];
	_ =	sdelay $0x2  }
0xbf: {  	s31 =	sshll.u32 s1, $0xD;
	s1 =	sshrl.u32 s1, $0x2  }
0xc0: {  	s3 =	sand.u32 $0x4000, s31;
	s1 =	sadd.s32 s1, s30  }
0xc1: {  	s0 =	sor.u32 s3, s0;
	s1 =	sshll.u32 s1, $0x11  }
0xc2: {  	s0 =	sor.u32 s1, s0  }
0xc3: {  	s0 =	sadd.s32 $0x8F2B, s0  }
0xc4: {  	[sflag:s0] =	ssyncadd.remote.s32 $0x1  }
0xc5: {  	_ =	sfence.sel $0xFFFF  }
0xc6: {  	[dreg:$0x0] =	wrdreg $0xFFFFFFFF;
	(pc) =	sbr.abs _section_cstart, $3  }
0xc7: {  	[dreg:$0x1] =	wrdreg $0xFFFFFFFF  }
0xc8: {  	_ =	task.clear_ibuf [dreg:s7], $0x2FFFF;
	_ =	strace $0x9FFFFFFF  }
0xc9: {  	(tm) =	ssettm $0x7FFFFFFF  }
tec
execute0_lowered:
.L_overlay_start_1:
0x0: {  	(tag) =	ssettag $0x1  }
0x1: {  	s1 =	rddreg [dreg:$0x0]  }
0x2: {  	s5 =	rddreg [dreg:$0x1]  }
0x3: {  	s2 =	rddreg [dreg:$0x2]  }
0x4: {  	s0 =	rddreg [dreg:$0x3];
	s3 =	simm.s32 $0x0;
	s6 =	srdreg.scid  }
0x5: {  	s4 =	stileid.u32;
	s17 =	simm.s32 $0x80;
	s18 =	simm.s32 $0x16400  }
0x6: {  	s19 =	simm.s32 $0x13C80;
	s20 =	simm.s32 $0x1A400;
	s21 =	simm.s32 $0x1  }
0x7: {  	s22 =	simm.s32 $0x2;
	s23 =	simm.s32 $0x16300;
	s24 =	simm.s32 $0x16380  }
0x8: {  	s25 =	simm.s32 $0x0;
	[smem:$0x7FF] =	sst s3;
	s9 =	sadd.s32 $0x7400, s5  }
0x9: {  	s10 =	sadd.s32 $0x11400, s5;
	s11 =	sand.u32 $0x1, s6;
	s28 =	smul.u32 $0x2780, s4  }
0xa: {  	s13 =	smul.u32 $0x4F000, s4;
	s30 =	sshll.u32 s4, $0x6;
	s8 =	sshll.u32 s11, $0x4  }
0xb: {  	_ =	strace $0x80000047;
	s7 =	ssub.s32 $0x2, s11;
	s8 =	sor.u32 s4, s8  }
0xc: {  	s6 =	sor.u32 $0x1C03, s30;
	p0 =	seq.s32 s11, $0x1;
	s15 =	smul.u32 $0x500, s8  }
0xd: {  	s12 =	sshrl.u32 s7, $0x1;
	s29 =	sshrl.u32 s13, $0x2;
	s31 =	smul.u32 $0x2800, s8  }
0xe: {  	s14 =	sadd.s32 s28, s5;
	s12 =	ssub.s32 s7, s12;
	s16 =	sadd.s32 s29, s2  }
0xf: {  	s5 =	sadd.s32 $0x1B400, s14;
	s7 =	sadd.s32 s9, s15;
	s13 =	sshrl.u32 s31, $0x3  }
0x10: {  	s8 =	sadd.s32 s10, s15;
	s15 =	simm.s32 $0x6A400;
	s13 =	sadd.s32 $0x280, s13  }
0x11: {  	s11 =	smax.u32 s12, $0x1;
	s15 =	simm.s32 @!p0 $0x42C00;
	s9 =	sadd.s32 s9, s13  }
0x12: {  	s10 =	sadd.s32 s10, s13;
	s12 =	sadd.s32 s15, s14;
	s13 =	sshrl.u32 s16, $0x3  }
0x13: {  	s14 =	simm.s32 $0x3;
	s15 =	simm.s32 $0x13C00;
	s16 =	simm.s32 $0x15000  }
.LBB2_1:
0x14: {  	[spmem:s13], [sflag:s6] =	dma.local [hbm:s5], $0x2780  }
0x15: {  	_ =	swait.ge [sflag:s14], $0x2780  }
0x16: {  	[sflag:s14] =	ssyncset.done $0x0  }
0x17: {  	[sflag:s14] =	ssyncadd.s32 $0xFFFFD880  }
0x18: {  	[bflag:$0x0] =	sbarrier.arrive $0xFFFF  }
0x19: {  	[tilespmem:s15], [sflag:$0x3] =	stream.linear.gather [hbm4b:s7+s3], $0x1400, $0x38;
	[tilespmem:$0x1E400] =	vst v63  }
0x1a: {  	_ =	swait.ge [sflag:s14], $0x1400  }
0x1b: {  	[sflag:s14] =	ssyncset.done $0x0  }
0x1c: {  	[sflag:s14] =	ssyncadd.s32 $0xFFFFEC00  }
0x1d: {  	[tilespmem:s16], [sflag:$0x3] =	stream.linear.gather [hbm4b:s8+s3], $0x1400, $0x38;
	[tilespmem:$0x1E400] =	vst v63  }
0x1e: {  	_ =	swait.ge [sflag:s14], $0x1400  }
0x1f: {  	[sflag:s14] =	ssyncset.done $0x0  }
0x20: {  	[sflag:s14] =	ssyncadd.s32 $0xFFFFEC00  }
0x21: {  	[tilespmem:s18], [sflag:$0x1] =	stream.indirect.gather [hbm4b:s1+s17], $0x80, s15, s17, $0xb8;
	[tilespmem:$0x1E400] =	vst v63  }
0x22: {  	_ = 	snop  }
0x23: {  	[tilespmem:s20], [sflag:$0x2] =	stream.indirect.gather [hbm4b:s1+s17], $0x80, s19, s17, $0xb8;
	[tilespmem:$0x1E400] =	vst v63  }
0x24: {  	_ =	swait.ge [sflag:s21], $0x4000  }
0x25: {  	[sflag:s21] =	ssyncset.done $0x0  }
0x26: {  	s26 =	simm.s32 $0x15000;
	[sflag:s21] =	ssyncadd.s32 $0xFFFFC000  }
0x27: {  	[spmem:s2] =	stream.indirect.scatter.add.f32 [tilespmem:s18], [sflag:$0x3], $0x80, s26, s17, $0xb8;
	[tilespmem:$0x1E400] =	vst v63  }
0x28: {  	_ =	swait.ge [sflag:s14], $0x4000  }
0x29: {  	[sflag:s14] =	ssyncset.done $0x0  }
0x2a: {  	s30 =	simm.s32 $0x13D00;
	[sflag:s14] =	ssyncadd.s32 $0xFFFFC000  }
0x2b: {  	[tilespmem:s18], [sflag:$0x1] =	stream.indirect.gather [hbm4b:s1+s17], $0x80, s30, s17, $0xb8;
	[tilespmem:$0x1E400] =	vst v63  }
0x2c: {  	_ =	swait.ge [sflag:s22], $0x4000  }
0x2d: {  	[sflag:s22] =	ssyncset.done $0x0  }
0x2e: {  	s31 =	simm.s32 $0x15080;
	[sflag:s22] =	ssyncadd.s32 $0xFFFFC000  }
0x2f: {  	[spmem:s2] =	stream.indirect.scatter.add.f32 [tilespmem:s20], [sflag:$0x3], $0x80, s31, s17, $0xb8;
	[tilespmem:$0x1E400] =	vst v63  }
0x30: {  	_ =	swait.ge [sflag:s14], $0x4000  }
0x31: {  	[sflag:s14] =	ssyncset.done $0x0  }
0x32: {  	s28 =	simm.s32 $0x13D80;
	s26 =	simm.s32 $0x400;
	[sflag:s14] =	ssyncadd.s32 $0xFFFFC000  }
.LBB2_2:
0x33: {  	[tilespmem:s20], [sflag:$0x2] =	stream.indirect.gather [hbm4b:s1+s17], $0x80, s28, s17, $0xb8;
	[tilespmem:$0x1E400] =	vst v63  }
0x34: {  	s28 =	smov.u32 s26  }
0x35: {  	p0 =	sne.s32 s26, $0x4800;
	s26 =	sadd.s32 $0x400, s26;
	_ =	swait.ge [sflag:s21], $0x4000  }
0x36: {  	s28 =	sshra.s32 s28, $0x2;
	[sflag:s21] =	ssyncset.done $0x0  }
0x37: {  	s29 =	sadd.s32 $0x15000, s28;
	[sflag:s21] =	ssyncadd.s32 $0xFFFFC000  }
0x38: {  	[spmem:s2] =	stream.indirect.scatter.add.f32 [tilespmem:s18], [sflag:$0x3], $0x80, s29, s17, $0xb8;
	[tilespmem:$0x1E400] =	vst v63  }
0x39: {  	_ =	swait.ge [sflag:s14], $0x4000  }
0x3a: {  	[sflag:s14] =	ssyncset.done $0x0  }
0x3b: {  	s29 =	sadd.s32 $0x13D00, s28;
	[sflag:s14] =	ssyncadd.s32 $0xFFFFC000  }
0x3c: {  	[tilespmem:s18], [sflag:$0x1] =	stream.indirect.gather [hbm4b:s1+s17], $0x80, s29, s17, $0xb8;
	[tilespmem:$0x1E400] =	vst v63  }
0x3d: {  	_ =	swait.ge [sflag:s22], $0x4000  }
0x3e: {  	[sflag:s22] =	ssyncset.done $0x0  }
.Ltmp0:
0x3f: {  	s29 =	sadd.s32 $0x15080, s28;
	[sflag:s22] =	ssyncadd.s32 $0xFFFFC000;
	(pc) =	sbr.rel @p0 .LBB2_2-.Ltmp0, $4  }
0x40: {  	[spmem:s2] =	stream.indirect.scatter.add.f32 [tilespmem:s20], [sflag:$0x3], $0x80, s29, s17, $0xb8;
	[tilespmem:$0x1E400] =	vst v63  }
0x41: {  	_ =	swait.ge [sflag:s14], $0x4000  }
0x42: {  	[sflag:s14] =	ssyncset.done $0x0  }
0x43: {  	s28 =	sadd.s32 $0x13D80, s28;
	[sflag:s14] =	ssyncadd.s32 $0xFFFFC000  }
0x44: {  	[tilespmem:s20], [sflag:$0x2] =	stream.indirect.gather [hbm4b:s1+s17], $0x80, s28, s17, $0xb8;
	[tilespmem:$0x1E400] =	vst v63  }
0x45: {  	_ =	swait.ge [sflag:s21], $0x4000  }
0x46: {  	[sflag:s21] =	ssyncset.done $0x0  }
0x47: {  	[sflag:s21] =	ssyncadd.s32 $0xFFFFC000  }
0x48: {  	[spmem:s2] =	stream.indirect.scatter.add.f32 [tilespmem:s18], [sflag:$0x3], $0x80, s23, s17, $0xb8;
	[tilespmem:$0x1E400] =	vst v63  }
0x49: {  	_ =	swait.ge [sflag:s14], $0x4000  }
0x4a: {  	[sflag:s14] =	ssyncset.done $0x0  }
0x4b: {  	[sflag:s14] =	ssyncadd.s32 $0xFFFFC000  }
0x4c: {  	_ =	swait.ge [sflag:s22], $0x4000  }
0x4d: {  	[sflag:s22] =	ssyncset.done $0x0  }
0x4e: {  	[sflag:s22] =	ssyncadd.s32 $0xFFFFC000  }
0x4f: {  	[spmem:s2] =	stream.indirect.scatter.add.f32 [tilespmem:s20], [sflag:$0x3], $0x80, s24, s17, $0xb8;
	[tilespmem:$0x1E400] =	vst v63  }
0x50: {  	_ =	swait.ge [sflag:s14], $0x4000  }
0x51: {  	[sflag:s14] =	ssyncset.done $0x0  }
0x52: {  	s26 =	simm.s32 $0x0;
	[sflag:s14] =	ssyncadd.s32 $0xFFFFC000  }
0x53: {  	[tilespmem:s15], [sflag:$0x3] =	stream.linear.gather [hbm4b:s9+s26], $0x1400, $0x38;
	[tilespmem:$0x1E400] =	vst v63  }
0x54: {  	_ =	swait.ge [sflag:s14], $0x1400  }
0x55: {  	[sflag:s14] =	ssyncset.done $0x0  }
0x56: {  	[sflag:s14] =	ssyncadd.s32 $0xFFFFEC00  }
0x57: {  	[tilespmem:s16], [sflag:$0x3] =	stream.linear.gather [hbm4b:s10+s26], $0x1400, $0x38;
	[tilespmem:$0x1E400] =	vst v63  }
0x58: {  	_ =	swait.ge [sflag:s14], $0x1400  }
0x59: {  	[sflag:s14] =	ssyncset.done $0x0  }
0x5a: {  	[sflag:s14] =	ssyncadd.s32 $0xFFFFEC00  }
0x5b: {  	[tilespmem:s18], [sflag:$0x1] =	stream.indirect.gather [hbm4b:s1+s17], $0x80, s15, s17, $0xb8;
	[tilespmem:$0x1E400] =	vst v63  }
0x5c: {  	_ = 	snop  }
0x5d: {  	[tilespmem:s20], [sflag:$0x2] =	stream.indirect.gather [hbm4b:s1+s17], $0x80, s19, s17, $0xb8;
	[tilespmem:$0x1E400] =	vst v63  }
0x5e: {  	_ =	swait.ge [sflag:s21], $0x4000  }
0x5f: {  	[sflag:s21] =	ssyncset.done $0x0  }
0x60: {  	s29 =	simm.s32 $0x15000;
	[sflag:s21] =	ssyncadd.s32 $0xFFFFC000  }
0x61: {  	[spmem:s2] =	stream.indirect.scatter.add.f32 [tilespmem:s18], [sflag:$0x3], $0x80, s29, s17, $0xb8;
	[tilespmem:$0x1E400] =	vst v63  }
0x62: {  	_ =	swait.ge [sflag:s14], $0x4000  }
0x63: {  	[sflag:s14] =	ssyncset.done $0x0  }
0x64: {  	s30 =	simm.s32 $0x13D00;
	[sflag:s14] =	ssyncadd.s32 $0xFFFFC000  }
0x65: {  	[tilespmem:s18], [sflag:$0x1] =	stream.indirect.gather [hbm4b:s1+s17], $0x80, s30, s17, $0xb8;
	[tilespmem:$0x1E400] =	vst v63  }
0x66: {  	_ =	swait.ge [sflag:s22], $0x4000  }
0x67: {  	[sflag:s22] =	ssyncset.done $0x0  }
0x68: {  	s31 =	simm.s32 $0x15080;
	[sflag:s22] =	ssyncadd.s32 $0xFFFFC000  }
0x69: {  	[spmem:s2] =	stream.indirect.scatter.add.f32 [tilespmem:s20], [sflag:$0x3], $0x80, s31, s17, $0xb8;
	[tilespmem:$0x1E400] =	vst v63  }
0x6a: {  	_ =	swait.ge [sflag:s14], $0x4000  }
0x6b: {  	[sflag:s14] =	ssyncset.done $0x0  }
0x6c: {  	s28 =	simm.s32 $0x13D80;
	s26 =	simm.s32 $0x400;
	[sflag:s14] =	ssyncadd.s32 $0xFFFFC000  }
.LBB2_4:
0x6d: {  	[tilespmem:s20], [sflag:$0x2] =	stream.indirect.gather [hbm4b:s1+s17], $0x80, s28, s17, $0xb8;
	[tilespmem:$0x1E400] =	vst v63  }
0x6e: {  	s28 =	smov.u32 s26  }
0x6f: {  	p0 =	sne.s32 s26, $0x4800;
	s26 =	sadd.s32 $0x400, s26;
	_ =	swait.ge [sflag:s21], $0x4000  }
0x70: {  	s28 =	sshra.s32 s28, $0x2;
	[sflag:s21] =	ssyncset.done $0x0  }
0x71: {  	s29 =	sadd.s32 $0x15000, s28;
	[sflag:s21] =	ssyncadd.s32 $0xFFFFC000  }
0x72: {  	[spmem:s2] =	stream.indirect.scatter.add.f32 [tilespmem:s18], [sflag:$0x3], $0x80, s29, s17, $0xb8;
	[tilespmem:$0x1E400] =	vst v63  }
0x73: {  	_ =	swait.ge [sflag:s14], $0x4000  }
0x74: {  	[sflag:s14] =	ssyncset.done $0x0  }
0x75: {  	s29 =	sadd.s32 $0x13D00, s28;
	[sflag:s14] =	ssyncadd.s32 $0xFFFFC000  }
0x76: {  	[tilespmem:s18], [sflag:$0x1] =	stream.indirect.gather [hbm4b:s1+s17], $0x80, s29, s17, $0xb8;
	[tilespmem:$0x1E400] =	vst v63  }
0x77: {  	_ =	swait.ge [sflag:s22], $0x4000  }
0x78: {  	[sflag:s22] =	ssyncset.done $0x0  }
.Ltmp1:
0x79: {  	s29 =	sadd.s32 $0x15080, s28;
	[sflag:s22] =	ssyncadd.s32 $0xFFFFC000;
	(pc) =	sbr.rel @p0 .LBB2_4-.Ltmp1, $4  }
0x7a: {  	[spmem:s2] =	stream.indirect.scatter.add.f32 [tilespmem:s20], [sflag:$0x3], $0x80, s29, s17, $0xb8;
	[tilespmem:$0x1E400] =	vst v63  }
0x7b: {  	_ =	swait.ge [sflag:s14], $0x4000  }
0x7c: {  	[sflag:s14] =	ssyncset.done $0x0  }
0x7d: {  	s28 =	sadd.s32 $0x13D80, s28;
	[sflag:s14] =	ssyncadd.s32 $0xFFFFC000  }
0x7e: {  	[tilespmem:s20], [sflag:$0x2] =	stream.indirect.gather [hbm4b:s1+s17], $0x80, s28, s17, $0xb8;
	[tilespmem:$0x1E400] =	vst v63  }
0x7f: {  	_ =	swait.ge [sflag:s21], $0x4000  }
0x80: {  	[sflag:s21] =	ssyncset.done $0x0  }
0x81: {  	[sflag:s21] =	ssyncadd.s32 $0xFFFFC000  }
0x82: {  	[spmem:s2] =	stream.indirect.scatter.add.f32 [tilespmem:s18], [sflag:$0x3], $0x80, s23, s17, $0xb8;
	[tilespmem:$0x1E400] =	vst v63  }
0x83: {  	_ =	swait.ge [sflag:s14], $0x4000  }
0x84: {  	[sflag:s14] =	ssyncset.done $0x0  }
0x85: {  	[sflag:s14] =	ssyncadd.s32 $0xFFFFC000  }
0x86: {  	_ =	swait.ge [sflag:s22], $0x4000  }
0x87: {  	[sflag:s22] =	ssyncset.done $0x0  }
0x88: {  	[sflag:s22] =	ssyncadd.s32 $0xFFFFC000  }
0x89: {  	[spmem:s2] =	stream.indirect.scatter.add.f32 [tilespmem:s20], [sflag:$0x3], $0x80, s24, s17, $0xb8;
	[tilespmem:$0x1E400] =	vst v63  }
0x8a: {  	_ =	swait.ge [sflag:s14], $0x4000  }
0x8b: {  	s25 =	sadd.s32 $0x1, s25;
	[sflag:s14] =	ssyncset.done $0x0  }
0x8c: {  	p0 =	sne.s32 s25, s11;
	[sflag:s14] =	ssyncadd.s32 $0xFFFFC000  }
.Ltmp2:
0x8d: {  	[bflag:$0x0] =	sbarrier.arrive $0xFFFF;
	(pc) =	sbr.rel @p0 .LBB2_1-.Ltmp2, $4  }
0x8e: {  	[hbm:s12], [sflag:s6] =	dma.local [spmem:s13], $0x2780  }
0x8f: {  	_ =	swait.ge [sflag:s14], $0x2780  }
0x90: {  	[sflag:s14] =	ssyncset.done $0x0  }
0x91: {  	[sflag:s14] =	ssyncadd.s32 $0xFFFFD880  }
0x92: {  	_ =	sfence.sel $0x180000  }
0x93: {  	[bflag:$0x0] =	sbarrier.arrive $0xFFFF  }
0x94: {  	p0 =	sne.s32 s4, $0x0;
	_ =	strace $0x90000047  }
0x95: {  	s0 =	sadd.s32 @!p0 $0x100000, s0;
	[bflag:$0x2] =	sbarrier.arrive $0xFFFF  }
0x96: {  	[sflag:s0] =	ssyncadd.tile.s32 @!p0 $0x1;
	_ =	shalt  }
.Lfunc_end2:
_tile_overlayer_lowered:
.L_overlay_start_2:
0x97: {  	(tag) =	ssettag $0x2  }
0x98: {  	s0 =	rddreg [dreg:$0x0];
	s2 =	stileid.u32  }
0x99: {  	s1 =	rddreg [dreg:$0x1];
	p0 =	sne.s32 s2, $0x0  }
0x9a: {  	s3 =	rddreg [dreg:$0x2];
	[bflag:$0x3] =	sbarrier.arrive $0xFFFF;
	s2 =	simm.s32 @!p0 $0x1C03  }
0x9b: {  	[timem:s3], [sflag:s2] =	dma.local @!p0 [hbm:s0], s1  }
0x9c: {  	s0 =	simm.s32 @!p0 $0x3  }
0x9d: {  	_ =	swait.ge @!p0 [sflag:s0], s1  }
0x9e: {  	s1 =	ssub.s32 @!p0 $0x0, s1;
	[sflag:s0] =	ssyncset.done @!p0 $0x0  }
0x9f: {  	[sflag:s0] =	ssyncadd.s32 @!p0 s1  }
0xa0: {  	[bflag:$0x3] =	sbarrier.arrive $0xFFFF  }
0xa1: {  	_ =	shalt  }

</sc_bundles>
